<compile_context>
chip_gen: v7x
topology: tpu7x:2x2x1
jax: 0.10.2.dev20260603
libtpu: 0.0.44.dev20260713+nightly
codegen_flags: <defaults>
</compile_context>

<pallas_src>
import jax
import jax.numpy as jnp
from jax import lax
from jax.experimental import pallas as pl
from jax.experimental.pallas import tpu as pltpu
from jax.experimental.pallas import tpu_sc as plsc

N = 10000
E = 160000
F = 256
H = 256
C = 64

NP = 10240
TRASH = 10000
EP = 163840
NCORE = 2
NTILE = 16
ROWS_PER_TILE = NP // NTILE
A_CHUNK = EP // (NCORE * NTILE)


_mesh = plsc.VectorSubcoreMesh(
    core_axis_name="c", subcore_axis_name="s",
    num_cores=NCORE, num_subcores=NTILE)



def _deg_body(r_in, c_in, r_out, deg_parts, rbuf, cbuf, degbuf):
  cid = lax.axis_index("c")
  sid = lax.axis_index("s")
  wid = sid * NCORE + cid
  off = wid * A_CHUNK
  pltpu.sync_copy(r_in.at[pl.ds(off, A_CHUNK)], rbuf)
  pltpu.sync_copy(c_in.at[pl.ds(off, A_CHUNK)], cbuf)

  zeros16 = jnp.zeros((16,), jnp.float32)
  def zbody(i, carry):
    degbuf[pl.ds(i * 16, 16)] = zeros16
    return carry
  lax.fori_loop(0, NP // 16, zbody, 0)

  ones16 = jnp.ones((16,), jnp.float32)
  def ebody(i, carry):
    rv = rbuf[pl.ds(i * 16, 16)]
    cv = cbuf[pl.ds(i * 16, 16)]
    r2 = jnp.where(rv != cv, rv, TRASH)
    plsc.addupdate_scatter(degbuf, [r2], ones16)
    rbuf[pl.ds(i * 16, 16)] = r2
    return carry
  lax.fori_loop(0, A_CHUNK // 16, ebody, 0)

  pltpu.sync_copy(rbuf, r_out.at[pl.ds(off, A_CHUNK)])
  pltpu.sync_copy(degbuf, deg_parts.at[wid])


_deg_kernel = pl.kernel(
    _deg_body,
    out_type=(jax.ShapeDtypeStruct((EP,), jnp.int32),
              jax.ShapeDtypeStruct((NCORE * NTILE, NP), jnp.float32)),
    mesh=_mesh,
    scratch_types=(pltpu.VMEM((A_CHUNK,), jnp.int32),
                   pltpu.VMEM((A_CHUNK,), jnp.int32),
                   pltpu.VMEM((NP,), jnp.float32)),
    compiler_params=pltpu.CompilerParams(needs_layout_passes=False),
)



def _make_spmm_body(ch, nbuf, nchunks):
  def _spmm_body(t0, t1, cidx, ridx, zrows, o0, o1, cbuf, rbuf, *rest):
    gbufs = rest[:nbuf]
    acc = rest[nbuf]
    sems = rest[nbuf + 1:]
    cid = lax.axis_index("c")
    sid = lax.axis_index("s")
    row0 = sid * ROWS_PER_TILE
    pltpu.sync_copy(zrows, acc.at[pl.ds(row0, ROWS_PER_TILE)])
    pltpu.sync_copy(cidx.at[sid], cbuf)
    pltpu.sync_copy(ridx.at[sid], rbuf)
    plsc.subcore_barrier()

    def run(table):
      for k in range(nbuf):
        pltpu.async_copy(table.at[cbuf.at[k]], gbufs[k], sems[k])
      def step(j, k):
        pltpu.make_async_copy(table.at[cbuf.at[j]], gbufs[k], sems[k]).wait()
        pltpu.sync_copy(gbufs[k], acc.at[rbuf.at[j]], add=True)
        @pl.when(j + nbuf < nchunks)
        def _():
          pltpu.async_copy(table.at[cbuf.at[j + nbuf]], gbufs[k], sems[k])
      def body(i, carry):
        for k in range(nbuf):
          step(i * nbuf + k, k)
        return carry
      lax.fori_loop(0, nchunks // nbuf, body, 0)
      for k in range(nchunks % nbuf):
        step((nchunks // nbuf) * nbuf + k, k)

    @pl.when(cid == 0)
    def _():
      run(t0)
    @pl.when(cid == 1)
    def _():
      run(t1)

    plsc.subcore_barrier()

    @pl.when(cid == 0)
    def _():
      pltpu.sync_copy(acc.at[pl.ds(row0, ROWS_PER_TILE)],
                      o0.at[pl.ds(row0, ROWS_PER_TILE)])
    @pl.when(cid == 1)
    def _():
      pltpu.sync_copy(acc.at[pl.ds(row0, ROWS_PER_TILE)],
                      o1.at[pl.ds(row0, ROWS_PER_TILE)])
  return _spmm_body


def _make_spmm(fw, ch, nbuf):
  nchunks = (EP // NTILE) // ch
  return pl.kernel(
      _make_spmm_body(ch, nbuf, nchunks),
      out_type=(jax.ShapeDtypeStruct((NP, fw), jnp.float32),
                jax.ShapeDtypeStruct((NP, fw), jnp.float32)),
      mesh=_mesh,
      scratch_types=(
          pltpu.VMEM((nchunks, ch), jnp.int32),
          pltpu.VMEM((nchunks, ch), jnp.int32),
          *[pltpu.VMEM((ch, fw), jnp.float32) for _ in range(nbuf)],
          pltpu.VMEM_SHARED((NP, fw), jnp.float32),
          *[pltpu.SemaphoreType.DMA for _ in range(nbuf)],
      ),
      compiler_params=pltpu.CompilerParams(use_tc_tiling_on_sc=False),
  )


CH_H = 64
CH_C = 128
_spmm_h = _make_spmm(H // 2, CH_H, 3)
_spmm_c = _make_spmm(C // 2, CH_C, 4)



BLK = 512
GRID = NP // BLK


def _mm1_body(x_ref, w_ref, deg_ref, dinv_ref, s0_ref, s1_ref):
  deg = jnp.sum(deg_ref[...], axis=0)
  dinv = jnp.where(deg > 0.0, lax.rsqrt(deg), 0.0)
  dinv_ref[...] = dinv
  s = jnp.dot(x_ref[...], w_ref[...], preferred_element_type=jnp.float32)
  s = s * dinv[:, None]
  s0_ref[...] = s[:, :H // 2]
  s1_ref[...] = s[:, H // 2:]


_mm1 = pl.pallas_call(
    _mm1_body,
    grid=(GRID,),
    in_specs=[pl.BlockSpec((BLK, F), lambda i: (i, 0)),
              pl.BlockSpec((F, H), lambda i: (0, 0)),
              pl.BlockSpec((NCORE * NTILE, BLK), lambda i: (0, i))],
    out_specs=[pl.BlockSpec((BLK,), lambda i: (i,)),
               pl.BlockSpec((BLK, H // 2), lambda i: (i, 0)),
               pl.BlockSpec((BLK, H // 2), lambda i: (i, 0))],
    out_shape=[jax.ShapeDtypeStruct((NP,), jnp.float32),
               jax.ShapeDtypeStruct((NP, H // 2), jnp.float32),
               jax.ShapeDtypeStruct((NP, H // 2), jnp.float32)],
)


def _mm2_body(t0_ref, t1_ref, dinv_ref, b1_ref, w2_ref, s0_ref, s1_ref):
  dv = dinv_ref[...]
  t = jnp.concatenate([t0_ref[...], t1_ref[...]], axis=1)
  h = jnp.maximum(t * dv[:, None] + b1_ref[...], 0.0)
  s2 = jnp.dot(h, w2_ref[...], preferred_element_type=jnp.float32)
  s2 = s2 * dv[:, None]
  s0_ref[...] = s2[:, :C // 2]
  s1_ref[...] = s2[:, C // 2:]


_mm2 = pl.pallas_call(
    _mm2_body,
    grid=(GRID,),
    in_specs=[pl.BlockSpec((BLK, H // 2), lambda i: (i, 0)),
              pl.BlockSpec((BLK, H // 2), lambda i: (i, 0)),
              pl.BlockSpec((BLK,), lambda i: (i,)),
              pl.BlockSpec((1, H), lambda i: (0, 0)),
              pl.BlockSpec((H, C), lambda i: (0, 0))],
    out_specs=[pl.BlockSpec((BLK, C // 2), lambda i: (i, 0)),
               pl.BlockSpec((BLK, C // 2), lambda i: (i, 0))],
    out_shape=[jax.ShapeDtypeStruct((NP, C // 2), jnp.float32),
               jax.ShapeDtypeStruct((NP, C // 2), jnp.float32)],
)


def _mm3_body(t0_ref, t1_ref, dinv_ref, b2_ref, o_ref):
  dv = dinv_ref[...]
  t = jnp.concatenate([t0_ref[...], t1_ref[...]], axis=1)
  o_ref[...] = t * dv[:, None] + b2_ref[...]


_mm3 = pl.pallas_call(
    _mm3_body,
    grid=(GRID,),
    in_specs=[pl.BlockSpec((BLK, C // 2), lambda i: (i, 0)),
              pl.BlockSpec((BLK, C // 2), lambda i: (i, 0)),
              pl.BlockSpec((BLK,), lambda i: (i,)),
              pl.BlockSpec((1, C), lambda i: (0, 0))],
    out_specs=pl.BlockSpec((BLK, C), lambda i: (i, 0)),
    out_shape=jax.ShapeDtypeStruct((NP, C), jnp.float32),
)



def kernel(x, adj, W1, b1, W2, b2):
  r = jnp.concatenate([adj[0], jnp.zeros((EP - E,), jnp.int32)])
  c = jnp.concatenate([adj[1], jnp.zeros((EP - E,), jnp.int32)])
  x_pad = jnp.concatenate([x, jnp.zeros((NP - N, F), x.dtype)])

  r_adj, deg_parts = _deg_kernel(r, c)
  cidx_h = c.reshape(NTILE, -1, CH_H)
  ridx_h = r_adj.reshape(NTILE, -1, CH_H)
  cidx_c = c.reshape(NTILE, -1, CH_C)
  ridx_c = r_adj.reshape(NTILE, -1, CH_C)

  dinv2d, s1a, s1b = _mm1(x_pad, W1, deg_parts)

  zh = jnp.zeros((ROWS_PER_TILE, H // 2), jnp.float32)
  t1a, t1b = _spmm_h(s1a, s1b, cidx_h, ridx_h, zh)

  s2a, s2b = _mm2(t1a, t1b, dinv2d, b1.reshape(1, H), W2)

  zc = jnp.zeros((ROWS_PER_TILE, C // 2), jnp.float32)
  t2a, t2b = _spmm_c(s2a, s2b, cidx_c, ridx_c, zc)

  out_pad = _mm3(t2a, t2b, dinv2d, b2.reshape(1, C))
  return out_pad[:N]

# --- scband reference (transcript-rebuilt; emitter-appended) ---
"""Pipeline reference for scband-my-gcn-69406671503948 (READ-ONLY COPY).

The authoritative reference and input builder live on the scoring server;
editing this copy changes nothing except your own understanding.
"""

import jax, jax.numpy as jnp
import numpy as np

N = 10000
E = 160000
F = 256
H = 256
C = 64


def setup_inputs(seed: int = 0) -> dict:
    key = jax.random.key(seed)
    ks = jax.random.split(key, 6)
    x = jax.random.normal(ks[0], (N, F), dtype=jnp.float32)
    adj = jax.random.randint(ks[1], (2, E), 0, N, dtype=jnp.int32)
    # kaiming-uniform-ish init for weights
    b1_bound = float(np.sqrt(6.0 / F))
    W1 = jax.random.uniform(ks[2], (F, H), dtype=jnp.float32, minval=-b1_bound, maxval=b1_bound)
    b1 = jnp.zeros((H,), dtype=jnp.float32)
    b2_bound = float(np.sqrt(6.0 / H))
    W2 = jax.random.uniform(ks[3], (H, C), dtype=jnp.float32, minval=-b2_bound, maxval=b2_bound)
    b2 = jnp.zeros((C,), dtype=jnp.float32)
    return {"x": x, "adj": adj, "W1": W1, "b1": b1, "W2": W2, "b2": b2}


def _normalized_adj(adj):
    # sparse_coo_tensor(ones) -> to_dense sums duplicate edges
    A = jnp.zeros((N, N), dtype=jnp.float32).at[adj[0], adj[1]].add(1.0)
    # add_self_loops=False -> fill_diagonal_(0)
    idx = jnp.arange(N)
    A = A.at[idx, idx].set(0.0)
    # symmetric Laplacian normalization D^{-1/2} A D^{-1/2}
    deg = A.sum(axis=1)
    deg_inv_sqrt = jnp.where(deg > 0, deg ** -0.5, 0.0)
    A = deg_inv_sqrt[:, None] * A * deg_inv_sqrt[None, :]
    return A


def reference(x, adj, W1, b1, W2, b2):
    # eval mode: dropout is identity; dropedge disabled (p=0); pairnorm disabled
    A = _normalized_adj(adj)
    support = x @ W1
    h = A @ support + b1
    h = jax.nn.relu(h)
    support2 = h @ W2
    out = A @ support2 + b2
    return out

if __name__ == "__main__":
    import jax
    _d = setup_inputs()
    print(jax.jit(kernel)(*tuple(_d.values())))

</pallas_src>

<mosaic_0001>
#map = affine_map<(d0, d1) -> (0)>
#map1 = affine_map<(d0, d1) -> (0, 0)>
module attributes {stable_mosaic.version = 14 : i64} {
  func.func @_deg_body(%arg0: i32, %arg1: i32, %arg2: memref<163840xi32, #tpu.memory_space<hbm>>, %arg3: memref<163840xi32, #tpu.memory_space<hbm>>, %arg4: memref<163840xi32, #tpu.memory_space<hbm>>, %arg5: memref<32x10240xf32, #tpu.memory_space<hbm>>, %arg6: memref<5120xi32, #tpu.memory_space<vmem>>, %arg7: memref<5120xi32, #tpu.memory_space<vmem>>, %arg8: memref<10240xf32, #tpu.memory_space<vmem>>) attributes {dimension_semantics = [#tpu.dimension_semantics<core_parallel>, #tpu.dimension_semantics<subcore_parallel>], iteration_bounds = array<i64: 2, 16>, scalar_prefetch = 0 : i64, scratch_operands = 3 : i64, tpu.core_type = #tpu.core_type<sc_vector_subcore>, window_params = [{transform_indices = #map}, {transform_indices = #map}, {transform_indices = #map}, {transform_indices = #map1}]} {
    %mul3A = arith.constant 2 : i32
    %mul3A_0 = arith.muli %arg1, %mul3A : i32
    %add3A = arith.addi %mul3A_0, %arg0 : i32
    %mul3A_1 = arith.constant 5120 : i32
    %mul3A_2 = arith.muli %add3A, %mul3A_1 : i32
    "tpu.region"() ({
      %run_scoped3A = tpu.sem_alloc : memref<!tpu.dma_semaphore, #tpu.memory_space<semaphore_mem>>
      %dma_start3A = tpu.memref_slice %arg2[%mul3A_2] : memref<163840xi32, #tpu.memory_space<hbm>> -> memref<5120xi32, #tpu.memory_space<hbm>>
      %dma_start3A_17 = tpu.memref_slice %arg2[%mul3A_2] : memref<163840xi32, #tpu.memory_space<hbm>> -> memref<5120xi32, #tpu.memory_space<hbm>>
      tpu.enqueue_dma source(%dma_start3A_17 : memref<5120xi32, #tpu.memory_space<hbm>>) target(%arg6 : memref<5120xi32, #tpu.memory_space<vmem>>) target_semaphore(%run_scoped3A : memref<!tpu.dma_semaphore, #tpu.memory_space<semaphore_mem>>)
      %dma_wait3A = tpu.memref_slice %arg2[%mul3A_2] : memref<163840xi32, #tpu.memory_space<hbm>> -> memref<5120xi32, #tpu.memory_space<hbm>>
      %dma_wait3A_18 = tpu.memref_slice %arg2[%mul3A_2] : memref<163840xi32, #tpu.memory_space<hbm>> -> memref<5120xi32, #tpu.memory_space<hbm>>
      tpu.wait_dma2 semaphore(%run_scoped3A : memref<!tpu.dma_semaphore, #tpu.memory_space<semaphore_mem>>) src(%dma_wait3A_18 : memref<5120xi32, #tpu.memory_space<hbm>>) dst(%arg6 : memref<5120xi32, #tpu.memory_space<vmem>>)
      tpu.yield
    }) : () -> ()
    "tpu.region"() ({
      %run_scoped3A = tpu.sem_alloc : memref<!tpu.dma_semaphore, #tpu.memory_space<semaphore_mem>>
      %dma_start3A = tpu.memref_slice %arg3[%mul3A_2] : memref<163840xi32, #tpu.memory_space<hbm>> -> memref<5120xi32, #tpu.memory_space<hbm>>
      %dma_start3A_17 = tpu.memref_slice %arg3[%mul3A_2] : memref<163840xi32, #tpu.memory_space<hbm>> -> memref<5120xi32, #tpu.memory_space<hbm>>
      tpu.enqueue_dma source(%dma_start3A_17 : memref<5120xi32, #tpu.memory_space<hbm>>) target(%arg7 : memref<5120xi32, #tpu.memory_space<vmem>>) target_semaphore(%run_scoped3A : memref<!tpu.dma_semaphore, #tpu.memory_space<semaphore_mem>>)
      %dma_wait3A = tpu.memref_slice %arg3[%mul3A_2] : memref<163840xi32, #tpu.memory_space<hbm>> -> memref<5120xi32, #tpu.memory_space<hbm>>
      %dma_wait3A_18 = tpu.memref_slice %arg3[%mul3A_2] : memref<163840xi32, #tpu.memory_space<hbm>> -> memref<5120xi32, #tpu.memory_space<hbm>>
      tpu.wait_dma2 semaphore(%run_scoped3A : memref<!tpu.dma_semaphore, #tpu.memory_space<semaphore_mem>>) src(%dma_wait3A_18 : memref<5120xi32, #tpu.memory_space<hbm>>) dst(%arg7 : memref<5120xi32, #tpu.memory_space<vmem>>)
      tpu.yield
    }) : () -> ()
    %broadcast_in_dim3A = arith.constant 0.000000e+00 : f32
    %broadcast_in_dim3A_3 = vector.broadcast %broadcast_in_dim3A : f32 to vector<16xf32>
    %scan3A = arith.constant 0 : i32
    %scan3A_4 = arith.constant 0 : i32
    %scan3A_5 = arith.constant 640 : i32
    %scan3A_6 = arith.addi %scan3A_4, %scan3A_5 : i32
    %scan3A_7 = arith.constant 1 : i32
    scf.for %scan3A_17 = %scan3A_4 to %scan3A_6 step %scan3A_7  : i32 {
      %mul3A_18 = arith.constant 16 : i32
      %mul3A_19 = arith.muli %scan3A_17, %mul3A_18 : i32
      %swap3A = arith.index_cast %mul3A_19 : i32 to index
      %swap3A_20 = tpu.vector_load %arg8[%swap3A] {strides = array<i32>} : memref<10240xf32, #tpu.memory_space<vmem>>, vector<16xf32>,
      tpu.vector_store %arg8[%swap3A], %broadcast_in_dim3A_3 {strides = array<i32>} : memref<10240xf32, #tpu.memory_space<vmem>>, vector<16xf32>,
    }
    %scan3A_8 = arith.constant 640 : i32
    %broadcast_in_dim3A_9 = arith.constant 1.000000e+00 : f32
    %broadcast_in_dim3A_10 = vector.broadcast %broadcast_in_dim3A_9 : f32 to vector<16xf32>
    %scan3A_11 = arith.constant 0 : i32
    %scan3A_12 = arith.constant 0 : i32
    %scan3A_13 = arith.constant 320 : i32
    %scan3A_14 = arith.addi %scan3A_12, %scan3A_13 : i32
    %scan3A_15 = arith.constant 1 : i32
    scf.for %scan3A_17 = %scan3A_12 to %scan3A_14 step %scan3A_15  : i32 {
      %mul3A_18 = arith.constant 16 : i32
      %mul3A_19 = arith.muli %scan3A_17, %mul3A_18 : i32
      %get3A = arith.index_cast %mul3A_19 : i32 to index
      %get3A_20 = tpu.vector_load %arg6[%get3A] {strides = array<i32>} : memref<5120xi32, #tpu.memory_space<vmem>>, vector<16xi32>,
      %mul3A_21 = arith.constant 16 : i32
      %mul3A_22 = arith.muli %scan3A_17, %mul3A_21 : i32
      %get3A_23 = arith.index_cast %mul3A_22 : i32 to index
      %get3A_24 = tpu.vector_load %arg7[%get3A_23] {strides = array<i32>} : memref<5120xi32, #tpu.memory_space<vmem>>, vector<16xi32>,
      %ne3A = arith.cmpi ne, %get3A_20, %get3A_24 : vector<16xi32>
      %jit3A = arith.constant 10000 : i32
      %broadcast_in_dim3A_25 = vector.broadcast %jit3A : i32 to vector<16xi32>
      %select_n3A = arith.select %ne3A, %get3A_20, %broadcast_in_dim3A_25 : vector<16xi1>, vector<16xi32>
      tpu.vector_store_idx %arg8[%select_n3A], %broadcast_in_dim3A_10 {add = true} : memref<10240xf32, #tpu.memory_space<vmem>>[vector<16xi32>], vector<16xf32>,
      %mul3A_26 = arith.constant 16 : i32
      %mul3A_27 = arith.muli %scan3A_17, %mul3A_26 : i32
      %swap3A = arith.index_cast %mul3A_27 : i32 to index
      %swap3A_28 = tpu.vector_load %arg6[%swap3A] {strides = array<i32>} : memref<5120xi32, #tpu.memory_space<vmem>>, vector<16xi32>,
      tpu.vector_store %arg6[%swap3A], %select_n3A {strides = array<i32>} : memref<5120xi32, #tpu.memory_space<vmem>>, vector<16xi32>,
    }
    %scan3A_16 = arith.constant 320 : i32
    "tpu.region"() ({
      %run_scoped3A = tpu.sem_alloc : memref<!tpu.dma_semaphore, #tpu.memory_space<semaphore_mem>>
      %dma_start3A = tpu.memref_slice %arg4[%mul3A_2] : memref<163840xi32, #tpu.memory_space<hbm>> -> memref<5120xi32, #tpu.memory_space<hbm>>
      %dma_start3A_17 = tpu.memref_slice %arg4[%mul3A_2] : memref<163840xi32, #tpu.memory_space<hbm>> -> memref<5120xi32, #tpu.memory_space<hbm>>
      tpu.enqueue_dma source(%arg6 : memref<5120xi32, #tpu.memory_space<vmem>>) target(%dma_start3A_17 : memref<5120xi32, #tpu.memory_space<hbm>>) target_semaphore(%run_scoped3A : memref<!tpu.dma_semaphore, #tpu.memory_space<semaphore_mem>>)
      %dma_wait3A = tpu.memref_slice %arg4[%mul3A_2] : memref<163840xi32, #tpu.memory_space<hbm>> -> memref<5120xi32, #tpu.memory_space<hbm>>
      %dma_wait3A_18 = tpu.memref_slice %arg4[%mul3A_2] : memref<163840xi32, #tpu.memory_space<hbm>> -> memref<5120xi32, #tpu.memory_space<hbm>>
      tpu.wait_dma2 semaphore(%run_scoped3A : memref<!tpu.dma_semaphore, #tpu.memory_space<semaphore_mem>>) src(%arg6 : memref<5120xi32, #tpu.memory_space<vmem>>) dst(%dma_wait3A_18 : memref<5120xi32, #tpu.memory_space<hbm>>)
      tpu.yield
    }) : () -> ()
    "tpu.region"() ({
      %run_scoped3A = tpu.sem_alloc : memref<!tpu.dma_semaphore, #tpu.memory_space<semaphore_mem>>
      %dma_start3A = arith.constant 0 : i32
      %dma_start3A_17 = tpu.memref_slice %arg5[%add3A, %dma_start3A] : memref<32x10240xf32, #tpu.memory_space<hbm>> -> memref<1x10240xf32, #tpu.memory_space<hbm>>
      %dma_start3A_18 = tpu.memref_squeeze %dma_start3A_17 : memref<1x10240xf32, #tpu.memory_space<hbm>> -> memref<10240xf32, #tpu.memory_space<hbm>>
      %dma_start3A_19 = arith.constant 0 : i32
      %dma_start3A_20 = tpu.memref_slice %arg5[%add3A, %dma_start3A_19] : memref<32x10240xf32, #tpu.memory_space<hbm>> -> memref<1x10240xf32, #tpu.memory_space<hbm>>
      %dma_start3A_21 = tpu.memref_squeeze %dma_start3A_20 : memref<1x10240xf32, #tpu.memory_space<hbm>> -> memref<10240xf32, #tpu.memory_space<hbm>>
      tpu.enqueue_dma source(%arg8 : memref<10240xf32, #tpu.memory_space<vmem>>) target(%dma_start3A_21 : memref<10240xf32, #tpu.memory_space<hbm>>) target_semaphore(%run_scoped3A : memref<!tpu.dma_semaphore, #tpu.memory_space<semaphore_mem>>)
      %dma_wait3A = arith.constant 0 : i32
      %dma_wait3A_22 = tpu.memref_slice %arg5[%add3A, %dma_wait3A] : memref<32x10240xf32, #tpu.memory_space<hbm>> -> memref<1x10240xf32, #tpu.memory_space<hbm>>
      %dma_wait3A_23 = tpu.memref_squeeze %dma_wait3A_22 : memref<1x10240xf32, #tpu.memory_space<hbm>> -> memref<10240xf32, #tpu.memory_space<hbm>>
      %dma_wait3A_24 = arith.constant 0 : i32
      %dma_wait3A_25 = tpu.memref_slice %arg5[%add3A, %dma_wait3A_24] : memref<32x10240xf32, #tpu.memory_space<hbm>> -> memref<1x10240xf32, #tpu.memory_space<hbm>>
      %dma_wait3A_26 = tpu.memref_squeeze %dma_wait3A_25 : memref<1x10240xf32, #tpu.memory_space<hbm>> -> memref<10240xf32, #tpu.memory_space<hbm>>
      tpu.wait_dma2 semaphore(%run_scoped3A : memref<!tpu.dma_semaphore, #tpu.memory_space<semaphore_mem>>) src(%arg8 : memref<10240xf32, #tpu.memory_space<vmem>>) dst(%dma_wait3A_26 : memref<10240xf32, #tpu.memory_space<hbm>>)
      tpu.yield
    }) : () -> ()
    return
  }
}

#map = affine_map<(d0, d1) -> (0, 0)>
#map1 = affine_map<(d0, d1) -> (0, 0, 0)>
module attributes {stable_mosaic.version = 14 : i64} {
  func.func @_spmm_body(%arg0: i32, %arg1: i32, %arg2: memref<10240x32xf32, #tpu.memory_space<hbm>>, %arg3: memref<10240x32xf32, #tpu.memory_space<hbm>>, %arg4: memref<16x80x128xi32, #tpu.memory_space<hbm>>, %arg5: memref<16x80x128xi32, #tpu.memory_space<hbm>>, %arg6: memref<640x32xf32, #tpu.memory_space<hbm>>, %arg7: memref<10240x32xf32, #tpu.memory_space<hbm>>, %arg8: memref<10240x32xf32, #tpu.memory_space<hbm>>, %arg9: memref<80x128xi32, #tpu.memory_space<vmem>>, %arg10: memref<80x128xi32, #tpu.memory_space<vmem>>, %arg11: memref<128x32xf32, #tpu.memory_space<vmem>>, %arg12: memref<128x32xf32, #tpu.memory_space<vmem>>, %arg13: memref<128x32xf32, #tpu.memory_space<vmem>>, %arg14: memref<128x32xf32, #tpu.memory_space<vmem>>, %arg15: memref<10240x32xf32, #tpu.memory_space<vmem_shared>>, %arg16: memref<!tpu.dma_semaphore, #tpu.memory_space<semaphore_mem>>, %arg17: memref<!tpu.dma_semaphore, #tpu.memory_space<semaphore_mem>>, %arg18: memref<!tpu.dma_semaphore, #tpu.memory_space<semaphore_mem>>, %arg19: memref<!tpu.dma_semaphore, #tpu.memory_space<semaphore_mem>>) attributes {dimension_semantics = [#tpu.dimension_semantics<core_parallel>, #tpu.dimension_semantics<subcore_parallel>], iteration_bounds = array<i64: 2, 16>, scalar_prefetch = 0 : i64, scratch_operands = 11 : i64, tpu.core_type = #tpu.core_type<sc_vector_subcore>, window_params = [{transform_indices = #map}, {transform_indices = #map}, {transform_indices = #map1}, {transform_indices = #map1}, {transform_indices = #map}, {transform_indices = #map}, {transform_indices = #map}]} {
    %mul3A = arith.constant 640 : i32
    %mul3A_0 = arith.muli %arg1, %mul3A : i32
    "tpu.region"() ({
      %run_scoped3A = tpu.sem_alloc : memref<!tpu.dma_semaphore, #tpu.memory_space<semaphore_mem>>
      %dma_start3A = arith.constant 0 : i32
      %dma_start3A_19 = tpu.memref_slice %arg15[%mul3A_0, %dma_start3A] : memref<10240x32xf32, #tpu.memory_space<vmem_shared>> -> memref<640x32xf32, #tpu.memory_space<vmem_shared>>
      tpu.enqueue_dma source(%arg6 : memref<640x32xf32, #tpu.memory_space<hbm>>) target(%dma_start3A_19 : memref<640x32xf32, #tpu.memory_space<vmem_shared>>) target_semaphore(%run_scoped3A : memref<!tpu.dma_semaphore, #tpu.memory_space<semaphore_mem>>)
      %dma_wait3A = arith.constant 0 : i32
      %dma_wait3A_20 = tpu.memref_slice %arg15[%mul3A_0, %dma_wait3A] : memref<10240x32xf32, #tpu.memory_space<vmem_shared>> -> memref<640x32xf32, #tpu.memory_space<vmem_shared>>
      tpu.wait_dma2 semaphore(%run_scoped3A : memref<!tpu.dma_semaphore, #tpu.memory_space<semaphore_mem>>) src(%arg6 : memref<640x32xf32, #tpu.memory_space<hbm>>) dst(%dma_wait3A_20 : memref<640x32xf32, #tpu.memory_space<vmem_shared>>)
      tpu.yield
    }) : () -> ()
    "tpu.region"() ({
      %run_scoped3A = tpu.sem_alloc : memref<!tpu.dma_semaphore, #tpu.memory_space<semaphore_mem>>
      %dma_start3A = arith.constant 0 : i32
      %dma_start3A_19 = arith.constant 0 : i32
      %dma_start3A_20 = tpu.memref_slice %arg4[%arg1, %dma_start3A, %dma_start3A_19] : memref<16x80x128xi32, #tpu.memory_space<hbm>> -> memref<1x80x128xi32, #tpu.memory_space<hbm>>
      %dma_start3A_21 = tpu.memref_squeeze %dma_start3A_20 : memref<1x80x128xi32, #tpu.memory_space<hbm>> -> memref<80x128xi32, #tpu.memory_space<hbm>>
      %dma_start3A_22 = arith.constant 0 : i32
      %dma_start3A_23 = arith.constant 0 : i32
      %dma_start3A_24 = tpu.memref_slice %arg4[%arg1, %dma_start3A_22, %dma_start3A_23] : memref<16x80x128xi32, #tpu.memory_space<hbm>> -> memref<1x80x128xi32, #tpu.memory_space<hbm>>
      %dma_start3A_25 = tpu.memref_squeeze %dma_start3A_24 : memref<1x80x128xi32, #tpu.memory_space<hbm>> -> memref<80x128xi32, #tpu.memory_space<hbm>>
      tpu.enqueue_dma source(%dma_start3A_25 : memref<80x128xi32, #tpu.memory_space<hbm>>) target(%arg9 : memref<80x128xi32, #tpu.memory_space<vmem>>) target_semaphore(%run_scoped3A : memref<!tpu.dma_semaphore, #tpu.memory_space<semaphore_mem>>)
      %dma_wait3A = arith.constant 0 : i32
      %dma_wait3A_26 = arith.constant 0 : i32
      %dma_wait3A_27 = tpu.memref_slice %arg4[%arg1, %dma_wait3A, %dma_wait3A_26] : memref<16x80x128xi32, #tpu.memory_space<hbm>> -> memref<1x80x128xi32, #tpu.memory_space<hbm>>
      %dma_wait3A_28 = tpu.memref_squeeze %dma_wait3A_27 : memref<1x80x128xi32, #tpu.memory_space<hbm>> -> memref<80x128xi32, #tpu.memory_space<hbm>>
      %dma_wait3A_29 = arith.constant 0 : i32
      %dma_wait3A_30 = arith.constant 0 : i32
      %dma_wait3A_31 = tpu.memref_slice %arg4[%arg1, %dma_wait3A_29, %dma_wait3A_30] : memref<16x80x128xi32, #tpu.memory_space<hbm>> -> memref<1x80x128xi32, #tpu.memory_space<hbm>>
      %dma_wait3A_32 = tpu.memref_squeeze %dma_wait3A_31 : memref<1x80x128xi32, #tpu.memory_space<hbm>> -> memref<80x128xi32, #tpu.memory_space<hbm>>
      tpu.wait_dma2 semaphore(%run_scoped3A : memref<!tpu.dma_semaphore, #tpu.memory_space<semaphore_mem>>) src(%dma_wait3A_32 : memref<80x128xi32, #tpu.memory_space<hbm>>) dst(%arg9 : memref<80x128xi32, #tpu.memory_space<vmem>>)
      tpu.yield
    }) : () -> ()
    "tpu.region"() ({
      %run_scoped3A = tpu.sem_alloc : memref<!tpu.dma_semaphore, #tpu.memory_space<semaphore_mem>>
      %dma_start3A = arith.constant 0 : i32
      %dma_start3A_19 = arith.constant 0 : i32
      %dma_start3A_20 = tpu.memref_slice %arg5[%arg1, %dma_start3A, %dma_start3A_19] : memref<16x80x128xi32, #tpu.memory_space<hbm>> -> memref<1x80x128xi32, #tpu.memory_space<hbm>>
      %dma_start3A_21 = tpu.memref_squeeze %dma_start3A_20 : memref<1x80x128xi32, #tpu.memory_space<hbm>> -> memref<80x128xi32, #tpu.memory_space<hbm>>
      %dma_start3A_22 = arith.constant 0 : i32
      %dma_start3A_23 = arith.constant 0 : i32
      %dma_start3A_24 = tpu.memref_slice %arg5[%arg1, %dma_start3A_22, %dma_start3A_23] : memref<16x80x128xi32, #tpu.memory_space<hbm>> -> memref<1x80x128xi32, #tpu.memory_space<hbm>>
      %dma_start3A_25 = tpu.memref_squeeze %dma_start3A_24 : memref<1x80x128xi32, #tpu.memory_space<hbm>> -> memref<80x128xi32, #tpu.memory_space<hbm>>
      tpu.enqueue_dma source(%dma_start3A_25 : memref<80x128xi32, #tpu.memory_space<hbm>>) target(%arg10 : memref<80x128xi32, #tpu.memory_space<vmem>>) target_semaphore(%run_scoped3A : memref<!tpu.dma_semaphore, #tpu.memory_space<semaphore_mem>>)
      %dma_wait3A = arith.constant 0 : i32
      %dma_wait3A_26 = arith.constant 0 : i32
      %dma_wait3A_27 = tpu.memref_slice %arg5[%arg1, %dma_wait3A, %dma_wait3A_26] : memref<16x80x128xi32, #tpu.memory_space<hbm>> -> memref<1x80x128xi32, #tpu.memory_space<hbm>>
      %dma_wait3A_28 = tpu.memref_squeeze %dma_wait3A_27 : memref<1x80x128xi32, #tpu.memory_space<hbm>> -> memref<80x128xi32, #tpu.memory_space<hbm>>
      %dma_wait3A_29 = arith.constant 0 : i32
      %dma_wait3A_30 = arith.constant 0 : i32
      %dma_wait3A_31 = tpu.memref_slice %arg5[%arg1, %dma_wait3A_29, %dma_wait3A_30] : memref<16x80x128xi32, #tpu.memory_space<hbm>> -> memref<1x80x128xi32, #tpu.memory_space<hbm>>
      %dma_wait3A_32 = tpu.memref_squeeze %dma_wait3A_31 : memref<1x80x128xi32, #tpu.memory_space<hbm>> -> memref<80x128xi32, #tpu.memory_space<hbm>>
      tpu.wait_dma2 semaphore(%run_scoped3A : memref<!tpu.dma_semaphore, #tpu.memory_space<semaphore_mem>>) src(%dma_wait3A_32 : memref<80x128xi32, #tpu.memory_space<hbm>>) dst(%arg10 : memref<80x128xi32, #tpu.memory_space<vmem>>)
      tpu.yield
    }) : () -> ()
    %barrier3A = arith.constant 0 : index
    tpu.barrier barrier_id(%barrier3A)
    %eq3A = arith.constant 0 : i32
    %eq3A_1 = arith.cmpi eq, %arg0, %eq3A : i32
    %convert_element_type3A = arith.extui %eq3A_1 : i1 to i32
    %cond3A = arith.constant 0 : i32
    %cond3A_2 = arith.cmpi ne, %convert_element_type3A, %cond3A : i32
    scf.if %cond3A_2 {
      %dma_start3A = arith.constant 0 : i32
      %dma_start3A_19 = arith.constant 0 : i32
      %dma_start3A_20 = tpu.memref_slice %arg9[%dma_start3A, %dma_start3A_19] : memref<80x128xi32, #tpu.memory_space<vmem>> -> memref<1x128xi32, #tpu.memory_space<vmem>>
      %dma_start3A_21 = tpu.memref_squeeze %dma_start3A_20 : memref<1x128xi32, #tpu.memory_space<vmem>> -> memref<128xi32, #tpu.memory_space<vmem>>
      %dma_start3A_22 = arith.constant 0 : i32
      %dma_start3A_23 = arith.constant 0 : i32
      %dma_start3A_24 = tpu.memref_slice %arg2[%dma_start3A_22, %dma_start3A_23] : memref<10240x32xf32, #tpu.memory_space<hbm>> -> memref<10240x32xf32, #tpu.memory_space<hbm>>
      tpu.enqueue_indirect_dma source(%dma_start3A_24 : memref<10240x32xf32, #tpu.memory_space<hbm>>) target(%arg11 : memref<128x32xf32, #tpu.memory_space<vmem>>) offsets(%dma_start3A_21 : memref<128xi32, #tpu.memory_space<vmem>>) semaphore(%arg16 : memref<!tpu.dma_semaphore, #tpu.memory_space<semaphore_mem>>)
      %dma_start3A_25 = arith.constant 1 : i32
      %dma_start3A_26 = arith.constant 0 : i32
      %dma_start3A_27 = tpu.memref_slice %arg9[%dma_start3A_25, %dma_start3A_26] : memref<80x128xi32, #tpu.memory_space<vmem>> -> memref<1x128xi32, #tpu.memory_space<vmem>>
      %dma_start3A_28 = tpu.memref_squeeze %dma_start3A_27 : memref<1x128xi32, #tpu.memory_space<vmem>> -> memref<128xi32, #tpu.memory_space<vmem>>
      %dma_start3A_29 = arith.constant 0 : i32
      %dma_start3A_30 = arith.constant 0 : i32
      %dma_start3A_31 = tpu.memref_slice %arg2[%dma_start3A_29, %dma_start3A_30] : memref<10240x32xf32, #tpu.memory_space<hbm>> -> memref<10240x32xf32, #tpu.memory_space<hbm>>
      tpu.enqueue_indirect_dma source(%dma_start3A_31 : memref<10240x32xf32, #tpu.memory_space<hbm>>) target(%arg12 : memref<128x32xf32, #tpu.memory_space<vmem>>) offsets(%dma_start3A_28 : memref<128xi32, #tpu.memory_space<vmem>>) semaphore(%arg17 : memref<!tpu.dma_semaphore, #tpu.memory_space<semaphore_mem>>)
      %dma_start3A_32 = arith.constant 2 : i32
      %dma_start3A_33 = arith.constant 0 : i32
      %dma_start3A_34 = tpu.memref_slice %arg9[%dma_start3A_32, %dma_start3A_33] : memref<80x128xi32, #tpu.memory_space<vmem>> -> memref<1x128xi32, #tpu.memory_space<vmem>>
      %dma_start3A_35 = tpu.memref_squeeze %dma_start3A_34 : memref<1x128xi32, #tpu.memory_space<vmem>> -> memref<128xi32, #tpu.memory_space<vmem>>
      %dma_start3A_36 = arith.constant 0 : i32
      %dma_start3A_37 = arith.constant 0 : i32
      %dma_start3A_38 = tpu.memref_slice %arg2[%dma_start3A_36, %dma_start3A_37] : memref<10240x32xf32, #tpu.memory_space<hbm>> -> memref<10240x32xf32, #tpu.memory_space<hbm>>
      tpu.enqueue_indirect_dma source(%dma_start3A_38 : memref<10240x32xf32, #tpu.memory_space<hbm>>) target(%arg13 : memref<128x32xf32, #tpu.memory_space<vmem>>) offsets(%dma_start3A_35 : memref<128xi32, #tpu.memory_space<vmem>>) semaphore(%arg18 : memref<!tpu.dma_semaphore, #tpu.memory_space<semaphore_mem>>)
      %dma_start3A_39 = arith.constant 3 : i32
      %dma_start3A_40 = arith.constant 0 : i32
      %dma_start3A_41 = tpu.memref_slice %arg9[%dma_start3A_39, %dma_start3A_40] : memref<80x128xi32, #tpu.memory_space<vmem>> -> memref<1x128xi32, #tpu.memory_space<vmem>>
      %dma_start3A_42 = tpu.memref_squeeze %dma_start3A_41 : memref<1x128xi32, #tpu.memory_space<vmem>> -> memref<128xi32, #tpu.memory_space<vmem>>
      %dma_start3A_43 = arith.constant 0 : i32
      %dma_start3A_44 = arith.constant 0 : i32
      %dma_start3A_45 = tpu.memref_slice %arg2[%dma_start3A_43, %dma_start3A_44] : memref<10240x32xf32, #tpu.memory_space<hbm>> -> memref<10240x32xf32, #tpu.memory_space<hbm>>
      tpu.enqueue_indirect_dma source(%dma_start3A_45 : memref<10240x32xf32, #tpu.memory_space<hbm>>) target(%arg14 : memref<128x32xf32, #tpu.memory_space<vmem>>) offsets(%dma_start3A_42 : memref<128xi32, #tpu.memory_space<vmem>>) semaphore(%arg19 : memref<!tpu.dma_semaphore, #tpu.memory_space<semaphore_mem>>)
      %scan3A = arith.constant 0 : i32
      %scan3A_46 = arith.constant 0 : i32
      %scan3A_47 = arith.constant 20 : i32
      %scan3A_48 = arith.addi %scan3A_46, %scan3A_47 : i32
      %scan3A_49 = arith.constant 1 : i32
      scf.for %scan3A_51 = %scan3A_46 to %scan3A_48 step %scan3A_49  : i32 {
        %mul3A_52 = arith.constant 4 : i32
        %mul3A_53 = arith.muli %scan3A_51, %mul3A_52 : i32
        %add3A = arith.constant 0 : i32
        %add3A_54 = arith.addi %mul3A_53, %add3A : i32
        %dma_wait3A = arith.constant 0 : i32
        %dma_wait3A_55 = tpu.memref_slice %arg9[%add3A_54, %dma_wait3A] : memref<80x128xi32, #tpu.memory_space<vmem>> -> memref<1x128xi32, #tpu.memory_space<vmem>>
        %dma_wait3A_56 = tpu.memref_squeeze %dma_wait3A_55 : memref<1x128xi32, #tpu.memory_space<vmem>> -> memref<128xi32, #tpu.memory_space<vmem>>
        %dma_wait3A_57 = arith.constant 0 : i32
        %dma_wait3A_58 = arith.constant 0 : i32
        %dma_wait3A_59 = tpu.memref_slice %arg2[%dma_wait3A_57, %dma_wait3A_58] : memref<10240x32xf32, #tpu.memory_space<hbm>> -> memref<10240x32xf32, #tpu.memory_space<hbm>>
        tpu.wait_indirect_dma semaphore(%arg16 : memref<!tpu.dma_semaphore, #tpu.memory_space<semaphore_mem>>) src(%dma_wait3A_59 : memref<10240x32xf32, #tpu.memory_space<hbm>>) dst(%arg11 : memref<128x32xf32, #tpu.memory_space<vmem>>)
        "tpu.region"() ({
          %run_scoped3A = tpu.sem_alloc : memref<!tpu.dma_semaphore, #tpu.memory_space<semaphore_mem>>
          %dma_start3A_117 = arith.constant 0 : i32
          %dma_start3A_118 = tpu.memref_slice %arg10[%add3A_54, %dma_start3A_117] : memref<80x128xi32, #tpu.memory_space<vmem>> -> memref<1x128xi32, #tpu.memory_space<vmem>>
          %dma_start3A_119 = tpu.memref_squeeze %dma_start3A_118 : memref<1x128xi32, #tpu.memory_space<vmem>> -> memref<128xi32, #tpu.memory_space<vmem>>
          %dma_start3A_120 = arith.constant 0 : i32
          %dma_start3A_121 = arith.constant 0 : i32
          %dma_start3A_122 = tpu.memref_slice %arg15[%dma_start3A_120, %dma_start3A_121] : memref<10240x32xf32, #tpu.memory_space<vmem_shared>> -> memref<10240x32xf32, #tpu.memory_space<vmem_shared>>
          tpu.enqueue_indirect_dma source(%arg11 : memref<128x32xf32, #tpu.memory_space<vmem>>) target(%dma_start3A_122 : memref<10240x32xf32, #tpu.memory_space<vmem_shared>>) offsets(%dma_start3A_119 : memref<128xi32, #tpu.memory_space<vmem>>) semaphore(%run_scoped3A : memref<!tpu.dma_semaphore, #tpu.memory_space<semaphore_mem>>) {add = true}
          %dma_wait3A_123 = arith.constant 0 : i32
          %dma_wait3A_124 = tpu.memref_slice %arg10[%add3A_54, %dma_wait3A_123] : memref<80x128xi32, #tpu.memory_space<vmem>> -> memref<1x128xi32, #tpu.memory_space<vmem>>
          %dma_wait3A_125 = tpu.memref_squeeze %dma_wait3A_124 : memref<1x128xi32, #tpu.memory_space<vmem>> -> memref<128xi32, #tpu.memory_space<vmem>>
          %dma_wait3A_126 = arith.constant 0 : i32
          %dma_wait3A_127 = arith.constant 0 : i32
          %dma_wait3A_128 = tpu.memref_slice %arg15[%dma_wait3A_126, %dma_wait3A_127] : memref<10240x32xf32, #tpu.memory_space<vmem_shared>> -> memref<10240x32xf32, #tpu.memory_space<vmem_shared>>
          tpu.wait_indirect_dma semaphore(%run_scoped3A : memref<!tpu.dma_semaphore, #tpu.memory_space<semaphore_mem>>) src(%arg11 : memref<128x32xf32, #tpu.memory_space<vmem>>) dst(%dma_wait3A_128 : memref<10240x32xf32, #tpu.memory_space<vmem_shared>>)
          tpu.yield
        }) : () -> ()
        %add3A_60 = arith.constant 4 : i32
        %add3A_61 = arith.addi %add3A_54, %add3A_60 : i32
        %lt3A = arith.constant 80 : i32
        %lt3A_62 = arith.cmpi slt, %add3A_61, %lt3A : i32
        %convert_element_type3A_63 = arith.extui %lt3A_62 : i1 to i32
        %cond3A_64 = arith.constant 0 : i32
        %cond3A_65 = arith.cmpi ne, %convert_element_type3A_63, %cond3A_64 : i32
        scf.if %cond3A_65 {
          %add3A_117 = arith.constant 4 : i32
          %add3A_118 = arith.addi %add3A_54, %add3A_117 : i32
          %dma_start3A_119 = arith.constant 0 : i32
          %dma_start3A_120 = tpu.memref_slice %arg9[%add3A_118, %dma_start3A_119] : memref<80x128xi32, #tpu.memory_space<vmem>> -> memref<1x128xi32, #tpu.memory_space<vmem>>
          %dma_start3A_121 = tpu.memref_squeeze %dma_start3A_120 : memref<1x128xi32, #tpu.memory_space<vmem>> -> memref<128xi32, #tpu.memory_space<vmem>>
          %dma_start3A_122 = arith.constant 0 : i32
          %dma_start3A_123 = arith.constant 0 : i32
          %dma_start3A_124 = tpu.memref_slice %arg2[%dma_start3A_122, %dma_start3A_123] : memref<10240x32xf32, #tpu.memory_space<hbm>> -> memref<10240x32xf32, #tpu.memory_space<hbm>>
          tpu.enqueue_indirect_dma source(%dma_start3A_124 : memref<10240x32xf32, #tpu.memory_space<hbm>>) target(%arg11 : memref<128x32xf32, #tpu.memory_space<vmem>>) offsets(%dma_start3A_121 : memref<128xi32, #tpu.memory_space<vmem>>) semaphore(%arg16 : memref<!tpu.dma_semaphore, #tpu.memory_space<semaphore_mem>>)
        } else {
        }
        %mul3A_66 = arith.constant 4 : i32
        %mul3A_67 = arith.muli %scan3A_51, %mul3A_66 : i32
        %add3A_68 = arith.constant 1 : i32
        %add3A_69 = arith.addi %mul3A_67, %add3A_68 : i32
        %dma_wait3A_70 = arith.constant 0 : i32
        %dma_wait3A_71 = tpu.memref_slice %arg9[%add3A_69, %dma_wait3A_70] : memref<80x128xi32, #tpu.memory_space<vmem>> -> memref<1x128xi32, #tpu.memory_space<vmem>>
        %dma_wait3A_72 = tpu.memref_squeeze %dma_wait3A_71 : memref<1x128xi32, #tpu.memory_space<vmem>> -> memref<128xi32, #tpu.memory_space<vmem>>
        %dma_wait3A_73 = arith.constant 0 : i32
        %dma_wait3A_74 = arith.constant 0 : i32
        %dma_wait3A_75 = tpu.memref_slice %arg2[%dma_wait3A_73, %dma_wait3A_74] : memref<10240x32xf32, #tpu.memory_space<hbm>> -> memref<10240x32xf32, #tpu.memory_space<hbm>>
        tpu.wait_indirect_dma semaphore(%arg17 : memref<!tpu.dma_semaphore, #tpu.memory_space<semaphore_mem>>) src(%dma_wait3A_75 : memref<10240x32xf32, #tpu.memory_space<hbm>>) dst(%arg12 : memref<128x32xf32, #tpu.memory_space<vmem>>)
        "tpu.region"() ({
          %run_scoped3A = tpu.sem_alloc : memref<!tpu.dma_semaphore, #tpu.memory_space<semaphore_mem>>
          %dma_start3A_117 = arith.constant 0 : i32
          %dma_start3A_118 = tpu.memref_slice %arg10[%add3A_69, %dma_start3A_117] : memref<80x128xi32, #tpu.memory_space<vmem>> -> memref<1x128xi32, #tpu.memory_space<vmem>>
          %dma_start3A_119 = tpu.memref_squeeze %dma_start3A_118 : memref<1x128xi32, #tpu.memory_space<vmem>> -> memref<128xi32, #tpu.memory_space<vmem>>
          %dma_start3A_120 = arith.constant 0 : i32
          %dma_start3A_121 = arith.constant 0 : i32
          %dma_start3A_122 = tpu.memref_slice %arg15[%dma_start3A_120, %dma_start3A_121] : memref<10240x32xf32, #tpu.memory_space<vmem_shared>> -> memref<10240x32xf32, #tpu.memory_space<vmem_shared>>
          tpu.enqueue_indirect_dma source(%arg12 : memref<128x32xf32, #tpu.memory_space<vmem>>) target(%dma_start3A_122 : memref<10240x32xf32, #tpu.memory_space<vmem_shared>>) offsets(%dma_start3A_119 : memref<128xi32, #tpu.memory_space<vmem>>) semaphore(%run_scoped3A : memref<!tpu.dma_semaphore, #tpu.memory_space<semaphore_mem>>) {add = true}
          %dma_wait3A_123 = arith.constant 0 : i32
          %dma_wait3A_124 = tpu.memref_slice %arg10[%add3A_69, %dma_wait3A_123] : memref<80x128xi32, #tpu.memory_space<vmem>> -> memref<1x128xi32, #tpu.memory_space<vmem>>
          %dma_wait3A_125 = tpu.memref_squeeze %dma_wait3A_124 : memref<1x128xi32, #tpu.memory_space<vmem>> -> memref<128xi32, #tpu.memory_space<vmem>>
          %dma_wait3A_126 = arith.constant 0 : i32
          %dma_wait3A_127 = arith.constant 0 : i32
          %dma_wait3A_128 = tpu.memref_slice %arg15[%dma_wait3A_126, %dma_wait3A_127] : memref<10240x32xf32, #tpu.memory_space<vmem_shared>> -> memref<10240x32xf32, #tpu.memory_space<vmem_shared>>
          tpu.wait_indirect_dma semaphore(%run_scoped3A : memref<!tpu.dma_semaphore, #tpu.memory_space<semaphore_mem>>) src(%arg12 : memref<128x32xf32, #tpu.memory_space<vmem>>) dst(%dma_wait3A_128 : memref<10240x32xf32, #tpu.memory_space<vmem_shared>>)
          tpu.yield
        }) : () -> ()
        %add3A_76 = arith.constant 4 : i32
        %add3A_77 = arith.addi %add3A_69, %add3A_76 : i32
        %lt3A_78 = arith.constant 80 : i32
        %lt3A_79 = arith.cmpi slt, %add3A_77, %lt3A_78 : i32
        %convert_element_type3A_80 = arith.extui %lt3A_79 : i1 to i32
        %cond3A_81 = arith.constant 0 : i32
        %cond3A_82 = arith.cmpi ne, %convert_element_type3A_80, %cond3A_81 : i32
        scf.if %cond3A_82 {
          %add3A_117 = arith.constant 4 : i32
          %add3A_118 = arith.addi %add3A_69, %add3A_117 : i32
          %dma_start3A_119 = arith.constant 0 : i32
          %dma_start3A_120 = tpu.memref_slice %arg9[%add3A_118, %dma_start3A_119] : memref<80x128xi32, #tpu.memory_space<vmem>> -> memref<1x128xi32, #tpu.memory_space<vmem>>
          %dma_start3A_121 = tpu.memref_squeeze %dma_start3A_120 : memref<1x128xi32, #tpu.memory_space<vmem>> -> memref<128xi32, #tpu.memory_space<vmem>>
          %dma_start3A_122 = arith.constant 0 : i32
          %dma_start3A_123 = arith.constant 0 : i32
          %dma_start3A_124 = tpu.memref_slice %arg2[%dma_start3A_122, %dma_start3A_123] : memref<10240x32xf32, #tpu.memory_space<hbm>> -> memref<10240x32xf32, #tpu.memory_space<hbm>>
          tpu.enqueue_indirect_dma source(%dma_start3A_124 : memref<10240x32xf32, #tpu.memory_space<hbm>>) target(%arg12 : memref<128x32xf32, #tpu.memory_space<vmem>>) offsets(%dma_start3A_121 : memref<128xi32, #tpu.memory_space<vmem>>) semaphore(%arg17 : memref<!tpu.dma_semaphore, #tpu.memory_space<semaphore_mem>>)
        } else {
        }
        %mul3A_83 = arith.constant 4 : i32
        %mul3A_84 = arith.muli %scan3A_51, %mul3A_83 : i32
        %add3A_85 = arith.constant 2 : i32
        %add3A_86 = arith.addi %mul3A_84, %add3A_85 : i32
        %dma_wait3A_87 = arith.constant 0 : i32
        %dma_wait3A_88 = tpu.memref_slice %arg9[%add3A_86, %dma_wait3A_87] : memref<80x128xi32, #tpu.memory_space<vmem>> -> memref<1x128xi32, #tpu.memory_space<vmem>>
        %dma_wait3A_89 = tpu.memref_squeeze %dma_wait3A_88 : memref<1x128xi32, #tpu.memory_space<vmem>> -> memref<128xi32, #tpu.memory_space<vmem>>
        %dma_wait3A_90 = arith.constant 0 : i32
        %dma_wait3A_91 = arith.constant 0 : i32
        %dma_wait3A_92 = tpu.memref_slice %arg2[%dma_wait3A_90, %dma_wait3A_91] : memref<10240x32xf32, #tpu.memory_space<hbm>> -> memref<10240x32xf32, #tpu.memory_space<hbm>>
        tpu.wait_indirect_dma semaphore(%arg18 : memref<!tpu.dma_semaphore, #tpu.memory_space<semaphore_mem>>) src(%dma_wait3A_92 : memref<10240x32xf32, #tpu.memory_space<hbm>>) dst(%arg13 : memref<128x32xf32, #tpu.memory_space<vmem>>)
        "tpu.region"() ({
          %run_scoped3A = tpu.sem_alloc : memref<!tpu.dma_semaphore, #tpu.memory_space<semaphore_mem>>
          %dma_start3A_117 = arith.constant 0 : i32
          %dma_start3A_118 = tpu.memref_slice %arg10[%add3A_86, %dma_start3A_117] : memref<80x128xi32, #tpu.memory_space<vmem>> -> memref<1x128xi32, #tpu.memory_space<vmem>>
          %dma_start3A_119 = tpu.memref_squeeze %dma_start3A_118 : memref<1x128xi32, #tpu.memory_space<vmem>> -> memref<128xi32, #tpu.memory_space<vmem>>
          %dma_start3A_120 = arith.constant 0 : i32
          %dma_start3A_121 = arith.constant 0 : i32
          %dma_start3A_122 = tpu.memref_slice %arg15[%dma_start3A_120, %dma_start3A_121] : memref<10240x32xf32, #tpu.memory_space<vmem_shared>> -> memref<10240x32xf32, #tpu.memory_space<vmem_shared>>
          tpu.enqueue_indirect_dma source(%arg13 : memref<128x32xf32, #tpu.memory_space<vmem>>) target(%dma_start3A_122 : memref<10240x32xf32, #tpu.memory_space<vmem_shared>>) offsets(%dma_start3A_119 : memref<128xi32, #tpu.memory_space<vmem>>) semaphore(%run_scoped3A : memref<!tpu.dma_semaphore, #tpu.memory_space<semaphore_mem>>) {add = true}
          %dma_wait3A_123 = arith.constant 0 : i32
          %dma_wait3A_124 = tpu.memref_slice %arg10[%add3A_86, %dma_wait3A_123] : memref<80x128xi32, #tpu.memory_space<vmem>> -> memref<1x128xi32, #tpu.memory_space<vmem>>
          %dma_wait3A_125 = tpu.memref_squeeze %dma_wait3A_124 : memref<1x128xi32, #tpu.memory_space<vmem>> -> memref<128xi32, #tpu.memory_space<vmem>>
          %dma_wait3A_126 = arith.constant 0 : i32
          %dma_wait3A_127 = arith.constant 0 : i32
          %dma_wait3A_128 = tpu.memref_slice %arg15[%dma_wait3A_126, %dma_wait3A_127] : memref<10240x32xf32, #tpu.memory_space<vmem_shared>> -> memref<10240x32xf32, #tpu.memory_space<vmem_shared>>
          tpu.wait_indirect_dma semaphore(%run_scoped3A : memref<!tpu.dma_semaphore, #tpu.memory_space<semaphore_mem>>) src(%arg13 : memref<128x32xf32, #tpu.memory_space<vmem>>) dst(%dma_wait3A_128 : memref<10240x32xf32, #tpu.memory_space<vmem_shared>>)
          tpu.yield
        }) : () -> ()
        %add3A_93 = arith.constant 4 : i32
        %add3A_94 = arith.addi %add3A_86, %add3A_93 : i32
        %lt3A_95 = arith.constant 80 : i32
        %lt3A_96 = arith.cmpi slt, %add3A_94, %lt3A_95 : i32
        %convert_element_type3A_97 = arith.extui %lt3A_96 : i1 to i32
        %cond3A_98 = arith.constant 0 : i32
        %cond3A_99 = arith.cmpi ne, %convert_element_type3A_97, %cond3A_98 : i32
        scf.if %cond3A_99 {
          %add3A_117 = arith.constant 4 : i32
          %add3A_118 = arith.addi %add3A_86, %add3A_117 : i32
          %dma_start3A_119 = arith.constant 0 : i32
          %dma_start3A_120 = tpu.memref_slice %arg9[%add3A_118, %dma_start3A_119] : memref<80x128xi32, #tpu.memory_space<vmem>> -> memref<1x128xi32, #tpu.memory_space<vmem>>
          %dma_start3A_121 = tpu.memref_squeeze %dma_start3A_120 : memref<1x128xi32, #tpu.memory_space<vmem>> -> memref<128xi32, #tpu.memory_space<vmem>>
          %dma_start3A_122 = arith.constant 0 : i32
          %dma_start3A_123 = arith.constant 0 : i32
          %dma_start3A_124 = tpu.memref_slice %arg2[%dma_start3A_122, %dma_start3A_123] : memref<10240x32xf32, #tpu.memory_space<hbm>> -> memref<10240x32xf32, #tpu.memory_space<hbm>>
          tpu.enqueue_indirect_dma source(%dma_start3A_124 : memref<10240x32xf32, #tpu.memory_space<hbm>>) target(%arg13 : memref<128x32xf32, #tpu.memory_space<vmem>>) offsets(%dma_start3A_121 : memref<128xi32, #tpu.memory_space<vmem>>) semaphore(%arg18 : memref<!tpu.dma_semaphore, #tpu.memory_space<semaphore_mem>>)
        } else {
        }
        %mul3A_100 = arith.constant 4 : i32
        %mul3A_101 = arith.muli %scan3A_51, %mul3A_100 : i32
        %add3A_102 = arith.constant 3 : i32
        %add3A_103 = arith.addi %mul3A_101, %add3A_102 : i32
        %dma_wait3A_104 = arith.constant 0 : i32
        %dma_wait3A_105 = tpu.memref_slice %arg9[%add3A_103, %dma_wait3A_104] : memref<80x128xi32, #tpu.memory_space<vmem>> -> memref<1x128xi32, #tpu.memory_space<vmem>>
        %dma_wait3A_106 = tpu.memref_squeeze %dma_wait3A_105 : memref<1x128xi32, #tpu.memory_space<vmem>> -> memref<128xi32, #tpu.memory_space<vmem>>
        %dma_wait3A_107 = arith.constant 0 : i32
        %dma_wait3A_108 = arith.constant 0 : i32
        %dma_wait3A_109 = tpu.memref_slice %arg2[%dma_wait3A_107, %dma_wait3A_108] : memref<10240x32xf32, #tpu.memory_space<hbm>> -> memref<10240x32xf32, #tpu.memory_space<hbm>>
        tpu.wait_indirect_dma semaphore(%arg19 : memref<!tpu.dma_semaphore, #tpu.memory_space<semaphore_mem>>) src(%dma_wait3A_109 : memref<10240x32xf32, #tpu.memory_space<hbm>>) dst(%arg14 : memref<128x32xf32, #tpu.memory_space<vmem>>)
        "tpu.region"() ({
          %run_scoped3A = tpu.sem_alloc : memref<!tpu.dma_semaphore, #tpu.memory_space<semaphore_mem>>
          %dma_start3A_117 = arith.constant 0 : i32
          %dma_start3A_118 = tpu.memref_slice %arg10[%add3A_103, %dma_start3A_117] : memref<80x128xi32, #tpu.memory_space<vmem>> -> memref<1x128xi32, #tpu.memory_space<vmem>>
          %dma_start3A_119 = tpu.memref_squeeze %dma_start3A_118 : memref<1x128xi32, #tpu.memory_space<vmem>> -> memref<128xi32, #tpu.memory_space<vmem>>
          %dma_start3A_120 = arith.constant 0 : i32
          %dma_start3A_121 = arith.constant 0 : i32
          %dma_start3A_122 = tpu.memref_slice %arg15[%dma_start3A_120, %dma_start3A_121] : memref<10240x32xf32, #tpu.memory_space<vmem_shared>> -> memref<10240x32xf32, #tpu.memory_space<vmem_shared>>
          tpu.enqueue_indirect_dma source(%arg14 : memref<128x32xf32, #tpu.memory_space<vmem>>) target(%dma_start3A_122 : memref<10240x32xf32, #tpu.memory_space<vmem_shared>>) offsets(%dma_start3A_119 : memref<128xi32, #tpu.memory_space<vmem>>) semaphore(%run_scoped3A : memref<!tpu.dma_semaphore, #tpu.memory_space<semaphore_mem>>) {add = true}
          %dma_wait3A_123 = arith.constant 0 : i32
          %dma_wait3A_124 = tpu.memref_slice %arg10[%add3A_103, %dma_wait3A_123] : memref<80x128xi32, #tpu.memory_space<vmem>> -> memref<1x128xi32, #tpu.memory_space<vmem>>
          %dma_wait3A_125 = tpu.memref_squeeze %dma_wait3A_124 : memref<1x128xi32, #tpu.memory_space<vmem>> -> memref<128xi32, #tpu.memory_space<vmem>>
          %dma_wait3A_126 = arith.constant 0 : i32
          %dma_wait3A_127 = arith.constant 0 : i32
          %dma_wait3A_128 = tpu.memref_slice %arg15[%dma_wait3A_126, %dma_wait3A_127] : memref<10240x32xf32, #tpu.memory_space<vmem_shared>> -> memref<10240x32xf32, #tpu.memory_space<vmem_shared>>
          tpu.wait_indirect_dma semaphore(%run_scoped3A : memref<!tpu.dma_semaphore, #tpu.memory_space<semaphore_mem>>) src(%arg14 : memref<128x32xf32, #tpu.memory_space<vmem>>) dst(%dma_wait3A_128 : memref<10240x32xf32, #tpu.memory_space<vmem_shared>>)
          tpu.yield
        }) : () -> ()
        %add3A_110 = arith.constant 4 : i32
        %add3A_111 = arith.addi %add3A_103, %add3A_110 : i32
        %lt3A_112 = arith.constant 80 : i32
        %lt3A_113 = arith.cmpi slt, %add3A_111, %lt3A_112 : i32
        %convert_element_type3A_114 = arith.extui %lt3A_113 : i1 to i32
        %cond3A_115 = arith.constant 0 : i32
        %cond3A_116 = arith.cmpi ne, %convert_element_type3A_114, %cond3A_115 : i32
        scf.if %cond3A_116 {
          %add3A_117 = arith.constant 4 : i32
          %add3A_118 = arith.addi %add3A_103, %add3A_117 : i32
          %dma_start3A_119 = arith.constant 0 : i32
          %dma_start3A_120 = tpu.memref_slice %arg9[%add3A_118, %dma_start3A_119] : memref<80x128xi32, #tpu.memory_space<vmem>> -> memref<1x128xi32, #tpu.memory_space<vmem>>
          %dma_start3A_121 = tpu.memref_squeeze %dma_start3A_120 : memref<1x128xi32, #tpu.memory_space<vmem>> -> memref<128xi32, #tpu.memory_space<vmem>>
          %dma_start3A_122 = arith.constant 0 : i32
          %dma_start3A_123 = arith.constant 0 : i32
          %dma_start3A_124 = tpu.memref_slice %arg2[%dma_start3A_122, %dma_start3A_123] : memref<10240x32xf32, #tpu.memory_space<hbm>> -> memref<10240x32xf32, #tpu.memory_space<hbm>>
          tpu.enqueue_indirect_dma source(%dma_start3A_124 : memref<10240x32xf32, #tpu.memory_space<hbm>>) target(%arg14 : memref<128x32xf32, #tpu.memory_space<vmem>>) offsets(%dma_start3A_121 : memref<128xi32, #tpu.memory_space<vmem>>) semaphore(%arg19 : memref<!tpu.dma_semaphore, #tpu.memory_space<semaphore_mem>>)
        } else {
        }
      }
      %scan3A_50 = arith.constant 20 : i32
    } else {
    }
    %eq3A_3 = arith.constant 1 : i32
    %eq3A_4 = arith.cmpi eq, %arg0, %eq3A_3 : i32
    %convert_element_type3A_5 = arith.extui %eq3A_4 : i1 to i32
    %cond3A_6 = arith.constant 0 : i32
    %cond3A_7 = arith.cmpi ne, %convert_element_type3A_5, %cond3A_6 : i32
    scf.if %cond3A_7 {
      %dma_start3A = arith.constant 0 : i32
      %dma_start3A_19 = arith.constant 0 : i32
      %dma_start3A_20 = tpu.memref_slice %arg9[%dma_start3A, %dma_start3A_19] : memref<80x128xi32, #tpu.memory_space<vmem>> -> memref<1x128xi32, #tpu.memory_space<vmem>>
      %dma_start3A_21 = tpu.memref_squeeze %dma_start3A_20 : memref<1x128xi32, #tpu.memory_space<vmem>> -> memref<128xi32, #tpu.memory_space<vmem>>
      %dma_start3A_22 = arith.constant 0 : i32
      %dma_start3A_23 = arith.constant 0 : i32
      %dma_start3A_24 = tpu.memref_slice %arg3[%dma_start3A_22, %dma_start3A_23] : memref<10240x32xf32, #tpu.memory_space<hbm>> -> memref<10240x32xf32, #tpu.memory_space<hbm>>
      tpu.enqueue_indirect_dma source(%dma_start3A_24 : memref<10240x32xf32, #tpu.memory_space<hbm>>) target(%arg11 : memref<128x32xf32, #tpu.memory_space<vmem>>) offsets(%dma_start3A_21 : memref<128xi32, #tpu.memory_space<vmem>>) semaphore(%arg16 : memref<!tpu.dma_semaphore, #tpu.memory_space<semaphore_mem>>)
      %dma_start3A_25 = arith.constant 1 : i32
      %dma_start3A_26 = arith.constant 0 : i32
      %dma_start3A_27 = tpu.memref_slice %arg9[%dma_start3A_25, %dma_start3A_26] : memref<80x128xi32, #tpu.memory_space<vmem>> -> memref<1x128xi32, #tpu.memory_space<vmem>>
      %dma_start3A_28 = tpu.memref_squeeze %dma_start3A_27 : memref<1x128xi32, #tpu.memory_space<vmem>> -> memref<128xi32, #tpu.memory_space<vmem>>
      %dma_start3A_29 = arith.constant 0 : i32
      %dma_start3A_30 = arith.constant 0 : i32
      %dma_start3A_31 = tpu.memref_slice %arg3[%dma_start3A_29, %dma_start3A_30] : memref<10240x32xf32, #tpu.memory_space<hbm>> -> memref<10240x32xf32, #tpu.memory_space<hbm>>
      tpu.enqueue_indirect_dma source(%dma_start3A_31 : memref<10240x32xf32, #tpu.memory_space<hbm>>) target(%arg12 : memref<128x32xf32, #tpu.memory_space<vmem>>) offsets(%dma_start3A_28 : memref<128xi32, #tpu.memory_space<vmem>>) semaphore(%arg17 : memref<!tpu.dma_semaphore, #tpu.memory_space<semaphore_mem>>)
      %dma_start3A_32 = arith.constant 2 : i32
      %dma_start3A_33 = arith.constant 0 : i32
      %dma_start3A_34 = tpu.memref_slice %arg9[%dma_start3A_32, %dma_start3A_33] : memref<80x128xi32, #tpu.memory_space<vmem>> -> memref<1x128xi32, #tpu.memory_space<vmem>>
      %dma_start3A_35 = tpu.memref_squeeze %dma_start3A_34 : memref<1x128xi32, #tpu.memory_space<vmem>> -> memref<128xi32, #tpu.memory_space<vmem>>
      %dma_start3A_36 = arith.constant 0 : i32
      %dma_start3A_37 = arith.constant 0 : i32
      %dma_start3A_38 = tpu.memref_slice %arg3[%dma_start3A_36, %dma_start3A_37] : memref<10240x32xf32, #tpu.memory_space<hbm>> -> memref<10240x32xf32, #tpu.memory_space<hbm>>
      tpu.enqueue_indirect_dma source(%dma_start3A_38 : memref<10240x32xf32, #tpu.memory_space<hbm>>) target(%arg13 : memref<128x32xf32, #tpu.memory_space<vmem>>) offsets(%dma_start3A_35 : memref<128xi32, #tpu.memory_space<vmem>>) semaphore(%arg18 : memref<!tpu.dma_semaphore, #tpu.memory_space<semaphore_mem>>)
      %dma_start3A_39 = arith.constant 3 : i32
      %dma_start3A_40 = arith.constant 0 : i32
      %dma_start3A_41 = tpu.memref_slice %arg9[%dma_start3A_39, %dma_start3A_40] : memref<80x128xi32, #tpu.memory_space<vmem>> -> memref<1x128xi32, #tpu.memory_space<vmem>>
      %dma_start3A_42 = tpu.memref_squeeze %dma_start3A_41 : memref<1x128xi32, #tpu.memory_space<vmem>> -> memref<128xi32, #tpu.memory_space<vmem>>
      %dma_start3A_43 = arith.constant 0 : i32
      %dma_start3A_44 = arith.constant 0 : i32
      %dma_start3A_45 = tpu.memref_slice %arg3[%dma_start3A_43, %dma_start3A_44] : memref<10240x32xf32, #tpu.memory_space<hbm>> -> memref<10240x32xf32, #tpu.memory_space<hbm>>
      tpu.enqueue_indirect_dma source(%dma_start3A_45 : memref<10240x32xf32, #tpu.memory_space<hbm>>) target(%arg14 : memref<128x32xf32, #tpu.memory_space<vmem>>) offsets(%dma_start3A_42 : memref<128xi32, #tpu.memory_space<vmem>>) semaphore(%arg19 : memref<!tpu.dma_semaphore, #tpu.memory_space<semaphore_mem>>)
      %scan3A = arith.constant 0 : i32
      %scan3A_46 = arith.constant 0 : i32
      %scan3A_47 = arith.constant 20 : i32
      %scan3A_48 = arith.addi %scan3A_46, %scan3A_47 : i32
      %scan3A_49 = arith.constant 1 : i32
      scf.for %scan3A_51 = %scan3A_46 to %scan3A_48 step %scan3A_49  : i32 {
        %mul3A_52 = arith.constant 4 : i32
        %mul3A_53 = arith.muli %scan3A_51, %mul3A_52 : i32
        %add3A = arith.constant 0 : i32
        %add3A_54 = arith.addi %mul3A_53, %add3A : i32
        %dma_wait3A = arith.constant 0 : i32
        %dma_wait3A_55 = tpu.memref_slice %arg9[%add3A_54, %dma_wait3A] : memref<80x128xi32, #tpu.memory_space<vmem>> -> memref<1x128xi32, #tpu.memory_space<vmem>>
        %dma_wait3A_56 = tpu.memref_squeeze %dma_wait3A_55 : memref<1x128xi32, #tpu.memory_space<vmem>> -> memref<128xi32, #tpu.memory_space<vmem>>
        %dma_wait3A_57 = arith.constant 0 : i32
        %dma_wait3A_58 = arith.constant 0 : i32
        %dma_wait3A_59 = tpu.memref_slice %arg3[%dma_wait3A_57, %dma_wait3A_58] : memref<10240x32xf32, #tpu.memory_space<hbm>> -> memref<10240x32xf32, #tpu.memory_space<hbm>>
        tpu.wait_indirect_dma semaphore(%arg16 : memref<!tpu.dma_semaphore, #tpu.memory_space<semaphore_mem>>) src(%dma_wait3A_59 : memref<10240x32xf32, #tpu.memory_space<hbm>>) dst(%arg11 : memref<128x32xf32, #tpu.memory_space<vmem>>)
        "tpu.region"() ({
          %run_scoped3A = tpu.sem_alloc : memref<!tpu.dma_semaphore, #tpu.memory_space<semaphore_mem>>
          %dma_start3A_117 = arith.constant 0 : i32
          %dma_start3A_118 = tpu.memref_slice %arg10[%add3A_54, %dma_start3A_117] : memref<80x128xi32, #tpu.memory_space<vmem>> -> memref<1x128xi32, #tpu.memory_space<vmem>>
          %dma_start3A_119 = tpu.memref_squeeze %dma_start3A_118 : memref<1x128xi32, #tpu.memory_space<vmem>> -> memref<128xi32, #tpu.memory_space<vmem>>
          %dma_start3A_120 = arith.constant 0 : i32
          %dma_start3A_121 = arith.constant 0 : i32
          %dma_start3A_122 = tpu.memref_slice %arg15[%dma_start3A_120, %dma_start3A_121] : memref<10240x32xf32, #tpu.memory_space<vmem_shared>> -> memref<10240x32xf32, #tpu.memory_space<vmem_shared>>
          tpu.enqueue_indirect_dma source(%arg11 : memref<128x32xf32, #tpu.memory_space<vmem>>) target(%dma_start3A_122 : memref<10240x32xf32, #tpu.memory_space<vmem_shared>>) offsets(%dma_start3A_119 : memref<128xi32, #tpu.memory_space<vmem>>) semaphore(%run_scoped3A : memref<!tpu.dma_semaphore, #tpu.memory_space<semaphore_mem>>) {add = true}
          %dma_wait3A_123 = arith.constant 0 : i32
          %dma_wait3A_124 = tpu.memref_slice %arg10[%add3A_54, %dma_wait3A_123] : memref<80x128xi32, #tpu.memory_space<vmem>> -> memref<1x128xi32, #tpu.memory_space<vmem>>
          %dma_wait3A_125 = tpu.memref_squeeze %dma_wait3A_124 : memref<1x128xi32, #tpu.memory_space<vmem>> -> memref<128xi32, #tpu.memory_space<vmem>>
          %dma_wait3A_126 = arith.constant 0 : i32
          %dma_wait3A_127 = arith.constant 0 : i32
          %dma_wait3A_128 = tpu.memref_slice %arg15[%dma_wait3A_126, %dma_wait3A_127] : memref<10240x32xf32, #tpu.memory_space<vmem_shared>> -> memref<10240x32xf32, #tpu.memory_space<vmem_shared>>
          tpu.wait_indirect_dma semaphore(%run_scoped3A : memref<!tpu.dma_semaphore, #tpu.memory_space<semaphore_mem>>) src(%arg11 : memref<128x32xf32, #tpu.memory_space<vmem>>) dst(%dma_wait3A_128 : memref<10240x32xf32, #tpu.memory_space<vmem_shared>>)
          tpu.yield
        }) : () -> ()
        %add3A_60 = arith.constant 4 : i32
        %add3A_61 = arith.addi %add3A_54, %add3A_60 : i32
        %lt3A = arith.constant 80 : i32
        %lt3A_62 = arith.cmpi slt, %add3A_61, %lt3A : i32
        %convert_element_type3A_63 = arith.extui %lt3A_62 : i1 to i32
        %cond3A_64 = arith.constant 0 : i32
        %cond3A_65 = arith.cmpi ne, %convert_element_type3A_63, %cond3A_64 : i32
        scf.if %cond3A_65 {
          %add3A_117 = arith.constant 4 : i32
          %add3A_118 = arith.addi %add3A_54, %add3A_117 : i32
          %dma_start3A_119 = arith.constant 0 : i32
          %dma_start3A_120 = tpu.memref_slice %arg9[%add3A_118, %dma_start3A_119] : memref<80x128xi32, #tpu.memory_space<vmem>> -> memref<1x128xi32, #tpu.memory_space<vmem>>
          %dma_start3A_121 = tpu.memref_squeeze %dma_start3A_120 : memref<1x128xi32, #tpu.memory_space<vmem>> -> memref<128xi32, #tpu.memory_space<vmem>>
          %dma_start3A_122 = arith.constant 0 : i32
          %dma_start3A_123 = arith.constant 0 : i32
          %dma_start3A_124 = tpu.memref_slice %arg3[%dma_start3A_122, %dma_start3A_123] : memref<10240x32xf32, #tpu.memory_space<hbm>> -> memref<10240x32xf32, #tpu.memory_space<hbm>>
          tpu.enqueue_indirect_dma source(%dma_start3A_124 : memref<10240x32xf32, #tpu.memory_space<hbm>>) target(%arg11 : memref<128x32xf32, #tpu.memory_space<vmem>>) offsets(%dma_start3A_121 : memref<128xi32, #tpu.memory_space<vmem>>) semaphore(%arg16 : memref<!tpu.dma_semaphore, #tpu.memory_space<semaphore_mem>>)
        } else {
        }
        %mul3A_66 = arith.constant 4 : i32
        %mul3A_67 = arith.muli %scan3A_51, %mul3A_66 : i32
        %add3A_68 = arith.constant 1 : i32
        %add3A_69 = arith.addi %mul3A_67, %add3A_68 : i32
        %dma_wait3A_70 = arith.constant 0 : i32
        %dma_wait3A_71 = tpu.memref_slice %arg9[%add3A_69, %dma_wait3A_70] : memref<80x128xi32, #tpu.memory_space<vmem>> -> memref<1x128xi32, #tpu.memory_space<vmem>>
        %dma_wait3A_72 = tpu.memref_squeeze %dma_wait3A_71 : memref<1x128xi32, #tpu.memory_space<vmem>> -> memref<128xi32, #tpu.memory_space<vmem>>
        %dma_wait3A_73 = arith.constant 0 : i32
        %dma_wait3A_74 = arith.constant 0 : i32
        %dma_wait3A_75 = tpu.memref_slice %arg3[%dma_wait3A_73, %dma_wait3A_74] : memref<10240x32xf32, #tpu.memory_space<hbm>> -> memref<10240x32xf32, #tpu.memory_space<hbm>>
        tpu.wait_indirect_dma semaphore(%arg17 : memref<!tpu.dma_semaphore, #tpu.memory_space<semaphore_mem>>) src(%dma_wait3A_75 : memref<10240x32xf32, #tpu.memory_space<hbm>>) dst(%arg12 : memref<128x32xf32, #tpu.memory_space<vmem>>)
        "tpu.region"() ({
          %run_scoped3A = tpu.sem_alloc : memref<!tpu.dma_semaphore, #tpu.memory_space<semaphore_mem>>
          %dma_start3A_117 = arith.constant 0 : i32
          %dma_start3A_118 = tpu.memref_slice %arg10[%add3A_69, %dma_start3A_117] : memref<80x128xi32, #tpu.memory_space<vmem>> -> memref<1x128xi32, #tpu.memory_space<vmem>>
          %dma_start3A_119 = tpu.memref_squeeze %dma_start3A_118 : memref<1x128xi32, #tpu.memory_space<vmem>> -> memref<128xi32, #tpu.memory_space<vmem>>
          %dma_start3A_120 = arith.constant 0 : i32
          %dma_start3A_121 = arith.constant 0 : i32
          %dma_start3A_122 = tpu.memref_slice %arg15[%dma_start3A_120, %dma_start3A_121] : memref<10240x32xf32, #tpu.memory_space<vmem_shared>> -> memref<10240x32xf32, #tpu.memory_space<vmem_shared>>
          tpu.enqueue_indirect_dma source(%arg12 : memref<128x32xf32, #tpu.memory_space<vmem>>) target(%dma_start3A_122 : memref<10240x32xf32, #tpu.memory_space<vmem_shared>>) offsets(%dma_start3A_119 : memref<128xi32, #tpu.memory_space<vmem>>) semaphore(%run_scoped3A : memref<!tpu.dma_semaphore, #tpu.memory_space<semaphore_mem>>) {add = true}
          %dma_wait3A_123 = arith.constant 0 : i32
          %dma_wait3A_124 = tpu.memref_slice %arg10[%add3A_69, %dma_wait3A_123] : memref<80x128xi32, #tpu.memory_space<vmem>> -> memref<1x128xi32, #tpu.memory_space<vmem>>
          %dma_wait3A_125 = tpu.memref_squeeze %dma_wait3A_124 : memref<1x128xi32, #tpu.memory_space<vmem>> -> memref<128xi32, #tpu.memory_space<vmem>>
          %dma_wait3A_126 = arith.constant 0 : i32
          %dma_wait3A_127 = arith.constant 0 : i32
          %dma_wait3A_128 = tpu.memref_slice %arg15[%dma_wait3A_126, %dma_wait3A_127] : memref<10240x32xf32, #tpu.memory_space<vmem_shared>> -> memref<10240x32xf32, #tpu.memory_space<vmem_shared>>
          tpu.wait_indirect_dma semaphore(%run_scoped3A : memref<!tpu.dma_semaphore, #tpu.memory_space<semaphore_mem>>) src(%arg12 : memref<128x32xf32, #tpu.memory_space<vmem>>) dst(%dma_wait3A_128 : memref<10240x32xf32, #tpu.memory_space<vmem_shared>>)
          tpu.yield
        }) : () -> ()
        %add3A_76 = arith.constant 4 : i32
        %add3A_77 = arith.addi %add3A_69, %add3A_76 : i32
        %lt3A_78 = arith.constant 80 : i32
        %lt3A_79 = arith.cmpi slt, %add3A_77, %lt3A_78 : i32
        %convert_element_type3A_80 = arith.extui %lt3A_79 : i1 to i32
        %cond3A_81 = arith.constant 0 : i32
        %cond3A_82 = arith.cmpi ne, %convert_element_type3A_80, %cond3A_81 : i32
        scf.if %cond3A_82 {
          %add3A_117 = arith.constant 4 : i32
          %add3A_118 = arith.addi %add3A_69, %add3A_117 : i32
          %dma_start3A_119 = arith.constant 0 : i32
          %dma_start3A_120 = tpu.memref_slice %arg9[%add3A_118, %dma_start3A_119] : memref<80x128xi32, #tpu.memory_space<vmem>> -> memref<1x128xi32, #tpu.memory_space<vmem>>
          %dma_start3A_121 = tpu.memref_squeeze %dma_start3A_120 : memref<1x128xi32, #tpu.memory_space<vmem>> -> memref<128xi32, #tpu.memory_space<vmem>>
          %dma_start3A_122 = arith.constant 0 : i32
          %dma_start3A_123 = arith.constant 0 : i32
          %dma_start3A_124 = tpu.memref_slice %arg3[%dma_start3A_122, %dma_start3A_123] : memref<10240x32xf32, #tpu.memory_space<hbm>> -> memref<10240x32xf32, #tpu.memory_space<hbm>>
          tpu.enqueue_indirect_dma source(%dma_start3A_124 : memref<10240x32xf32, #tpu.memory_space<hbm>>) target(%arg12 : memref<128x32xf32, #tpu.memory_space<vmem>>) offsets(%dma_start3A_121 : memref<128xi32, #tpu.memory_space<vmem>>) semaphore(%arg17 : memref<!tpu.dma_semaphore, #tpu.memory_space<semaphore_mem>>)
        } else {
        }
        %mul3A_83 = arith.constant 4 : i32
        %mul3A_84 = arith.muli %scan3A_51, %mul3A_83 : i32
        %add3A_85 = arith.constant 2 : i32
        %add3A_86 = arith.addi %mul3A_84, %add3A_85 : i32
        %dma_wait3A_87 = arith.constant 0 : i32
        %dma_wait3A_88 = tpu.memref_slice %arg9[%add3A_86, %dma_wait3A_87] : memref<80x128xi32, #tpu.memory_space<vmem>> -> memref<1x128xi32, #tpu.memory_space<vmem>>
        %dma_wait3A_89 = tpu.memref_squeeze %dma_wait3A_88 : memref<1x128xi32, #tpu.memory_space<vmem>> -> memref<128xi32, #tpu.memory_space<vmem>>
        %dma_wait3A_90 = arith.constant 0 : i32
        %dma_wait3A_91 = arith.constant 0 : i32
        %dma_wait3A_92 = tpu.memref_slice %arg3[%dma_wait3A_90, %dma_wait3A_91] : memref<10240x32xf32, #tpu.memory_space<hbm>> -> memref<10240x32xf32, #tpu.memory_space<hbm>>
        tpu.wait_indirect_dma semaphore(%arg18 : memref<!tpu.dma_semaphore, #tpu.memory_space<semaphore_mem>>) src(%dma_wait3A_92 : memref<10240x32xf32, #tpu.memory_space<hbm>>) dst(%arg13 : memref<128x32xf32, #tpu.memory_space<vmem>>)
        "tpu.region"() ({
          %run_scoped3A = tpu.sem_alloc : memref<!tpu.dma_semaphore, #tpu.memory_space<semaphore_mem>>
          %dma_start3A_117 = arith.constant 0 : i32
          %dma_start3A_118 = tpu.memref_slice %arg10[%add3A_86, %dma_start3A_117] : memref<80x128xi32, #tpu.memory_space<vmem>> -> memref<1x128xi32, #tpu.memory_space<vmem>>
          %dma_start3A_119 = tpu.memref_squeeze %dma_start3A_118 : memref<1x128xi32, #tpu.memory_space<vmem>> -> memref<128xi32, #tpu.memory_space<vmem>>
          %dma_start3A_120 = arith.constant 0 : i32
          %dma_start3A_121 = arith.constant 0 : i32
          %dma_start3A_122 = tpu.memref_slice %arg15[%dma_start3A_120, %dma_start3A_121] : memref<10240x32xf32, #tpu.memory_space<vmem_shared>> -> memref<10240x32xf32, #tpu.memory_space<vmem_shared>>
          tpu.enqueue_indirect_dma source(%arg13 : memref<128x32xf32, #tpu.memory_space<vmem>>) target(%dma_start3A_122 : memref<10240x32xf32, #tpu.memory_space<vmem_shared>>) offsets(%dma_start3A_119 : memref<128xi32, #tpu.memory_space<vmem>>) semaphore(%run_scoped3A : memref<!tpu.dma_semaphore, #tpu.memory_space<semaphore_mem>>) {add = true}
          %dma_wait3A_123 = arith.constant 0 : i32
          %dma_wait3A_124 = tpu.memref_slice %arg10[%add3A_86, %dma_wait3A_123] : memref<80x128xi32, #tpu.memory_space<vmem>> -> memref<1x128xi32, #tpu.memory_space<vmem>>
          %dma_wait3A_125 = tpu.memref_squeeze %dma_wait3A_124 : memref<1x128xi32, #tpu.memory_space<vmem>> -> memref<128xi32, #tpu.memory_space<vmem>>
          %dma_wait3A_126 = arith.constant 0 : i32
          %dma_wait3A_127 = arith.constant 0 : i32
          %dma_wait3A_128 = tpu.memref_slice %arg15[%dma_wait3A_126, %dma_wait3A_127] : memref<10240x32xf32, #tpu.memory_space<vmem_shared>> -> memref<10240x32xf32, #tpu.memory_space<vmem_shared>>
          tpu.wait_indirect_dma semaphore(%run_scoped3A : memref<!tpu.dma_semaphore, #tpu.memory_space<semaphore_mem>>) src(%arg13 : memref<128x32xf32, #tpu.memory_space<vmem>>) dst(%dma_wait3A_128 : memref<10240x32xf32, #tpu.memory_space<vmem_shared>>)
          tpu.yield
        }) : () -> ()
        %add3A_93 = arith.constant 4 : i32
        %add3A_94 = arith.addi %add3A_86, %add3A_93 : i32
        %lt3A_95 = arith.constant 80 : i32
        %lt3A_96 = arith.cmpi slt, %add3A_94, %lt3A_95 : i32
        %convert_element_type3A_97 = arith.extui %lt3A_96 : i1 to i32
        %cond3A_98 = arith.constant 0 : i32
        %cond3A_99 = arith.cmpi ne, %convert_element_type3A_97, %cond3A_98 : i32
        scf.if %cond3A_99 {
          %add3A_117 = arith.constant 4 : i32
          %add3A_118 = arith.addi %add3A_86, %add3A_117 : i32
          %dma_start3A_119 = arith.constant 0 : i32
          %dma_start3A_120 = tpu.memref_slice %arg9[%add3A_118, %dma_start3A_119] : memref<80x128xi32, #tpu.memory_space<vmem>> -> memref<1x128xi32, #tpu.memory_space<vmem>>
          %dma_start3A_121 = tpu.memref_squeeze %dma_start3A_120 : memref<1x128xi32, #tpu.memory_space<vmem>> -> memref<128xi32, #tpu.memory_space<vmem>>
          %dma_start3A_122 = arith.constant 0 : i32
          %dma_start3A_123 = arith.constant 0 : i32
          %dma_start3A_124 = tpu.memref_slice %arg3[%dma_start3A_122, %dma_start3A_123] : memref<10240x32xf32, #tpu.memory_space<hbm>> -> memref<10240x32xf32, #tpu.memory_space<hbm>>
          tpu.enqueue_indirect_dma source(%dma_start3A_124 : memref<10240x32xf32, #tpu.memory_space<hbm>>) target(%arg13 : memref<128x32xf32, #tpu.memory_space<vmem>>) offsets(%dma_start3A_121 : memref<128xi32, #tpu.memory_space<vmem>>) semaphore(%arg18 : memref<!tpu.dma_semaphore, #tpu.memory_space<semaphore_mem>>)
        } else {
        }
        %mul3A_100 = arith.constant 4 : i32
        %mul3A_101 = arith.muli %scan3A_51, %mul3A_100 : i32
        %add3A_102 = arith.constant 3 : i32
        %add3A_103 = arith.addi %mul3A_101, %add3A_102 : i32
        %dma_wait3A_104 = arith.constant 0 : i32
        %dma_wait3A_105 = tpu.memref_slice %arg9[%add3A_103, %dma_wait3A_104] : memref<80x128xi32, #tpu.memory_space<vmem>> -> memref<1x128xi32, #tpu.memory_space<vmem>>
        %dma_wait3A_106 = tpu.memref_squeeze %dma_wait3A_105 : memref<1x128xi32, #tpu.memory_space<vmem>> -> memref<128xi32, #tpu.memory_space<vmem>>
        %dma_wait3A_107 = arith.constant 0 : i32
        %dma_wait3A_108 = arith.constant 0 : i32
        %dma_wait3A_109 = tpu.memref_slice %arg3[%dma_wait3A_107, %dma_wait3A_108] : memref<10240x32xf32, #tpu.memory_space<hbm>> -> memref<10240x32xf32, #tpu.memory_space<hbm>>
        tpu.wait_indirect_dma semaphore(%arg19 : memref<!tpu.dma_semaphore, #tpu.memory_space<semaphore_mem>>) src(%dma_wait3A_109 : memref<10240x32xf32, #tpu.memory_space<hbm>>) dst(%arg14 : memref<128x32xf32, #tpu.memory_space<vmem>>)
        "tpu.region"() ({
          %run_scoped3A = tpu.sem_alloc : memref<!tpu.dma_semaphore, #tpu.memory_space<semaphore_mem>>
          %dma_start3A_117 = arith.constant 0 : i32
          %dma_start3A_118 = tpu.memref_slice %arg10[%add3A_103, %dma_start3A_117] : memref<80x128xi32, #tpu.memory_space<vmem>> -> memref<1x128xi32, #tpu.memory_space<vmem>>
          %dma_start3A_119 = tpu.memref_squeeze %dma_start3A_118 : memref<1x128xi32, #tpu.memory_space<vmem>> -> memref<128xi32, #tpu.memory_space<vmem>>
          %dma_start3A_120 = arith.constant 0 : i32
          %dma_start3A_121 = arith.constant 0 : i32
          %dma_start3A_122 = tpu.memref_slice %arg15[%dma_start3A_120, %dma_start3A_121] : memref<10240x32xf32, #tpu.memory_space<vmem_shared>> -> memref<10240x32xf32, #tpu.memory_space<vmem_shared>>
          tpu.enqueue_indirect_dma source(%arg14 : memref<128x32xf32, #tpu.memory_space<vmem>>) target(%dma_start3A_122 : memref<10240x32xf32, #tpu.memory_space<vmem_shared>>) offsets(%dma_start3A_119 : memref<128xi32, #tpu.memory_space<vmem>>) semaphore(%run_scoped3A : memref<!tpu.dma_semaphore, #tpu.memory_space<semaphore_mem>>) {add = true}
          %dma_wait3A_123 = arith.constant 0 : i32
          %dma_wait3A_124 = tpu.memref_slice %arg10[%add3A_103, %dma_wait3A_123] : memref<80x128xi32, #tpu.memory_space<vmem>> -> memref<1x128xi32, #tpu.memory_space<vmem>>
          %dma_wait3A_125 = tpu.memref_squeeze %dma_wait3A_124 : memref<1x128xi32, #tpu.memory_space<vmem>> -> memref<128xi32, #tpu.memory_space<vmem>>
          %dma_wait3A_126 = arith.constant 0 : i32
          %dma_wait3A_127 = arith.constant 0 : i32
          %dma_wait3A_128 = tpu.memref_slice %arg15[%dma_wait3A_126, %dma_wait3A_127] : memref<10240x32xf32, #tpu.memory_space<vmem_shared>> -> memref<10240x32xf32, #tpu.memory_space<vmem_shared>>
          tpu.wait_indirect_dma semaphore(%run_scoped3A : memref<!tpu.dma_semaphore, #tpu.memory_space<semaphore_mem>>) src(%arg14 : memref<128x32xf32, #tpu.memory_space<vmem>>) dst(%dma_wait3A_128 : memref<10240x32xf32, #tpu.memory_space<vmem_shared>>)
          tpu.yield
        }) : () -> ()
        %add3A_110 = arith.constant 4 : i32
        %add3A_111 = arith.addi %add3A_103, %add3A_110 : i32
        %lt3A_112 = arith.constant 80 : i32
        %lt3A_113 = arith.cmpi slt, %add3A_111, %lt3A_112 : i32
        %convert_element_type3A_114 = arith.extui %lt3A_113 : i1 to i32
        %cond3A_115 = arith.constant 0 : i32
        %cond3A_116 = arith.cmpi ne, %convert_element_type3A_114, %cond3A_115 : i32
        scf.if %cond3A_116 {
          %add3A_117 = arith.constant 4 : i32
          %add3A_118 = arith.addi %add3A_103, %add3A_117 : i32
          %dma_start3A_119 = arith.constant 0 : i32
          %dma_start3A_120 = tpu.memref_slice %arg9[%add3A_118, %dma_start3A_119] : memref<80x128xi32, #tpu.memory_space<vmem>> -> memref<1x128xi32, #tpu.memory_space<vmem>>
          %dma_start3A_121 = tpu.memref_squeeze %dma_start3A_120 : memref<1x128xi32, #tpu.memory_space<vmem>> -> memref<128xi32, #tpu.memory_space<vmem>>
          %dma_start3A_122 = arith.constant 0 : i32
          %dma_start3A_123 = arith.constant 0 : i32
          %dma_start3A_124 = tpu.memref_slice %arg3[%dma_start3A_122, %dma_start3A_123] : memref<10240x32xf32, #tpu.memory_space<hbm>> -> memref<10240x32xf32, #tpu.memory_space<hbm>>
          tpu.enqueue_indirect_dma source(%dma_start3A_124 : memref<10240x32xf32, #tpu.memory_space<hbm>>) target(%arg14 : memref<128x32xf32, #tpu.memory_space<vmem>>) offsets(%dma_start3A_121 : memref<128xi32, #tpu.memory_space<vmem>>) semaphore(%arg19 : memref<!tpu.dma_semaphore, #tpu.memory_space<semaphore_mem>>)
        } else {
        }
      }
      %scan3A_50 = arith.constant 20 : i32
    } else {
    }
    %barrier3A_8 = arith.constant 0 : index
    tpu.barrier barrier_id(%barrier3A_8)
    %eq3A_9 = arith.constant 0 : i32
    %eq3A_10 = arith.cmpi eq, %arg0, %eq3A_9 : i32
    %convert_element_type3A_11 = arith.extui %eq3A_10 : i1 to i32
    %cond3A_12 = arith.constant 0 : i32
    %cond3A_13 = arith.cmpi ne, %convert_element_type3A_11, %cond3A_12 : i32
    scf.if %cond3A_13 {
      "tpu.region"() ({
        %run_scoped3A = tpu.sem_alloc : memref<!tpu.dma_semaphore, #tpu.memory_space<semaphore_mem>>
        %dma_start3A = arith.constant 0 : i32
        %dma_start3A_19 = tpu.memref_slice %arg7[%mul3A_0, %dma_start3A] : memref<10240x32xf32, #tpu.memory_space<hbm>> -> memref<640x32xf32, #tpu.memory_space<hbm>>
        %dma_start3A_20 = arith.constant 0 : i32
        %dma_start3A_21 = tpu.memref_slice %arg15[%mul3A_0, %dma_start3A_20] : memref<10240x32xf32, #tpu.memory_space<vmem_shared>> -> memref<640x32xf32, #tpu.memory_space<vmem_shared>>
        tpu.enqueue_dma source(%dma_start3A_21 : memref<640x32xf32, #tpu.memory_space<vmem_shared>>) target(%dma_start3A_19 : memref<640x32xf32, #tpu.memory_space<hbm>>) target_semaphore(%run_scoped3A : memref<!tpu.dma_semaphore, #tpu.memory_space<semaphore_mem>>)
        %dma_wait3A = arith.constant 0 : i32
        %dma_wait3A_22 = tpu.memref_slice %arg7[%mul3A_0, %dma_wait3A] : memref<10240x32xf32, #tpu.memory_space<hbm>> -> memref<640x32xf32, #tpu.memory_space<hbm>>
        %dma_wait3A_23 = arith.constant 0 : i32
        %dma_wait3A_24 = tpu.memref_slice %arg15[%mul3A_0, %dma_wait3A_23] : memref<10240x32xf32, #tpu.memory_space<vmem_shared>> -> memref<640x32xf32, #tpu.memory_space<vmem_shared>>
        tpu.wait_dma2 semaphore(%run_scoped3A : memref<!tpu.dma_semaphore, #tpu.memory_space<semaphore_mem>>) src(%dma_wait3A_24 : memref<640x32xf32, #tpu.memory_space<vmem_shared>>) dst(%dma_wait3A_22 : memref<640x32xf32, #tpu.memory_space<hbm>>)
        tpu.yield
      }) : () -> ()
    } else {
    }
    %eq3A_14 = arith.constant 1 : i32
    %eq3A_15 = arith.cmpi eq, %arg0, %eq3A_14 : i32
    %convert_element_type3A_16 = arith.extui %eq3A_15 : i1 to i32
    %cond3A_17 = arith.constant 0 : i32
    %cond3A_18 = arith.cmpi ne, %convert_element_type3A_16, %cond3A_17 : i32
    scf.if %cond3A_18 {
      "tpu.region"() ({
        %run_scoped3A = tpu.sem_alloc : memref<!tpu.dma_semaphore, #tpu.memory_space<semaphore_mem>>
        %dma_start3A = arith.constant 0 : i32
        %dma_start3A_19 = tpu.memref_slice %arg8[%mul3A_0, %dma_start3A] : memref<10240x32xf32, #tpu.memory_space<hbm>> -> memref<640x32xf32, #tpu.memory_space<hbm>>
        %dma_start3A_20 = arith.constant 0 : i32
        %dma_start3A_21 = tpu.memref_slice %arg15[%mul3A_0, %dma_start3A_20] : memref<10240x32xf32, #tpu.memory_space<vmem_shared>> -> memref<640x32xf32, #tpu.memory_space<vmem_shared>>
        tpu.enqueue_dma source(%dma_start3A_21 : memref<640x32xf32, #tpu.memory_space<vmem_shared>>) target(%dma_start3A_19 : memref<640x32xf32, #tpu.memory_space<hbm>>) target_semaphore(%run_scoped3A : memref<!tpu.dma_semaphore, #tpu.memory_space<semaphore_mem>>)
        %dma_wait3A = arith.constant 0 : i32
        %dma_wait3A_22 = tpu.memref_slice %arg8[%mul3A_0, %dma_wait3A] : memref<10240x32xf32, #tpu.memory_space<hbm>> -> memref<640x32xf32, #tpu.memory_space<hbm>>
        %dma_wait3A_23 = arith.constant 0 : i32
        %dma_wait3A_24 = tpu.memref_slice %arg15[%mul3A_0, %dma_wait3A_23] : memref<10240x32xf32, #tpu.memory_space<vmem_shared>> -> memref<640x32xf32, #tpu.memory_space<vmem_shared>>
        tpu.wait_dma2 semaphore(%run_scoped3A : memref<!tpu.dma_semaphore, #tpu.memory_space<semaphore_mem>>) src(%dma_wait3A_24 : memref<640x32xf32, #tpu.memory_space<vmem_shared>>) dst(%dma_wait3A_22 : memref<640x32xf32, #tpu.memory_space<hbm>>)
        tpu.yield
      }) : () -> ()
    } else {
    }
    return
  }
}

#map = affine_map<(d0, d1) -> (0, 0)>
#map1 = affine_map<(d0, d1) -> (0, 0, 0)>
module attributes {stable_mosaic.version = 14 : i64} {
  func.func @_spmm_body(%arg0: i32, %arg1: i32, %arg2: memref<10240x128xf32, #tpu.memory_space<hbm>>, %arg3: memref<10240x128xf32, #tpu.memory_space<hbm>>, %arg4: memref<16x160x64xi32, #tpu.memory_space<hbm>>, %arg5: memref<16x160x64xi32, #tpu.memory_space<hbm>>, %arg6: memref<640x128xf32, #tpu.memory_space<hbm>>, %arg7: memref<10240x128xf32, #tpu.memory_space<hbm>>, %arg8: memref<10240x128xf32, #tpu.memory_space<hbm>>, %arg9: memref<160x64xi32, #tpu.memory_space<vmem>>, %arg10: memref<160x64xi32, #tpu.memory_space<vmem>>, %arg11: memref<64x128xf32, #tpu.memory_space<vmem>>, %arg12: memref<64x128xf32, #tpu.memory_space<vmem>>, %arg13: memref<64x128xf32, #tpu.memory_space<vmem>>, %arg14: memref<10240x128xf32, #tpu.memory_space<vmem_shared>>, %arg15: memref<!tpu.dma_semaphore, #tpu.memory_space<semaphore_mem>>, %arg16: memref<!tpu.dma_semaphore, #tpu.memory_space<semaphore_mem>>, %arg17: memref<!tpu.dma_semaphore, #tpu.memory_space<semaphore_mem>>) attributes {dimension_semantics = [#tpu.dimension_semantics<core_parallel>, #tpu.dimension_semantics<subcore_parallel>], iteration_bounds = array<i64: 2, 16>, scalar_prefetch = 0 : i64, scratch_operands = 9 : i64, tpu.core_type = #tpu.core_type<sc_vector_subcore>, window_params = [{transform_indices = #map}, {transform_indices = #map}, {transform_indices = #map1}, {transform_indices = #map1}, {transform_indices = #map}, {transform_indices = #map}, {transform_indices = #map}]} {
    %mul3A = arith.constant 640 : i32
    %mul3A_0 = arith.muli %arg1, %mul3A : i32
    "tpu.region"() ({
      %run_scoped3A = tpu.sem_alloc : memref<!tpu.dma_semaphore, #tpu.memory_space<semaphore_mem>>
      %dma_start3A = arith.constant 0 : i32
      %dma_start3A_19 = tpu.memref_slice %arg14[%mul3A_0, %dma_start3A] : memref<10240x128xf32, #tpu.memory_space<vmem_shared>> -> memref<640x128xf32, #tpu.memory_space<vmem_shared>>
      tpu.enqueue_dma source(%arg6 : memref<640x128xf32, #tpu.memory_space<hbm>>) target(%dma_start3A_19 : memref<640x128xf32, #tpu.memory_space<vmem_shared>>) target_semaphore(%run_scoped3A : memref<!tpu.dma_semaphore, #tpu.memory_space<semaphore_mem>>)
      %dma_wait3A = arith.constant 0 : i32
      %dma_wait3A_20 = tpu.memref_slice %arg14[%mul3A_0, %dma_wait3A] : memref<10240x128xf32, #tpu.memory_space<vmem_shared>> -> memref<640x128xf32, #tpu.memory_space<vmem_shared>>
      tpu.wait_dma2 semaphore(%run_scoped3A : memref<!tpu.dma_semaphore, #tpu.memory_space<semaphore_mem>>) src(%arg6 : memref<640x128xf32, #tpu.memory_space<hbm>>) dst(%dma_wait3A_20 : memref<640x128xf32, #tpu.memory_space<vmem_shared>>)
      tpu.yield
    }) : () -> ()
    "tpu.region"() ({
      %run_scoped3A = tpu.sem_alloc : memref<!tpu.dma_semaphore, #tpu.memory_space<semaphore_mem>>
      %dma_start3A = arith.constant 0 : i32
      %dma_start3A_19 = arith.constant 0 : i32
      %dma_start3A_20 = tpu.memref_slice %arg4[%arg1, %dma_start3A, %dma_start3A_19] : memref<16x160x64xi32, #tpu.memory_space<hbm>> -> memref<1x160x64xi32, #tpu.memory_space<hbm>>
      %dma_start3A_21 = tpu.memref_squeeze %dma_start3A_20 : memref<1x160x64xi32, #tpu.memory_space<hbm>> -> memref<160x64xi32, #tpu.memory_space<hbm>>
      %dma_start3A_22 = arith.constant 0 : i32
      %dma_start3A_23 = arith.constant 0 : i32
      %dma_start3A_24 = tpu.memref_slice %arg4[%arg1, %dma_start3A_22, %dma_start3A_23] : memref<16x160x64xi32, #tpu.memory_space<hbm>> -> memref<1x160x64xi32, #tpu.memory_space<hbm>>
      %dma_start3A_25 = tpu.memref_squeeze %dma_start3A_24 : memref<1x160x64xi32, #tpu.memory_space<hbm>> -> memref<160x64xi32, #tpu.memory_space<hbm>>
      tpu.enqueue_dma source(%dma_start3A_25 : memref<160x64xi32, #tpu.memory_space<hbm>>) target(%arg9 : memref<160x64xi32, #tpu.memory_space<vmem>>) target_semaphore(%run_scoped3A : memref<!tpu.dma_semaphore, #tpu.memory_space<semaphore_mem>>)
      %dma_wait3A = arith.constant 0 : i32
      %dma_wait3A_26 = arith.constant 0 : i32
      %dma_wait3A_27 = tpu.memref_slice %arg4[%arg1, %dma_wait3A, %dma_wait3A_26] : memref<16x160x64xi32, #tpu.memory_space<hbm>> -> memref<1x160x64xi32, #tpu.memory_space<hbm>>
      %dma_wait3A_28 = tpu.memref_squeeze %dma_wait3A_27 : memref<1x160x64xi32, #tpu.memory_space<hbm>> -> memref<160x64xi32, #tpu.memory_space<hbm>>
      %dma_wait3A_29 = arith.constant 0 : i32
      %dma_wait3A_30 = arith.constant 0 : i32
      %dma_wait3A_31 = tpu.memref_slice %arg4[%arg1, %dma_wait3A_29, %dma_wait3A_30] : memref<16x160x64xi32, #tpu.memory_space<hbm>> -> memref<1x160x64xi32, #tpu.memory_space<hbm>>
      %dma_wait3A_32 = tpu.memref_squeeze %dma_wait3A_31 : memref<1x160x64xi32, #tpu.memory_space<hbm>> -> memref<160x64xi32, #tpu.memory_space<hbm>>
      tpu.wait_dma2 semaphore(%run_scoped3A : memref<!tpu.dma_semaphore, #tpu.memory_space<semaphore_mem>>) src(%dma_wait3A_32 : memref<160x64xi32, #tpu.memory_space<hbm>>) dst(%arg9 : memref<160x64xi32, #tpu.memory_space<vmem>>)
      tpu.yield
    }) : () -> ()
    "tpu.region"() ({
      %run_scoped3A = tpu.sem_alloc : memref<!tpu.dma_semaphore, #tpu.memory_space<semaphore_mem>>
      %dma_start3A = arith.constant 0 : i32
      %dma_start3A_19 = arith.constant 0 : i32
      %dma_start3A_20 = tpu.memref_slice %arg5[%arg1, %dma_start3A, %dma_start3A_19] : memref<16x160x64xi32, #tpu.memory_space<hbm>> -> memref<1x160x64xi32, #tpu.memory_space<hbm>>
      %dma_start3A_21 = tpu.memref_squeeze %dma_start3A_20 : memref<1x160x64xi32, #tpu.memory_space<hbm>> -> memref<160x64xi32, #tpu.memory_space<hbm>>
      %dma_start3A_22 = arith.constant 0 : i32
      %dma_start3A_23 = arith.constant 0 : i32
      %dma_start3A_24 = tpu.memref_slice %arg5[%arg1, %dma_start3A_22, %dma_start3A_23] : memref<16x160x64xi32, #tpu.memory_space<hbm>> -> memref<1x160x64xi32, #tpu.memory_space<hbm>>
      %dma_start3A_25 = tpu.memref_squeeze %dma_start3A_24 : memref<1x160x64xi32, #tpu.memory_space<hbm>> -> memref<160x64xi32, #tpu.memory_space<hbm>>
      tpu.enqueue_dma source(%dma_start3A_25 : memref<160x64xi32, #tpu.memory_space<hbm>>) target(%arg10 : memref<160x64xi32, #tpu.memory_space<vmem>>) target_semaphore(%run_scoped3A : memref<!tpu.dma_semaphore, #tpu.memory_space<semaphore_mem>>)
      %dma_wait3A = arith.constant 0 : i32
      %dma_wait3A_26 = arith.constant 0 : i32
      %dma_wait3A_27 = tpu.memref_slice %arg5[%arg1, %dma_wait3A, %dma_wait3A_26] : memref<16x160x64xi32, #tpu.memory_space<hbm>> -> memref<1x160x64xi32, #tpu.memory_space<hbm>>
      %dma_wait3A_28 = tpu.memref_squeeze %dma_wait3A_27 : memref<1x160x64xi32, #tpu.memory_space<hbm>> -> memref<160x64xi32, #tpu.memory_space<hbm>>
      %dma_wait3A_29 = arith.constant 0 : i32
      %dma_wait3A_30 = arith.constant 0 : i32
      %dma_wait3A_31 = tpu.memref_slice %arg5[%arg1, %dma_wait3A_29, %dma_wait3A_30] : memref<16x160x64xi32, #tpu.memory_space<hbm>> -> memref<1x160x64xi32, #tpu.memory_space<hbm>>
      %dma_wait3A_32 = tpu.memref_squeeze %dma_wait3A_31 : memref<1x160x64xi32, #tpu.memory_space<hbm>> -> memref<160x64xi32, #tpu.memory_space<hbm>>
      tpu.wait_dma2 semaphore(%run_scoped3A : memref<!tpu.dma_semaphore, #tpu.memory_space<semaphore_mem>>) src(%dma_wait3A_32 : memref<160x64xi32, #tpu.memory_space<hbm>>) dst(%arg10 : memref<160x64xi32, #tpu.memory_space<vmem>>)
      tpu.yield
    }) : () -> ()
    %barrier3A = arith.constant 0 : index
    tpu.barrier barrier_id(%barrier3A)
    %eq3A = arith.constant 0 : i32
    %eq3A_1 = arith.cmpi eq, %arg0, %eq3A : i32
    %convert_element_type3A = arith.extui %eq3A_1 : i1 to i32
    %cond3A = arith.constant 0 : i32
    %cond3A_2 = arith.cmpi ne, %convert_element_type3A, %cond3A : i32
    scf.if %cond3A_2 {
      %dma_start3A = arith.constant 0 : i32
      %dma_start3A_19 = arith.constant 0 : i32
      %dma_start3A_20 = tpu.memref_slice %arg9[%dma_start3A, %dma_start3A_19] : memref<160x64xi32, #tpu.memory_space<vmem>> -> memref<1x64xi32, #tpu.memory_space<vmem>>
      %dma_start3A_21 = tpu.memref_squeeze %dma_start3A_20 : memref<1x64xi32, #tpu.memory_space<vmem>> -> memref<64xi32, #tpu.memory_space<vmem>>
      %dma_start3A_22 = arith.constant 0 : i32
      %dma_start3A_23 = arith.constant 0 : i32
      %dma_start3A_24 = tpu.memref_slice %arg2[%dma_start3A_22, %dma_start3A_23] : memref<10240x128xf32, #tpu.memory_space<hbm>> -> memref<10240x128xf32, #tpu.memory_space<hbm>>
      tpu.enqueue_indirect_dma source(%dma_start3A_24 : memref<10240x128xf32, #tpu.memory_space<hbm>>) target(%arg11 : memref<64x128xf32, #tpu.memory_space<vmem>>) offsets(%dma_start3A_21 : memref<64xi32, #tpu.memory_space<vmem>>) semaphore(%arg15 : memref<!tpu.dma_semaphore, #tpu.memory_space<semaphore_mem>>)
      %dma_start3A_25 = arith.constant 1 : i32
      %dma_start3A_26 = arith.constant 0 : i32
      %dma_start3A_27 = tpu.memref_slice %arg9[%dma_start3A_25, %dma_start3A_26] : memref<160x64xi32, #tpu.memory_space<vmem>> -> memref<1x64xi32, #tpu.memory_space<vmem>>
      %dma_start3A_28 = tpu.memref_squeeze %dma_start3A_27 : memref<1x64xi32, #tpu.memory_space<vmem>> -> memref<64xi32, #tpu.memory_space<vmem>>
      %dma_start3A_29 = arith.constant 0 : i32
      %dma_start3A_30 = arith.constant 0 : i32
      %dma_start3A_31 = tpu.memref_slice %arg2[%dma_start3A_29, %dma_start3A_30] : memref<10240x128xf32, #tpu.memory_space<hbm>> -> memref<10240x128xf32, #tpu.memory_space<hbm>>
      tpu.enqueue_indirect_dma source(%dma_start3A_31 : memref<10240x128xf32, #tpu.memory_space<hbm>>) target(%arg12 : memref<64x128xf32, #tpu.memory_space<vmem>>) offsets(%dma_start3A_28 : memref<64xi32, #tpu.memory_space<vmem>>) semaphore(%arg16 : memref<!tpu.dma_semaphore, #tpu.memory_space<semaphore_mem>>)
      %dma_start3A_32 = arith.constant 2 : i32
      %dma_start3A_33 = arith.constant 0 : i32
      %dma_start3A_34 = tpu.memref_slice %arg9[%dma_start3A_32, %dma_start3A_33] : memref<160x64xi32, #tpu.memory_space<vmem>> -> memref<1x64xi32, #tpu.memory_space<vmem>>
      %dma_start3A_35 = tpu.memref_squeeze %dma_start3A_34 : memref<1x64xi32, #tpu.memory_space<vmem>> -> memref<64xi32, #tpu.memory_space<vmem>>
      %dma_start3A_36 = arith.constant 0 : i32
      %dma_start3A_37 = arith.constant 0 : i32
      %dma_start3A_38 = tpu.memref_slice %arg2[%dma_start3A_36, %dma_start3A_37] : memref<10240x128xf32, #tpu.memory_space<hbm>> -> memref<10240x128xf32, #tpu.memory_space<hbm>>
      tpu.enqueue_indirect_dma source(%dma_start3A_38 : memref<10240x128xf32, #tpu.memory_space<hbm>>) target(%arg13 : memref<64x128xf32, #tpu.memory_space<vmem>>) offsets(%dma_start3A_35 : memref<64xi32, #tpu.memory_space<vmem>>) semaphore(%arg17 : memref<!tpu.dma_semaphore, #tpu.memory_space<semaphore_mem>>)
      %scan3A = arith.constant 0 : i32
      %scan3A_39 = arith.constant 0 : i32
      %scan3A_40 = arith.constant 53 : i32
      %scan3A_41 = arith.addi %scan3A_39, %scan3A_40 : i32
      %scan3A_42 = arith.constant 1 : i32
      scf.for %scan3A_50 = %scan3A_39 to %scan3A_41 step %scan3A_42  : i32 {
        %mul3A_51 = arith.constant 3 : i32
        %mul3A_52 = arith.muli %scan3A_50, %mul3A_51 : i32
        %add3A = arith.constant 0 : i32
        %add3A_53 = arith.addi %mul3A_52, %add3A : i32
        %dma_wait3A_54 = arith.constant 0 : i32
        %dma_wait3A_55 = tpu.memref_slice %arg9[%add3A_53, %dma_wait3A_54] : memref<160x64xi32, #tpu.memory_space<vmem>> -> memref<1x64xi32, #tpu.memory_space<vmem>>
        %dma_wait3A_56 = tpu.memref_squeeze %dma_wait3A_55 : memref<1x64xi32, #tpu.memory_space<vmem>> -> memref<64xi32, #tpu.memory_space<vmem>>
        %dma_wait3A_57 = arith.constant 0 : i32
        %dma_wait3A_58 = arith.constant 0 : i32
        %dma_wait3A_59 = tpu.memref_slice %arg2[%dma_wait3A_57, %dma_wait3A_58] : memref<10240x128xf32, #tpu.memory_space<hbm>> -> memref<10240x128xf32, #tpu.memory_space<hbm>>
        tpu.wait_indirect_dma semaphore(%arg15 : memref<!tpu.dma_semaphore, #tpu.memory_space<semaphore_mem>>) src(%dma_wait3A_59 : memref<10240x128xf32, #tpu.memory_space<hbm>>) dst(%arg11 : memref<64x128xf32, #tpu.memory_space<vmem>>)
        "tpu.region"() ({
          %run_scoped3A_100 = tpu.sem_alloc : memref<!tpu.dma_semaphore, #tpu.memory_space<semaphore_mem>>
          %dma_start3A_101 = arith.constant 0 : i32
          %dma_start3A_102 = tpu.memref_slice %arg10[%add3A_53, %dma_start3A_101] : memref<160x64xi32, #tpu.memory_space<vmem>> -> memref<1x64xi32, #tpu.memory_space<vmem>>
          %dma_start3A_103 = tpu.memref_squeeze %dma_start3A_102 : memref<1x64xi32, #tpu.memory_space<vmem>> -> memref<64xi32, #tpu.memory_space<vmem>>
          %dma_start3A_104 = arith.constant 0 : i32
          %dma_start3A_105 = arith.constant 0 : i32
          %dma_start3A_106 = tpu.memref_slice %arg14[%dma_start3A_104, %dma_start3A_105] : memref<10240x128xf32, #tpu.memory_space<vmem_shared>> -> memref<10240x128xf32, #tpu.memory_space<vmem_shared>>
          tpu.enqueue_indirect_dma source(%arg11 : memref<64x128xf32, #tpu.memory_space<vmem>>) target(%dma_start3A_106 : memref<10240x128xf32, #tpu.memory_space<vmem_shared>>) offsets(%dma_start3A_103 : memref<64xi32, #tpu.memory_space<vmem>>) semaphore(%run_scoped3A_100 : memref<!tpu.dma_semaphore, #tpu.memory_space<semaphore_mem>>) {add = true}
          %dma_wait3A_107 = arith.constant 0 : i32
          %dma_wait3A_108 = tpu.memref_slice %arg10[%add3A_53, %dma_wait3A_107] : memref<160x64xi32, #tpu.memory_space<vmem>> -> memref<1x64xi32, #tpu.memory_space<vmem>>
          %dma_wait3A_109 = tpu.memref_squeeze %dma_wait3A_108 : memref<1x64xi32, #tpu.memory_space<vmem>> -> memref<64xi32, #tpu.memory_space<vmem>>
          %dma_wait3A_110 = arith.constant 0 : i32
          %dma_wait3A_111 = arith.constant 0 : i32
          %dma_wait3A_112 = tpu.memref_slice %arg14[%dma_wait3A_110, %dma_wait3A_111] : memref<10240x128xf32, #tpu.memory_space<vmem_shared>> -> memref<10240x128xf32, #tpu.memory_space<vmem_shared>>
          tpu.wait_indirect_dma semaphore(%run_scoped3A_100 : memref<!tpu.dma_semaphore, #tpu.memory_space<semaphore_mem>>) src(%arg11 : memref<64x128xf32, #tpu.memory_space<vmem>>) dst(%dma_wait3A_112 : memref<10240x128xf32, #tpu.memory_space<vmem_shared>>)
          tpu.yield
        }) : () -> ()
        %add3A_60 = arith.constant 3 : i32
        %add3A_61 = arith.addi %add3A_53, %add3A_60 : i32
        %lt3A = arith.constant 160 : i32
        %lt3A_62 = arith.cmpi slt, %add3A_61, %lt3A : i32
        %convert_element_type3A_63 = arith.extui %lt3A_62 : i1 to i32
        %cond3A_64 = arith.constant 0 : i32
        %cond3A_65 = arith.cmpi ne, %convert_element_type3A_63, %cond3A_64 : i32
        scf.if %cond3A_65 {
          %add3A_100 = arith.constant 3 : i32
          %add3A_101 = arith.addi %add3A_53, %add3A_100 : i32
          %dma_start3A_102 = arith.constant 0 : i32
          %dma_start3A_103 = tpu.memref_slice %arg9[%add3A_101, %dma_start3A_102] : memref<160x64xi32, #tpu.memory_space<vmem>> -> memref<1x64xi32, #tpu.memory_space<vmem>>
          %dma_start3A_104 = tpu.memref_squeeze %dma_start3A_103 : memref<1x64xi32, #tpu.memory_space<vmem>> -> memref<64xi32, #tpu.memory_space<vmem>>
          %dma_start3A_105 = arith.constant 0 : i32
          %dma_start3A_106 = arith.constant 0 : i32
          %dma_start3A_107 = tpu.memref_slice %arg2[%dma_start3A_105, %dma_start3A_106] : memref<10240x128xf32, #tpu.memory_space<hbm>> -> memref<10240x128xf32, #tpu.memory_space<hbm>>
          tpu.enqueue_indirect_dma source(%dma_start3A_107 : memref<10240x128xf32, #tpu.memory_space<hbm>>) target(%arg11 : memref<64x128xf32, #tpu.memory_space<vmem>>) offsets(%dma_start3A_104 : memref<64xi32, #tpu.memory_space<vmem>>) semaphore(%arg15 : memref<!tpu.dma_semaphore, #tpu.memory_space<semaphore_mem>>)
        } else {
        }
        %mul3A_66 = arith.constant 3 : i32
        %mul3A_67 = arith.muli %scan3A_50, %mul3A_66 : i32
        %add3A_68 = arith.constant 1 : i32
        %add3A_69 = arith.addi %mul3A_67, %add3A_68 : i32
        %dma_wait3A_70 = arith.constant 0 : i32
        %dma_wait3A_71 = tpu.memref_slice %arg9[%add3A_69, %dma_wait3A_70] : memref<160x64xi32, #tpu.memory_space<vmem>> -> memref<1x64xi32, #tpu.memory_space<vmem>>
        %dma_wait3A_72 = tpu.memref_squeeze %dma_wait3A_71 : memref<1x64xi32, #tpu.memory_space<vmem>> -> memref<64xi32, #tpu.memory_space<vmem>>
        %dma_wait3A_73 = arith.constant 0 : i32
        %dma_wait3A_74 = arith.constant 0 : i32
        %dma_wait3A_75 = tpu.memref_slice %arg2[%dma_wait3A_73, %dma_wait3A_74] : memref<10240x128xf32, #tpu.memory_space<hbm>> -> memref<10240x128xf32, #tpu.memory_space<hbm>>
        tpu.wait_indirect_dma semaphore(%arg16 : memref<!tpu.dma_semaphore, #tpu.memory_space<semaphore_mem>>) src(%dma_wait3A_75 : memref<10240x128xf32, #tpu.memory_space<hbm>>) dst(%arg12 : memref<64x128xf32, #tpu.memory_space<vmem>>)
        "tpu.region"() ({
          %run_scoped3A_100 = tpu.sem_alloc : memref<!tpu.dma_semaphore, #tpu.memory_space<semaphore_mem>>
          %dma_start3A_101 = arith.constant 0 : i32
          %dma_start3A_102 = tpu.memref_slice %arg10[%add3A_69, %dma_start3A_101] : memref<160x64xi32, #tpu.memory_space<vmem>> -> memref<1x64xi32, #tpu.memory_space<vmem>>
          %dma_start3A_103 = tpu.memref_squeeze %dma_start3A_102 : memref<1x64xi32, #tpu.memory_space<vmem>> -> memref<64xi32, #tpu.memory_space<vmem>>
          %dma_start3A_104 = arith.constant 0 : i32
          %dma_start3A_105 = arith.constant 0 : i32
          %dma_start3A_106 = tpu.memref_slice %arg14[%dma_start3A_104, %dma_start3A_105] : memref<10240x128xf32, #tpu.memory_space<vmem_shared>> -> memref<10240x128xf32, #tpu.memory_space<vmem_shared>>
          tpu.enqueue_indirect_dma source(%arg12 : memref<64x128xf32, #tpu.memory_space<vmem>>) target(%dma_start3A_106 : memref<10240x128xf32, #tpu.memory_space<vmem_shared>>) offsets(%dma_start3A_103 : memref<64xi32, #tpu.memory_space<vmem>>) semaphore(%run_scoped3A_100 : memref<!tpu.dma_semaphore, #tpu.memory_space<semaphore_mem>>) {add = true}
          %dma_wait3A_107 = arith.constant 0 : i32
          %dma_wait3A_108 = tpu.memref_slice %arg10[%add3A_69, %dma_wait3A_107] : memref<160x64xi32, #tpu.memory_space<vmem>> -> memref<1x64xi32, #tpu.memory_space<vmem>>
          %dma_wait3A_109 = tpu.memref_squeeze %dma_wait3A_108 : memref<1x64xi32, #tpu.memory_space<vmem>> -> memref<64xi32, #tpu.memory_space<vmem>>
          %dma_wait3A_110 = arith.constant 0 : i32
          %dma_wait3A_111 = arith.constant 0 : i32
          %dma_wait3A_112 = tpu.memref_slice %arg14[%dma_wait3A_110, %dma_wait3A_111] : memref<10240x128xf32, #tpu.memory_space<vmem_shared>> -> memref<10240x128xf32, #tpu.memory_space<vmem_shared>>
          tpu.wait_indirect_dma semaphore(%run_scoped3A_100 : memref<!tpu.dma_semaphore, #tpu.memory_space<semaphore_mem>>) src(%arg12 : memref<64x128xf32, #tpu.memory_space<vmem>>) dst(%dma_wait3A_112 : memref<10240x128xf32, #tpu.memory_space<vmem_shared>>)
          tpu.yield
        }) : () -> ()
        %add3A_76 = arith.constant 3 : i32
        %add3A_77 = arith.addi %add3A_69, %add3A_76 : i32
        %lt3A_78 = arith.constant 160 : i32
        %lt3A_79 = arith.cmpi slt, %add3A_77, %lt3A_78 : i32
        %convert_element_type3A_80 = arith.extui %lt3A_79 : i1 to i32
        %cond3A_81 = arith.constant 0 : i32
        %cond3A_82 = arith.cmpi ne, %convert_element_type3A_80, %cond3A_81 : i32
        scf.if %cond3A_82 {
          %add3A_100 = arith.constant 3 : i32
          %add3A_101 = arith.addi %add3A_69, %add3A_100 : i32
          %dma_start3A_102 = arith.constant 0 : i32
          %dma_start3A_103 = tpu.memref_slice %arg9[%add3A_101, %dma_start3A_102] : memref<160x64xi32, #tpu.memory_space<vmem>> -> memref<1x64xi32, #tpu.memory_space<vmem>>
          %dma_start3A_104 = tpu.memref_squeeze %dma_start3A_103 : memref<1x64xi32, #tpu.memory_space<vmem>> -> memref<64xi32, #tpu.memory_space<vmem>>
          %dma_start3A_105 = arith.constant 0 : i32
          %dma_start3A_106 = arith.constant 0 : i32
          %dma_start3A_107 = tpu.memref_slice %arg2[%dma_start3A_105, %dma_start3A_106] : memref<10240x128xf32, #tpu.memory_space<hbm>> -> memref<10240x128xf32, #tpu.memory_space<hbm>>
          tpu.enqueue_indirect_dma source(%dma_start3A_107 : memref<10240x128xf32, #tpu.memory_space<hbm>>) target(%arg12 : memref<64x128xf32, #tpu.memory_space<vmem>>) offsets(%dma_start3A_104 : memref<64xi32, #tpu.memory_space<vmem>>) semaphore(%arg16 : memref<!tpu.dma_semaphore, #tpu.memory_space<semaphore_mem>>)
        } else {
        }
        %mul3A_83 = arith.constant 3 : i32
        %mul3A_84 = arith.muli %scan3A_50, %mul3A_83 : i32
        %add3A_85 = arith.constant 2 : i32
        %add3A_86 = arith.addi %mul3A_84, %add3A_85 : i32
        %dma_wait3A_87 = arith.constant 0 : i32
        %dma_wait3A_88 = tpu.memref_slice %arg9[%add3A_86, %dma_wait3A_87] : memref<160x64xi32, #tpu.memory_space<vmem>> -> memref<1x64xi32, #tpu.memory_space<vmem>>
        %dma_wait3A_89 = tpu.memref_squeeze %dma_wait3A_88 : memref<1x64xi32, #tpu.memory_space<vmem>> -> memref<64xi32, #tpu.memory_space<vmem>>
        %dma_wait3A_90 = arith.constant 0 : i32
        %dma_wait3A_91 = arith.constant 0 : i32
        %dma_wait3A_92 = tpu.memref_slice %arg2[%dma_wait3A_90, %dma_wait3A_91] : memref<10240x128xf32, #tpu.memory_space<hbm>> -> memref<10240x128xf32, #tpu.memory_space<hbm>>
        tpu.wait_indirect_dma semaphore(%arg17 : memref<!tpu.dma_semaphore, #tpu.memory_space<semaphore_mem>>) src(%dma_wait3A_92 : memref<10240x128xf32, #tpu.memory_space<hbm>>) dst(%arg13 : memref<64x128xf32, #tpu.memory_space<vmem>>)
        "tpu.region"() ({
          %run_scoped3A_100 = tpu.sem_alloc : memref<!tpu.dma_semaphore, #tpu.memory_space<semaphore_mem>>
          %dma_start3A_101 = arith.constant 0 : i32
          %dma_start3A_102 = tpu.memref_slice %arg10[%add3A_86, %dma_start3A_101] : memref<160x64xi32, #tpu.memory_space<vmem>> -> memref<1x64xi32, #tpu.memory_space<vmem>>
          %dma_start3A_103 = tpu.memref_squeeze %dma_start3A_102 : memref<1x64xi32, #tpu.memory_space<vmem>> -> memref<64xi32, #tpu.memory_space<vmem>>
          %dma_start3A_104 = arith.constant 0 : i32
          %dma_start3A_105 = arith.constant 0 : i32
          %dma_start3A_106 = tpu.memref_slice %arg14[%dma_start3A_104, %dma_start3A_105] : memref<10240x128xf32, #tpu.memory_space<vmem_shared>> -> memref<10240x128xf32, #tpu.memory_space<vmem_shared>>
          tpu.enqueue_indirect_dma source(%arg13 : memref<64x128xf32, #tpu.memory_space<vmem>>) target(%dma_start3A_106 : memref<10240x128xf32, #tpu.memory_space<vmem_shared>>) offsets(%dma_start3A_103 : memref<64xi32, #tpu.memory_space<vmem>>) semaphore(%run_scoped3A_100 : memref<!tpu.dma_semaphore, #tpu.memory_space<semaphore_mem>>) {add = true}
          %dma_wait3A_107 = arith.constant 0 : i32
          %dma_wait3A_108 = tpu.memref_slice %arg10[%add3A_86, %dma_wait3A_107] : memref<160x64xi32, #tpu.memory_space<vmem>> -> memref<1x64xi32, #tpu.memory_space<vmem>>
          %dma_wait3A_109 = tpu.memref_squeeze %dma_wait3A_108 : memref<1x64xi32, #tpu.memory_space<vmem>> -> memref<64xi32, #tpu.memory_space<vmem>>
          %dma_wait3A_110 = arith.constant 0 : i32
          %dma_wait3A_111 = arith.constant 0 : i32
          %dma_wait3A_112 = tpu.memref_slice %arg14[%dma_wait3A_110, %dma_wait3A_111] : memref<10240x128xf32, #tpu.memory_space<vmem_shared>> -> memref<10240x128xf32, #tpu.memory_space<vmem_shared>>
          tpu.wait_indirect_dma semaphore(%run_scoped3A_100 : memref<!tpu.dma_semaphore, #tpu.memory_space<semaphore_mem>>) src(%arg13 : memref<64x128xf32, #tpu.memory_space<vmem>>) dst(%dma_wait3A_112 : memref<10240x128xf32, #tpu.memory_space<vmem_shared>>)
          tpu.yield
        }) : () -> ()
        %add3A_93 = arith.constant 3 : i32
        %add3A_94 = arith.addi %add3A_86, %add3A_93 : i32
        %lt3A_95 = arith.constant 160 : i32
        %lt3A_96 = arith.cmpi slt, %add3A_94, %lt3A_95 : i32
        %convert_element_type3A_97 = arith.extui %lt3A_96 : i1 to i32
        %cond3A_98 = arith.constant 0 : i32
        %cond3A_99 = arith.cmpi ne, %convert_element_type3A_97, %cond3A_98 : i32
        scf.if %cond3A_99 {
          %add3A_100 = arith.constant 3 : i32
          %add3A_101 = arith.addi %add3A_86, %add3A_100 : i32
          %dma_start3A_102 = arith.constant 0 : i32
          %dma_start3A_103 = tpu.memref_slice %arg9[%add3A_101, %dma_start3A_102] : memref<160x64xi32, #tpu.memory_space<vmem>> -> memref<1x64xi32, #tpu.memory_space<vmem>>
          %dma_start3A_104 = tpu.memref_squeeze %dma_start3A_103 : memref<1x64xi32, #tpu.memory_space<vmem>> -> memref<64xi32, #tpu.memory_space<vmem>>
          %dma_start3A_105 = arith.constant 0 : i32
          %dma_start3A_106 = arith.constant 0 : i32
          %dma_start3A_107 = tpu.memref_slice %arg2[%dma_start3A_105, %dma_start3A_106] : memref<10240x128xf32, #tpu.memory_space<hbm>> -> memref<10240x128xf32, #tpu.memory_space<hbm>>
          tpu.enqueue_indirect_dma source(%dma_start3A_107 : memref<10240x128xf32, #tpu.memory_space<hbm>>) target(%arg13 : memref<64x128xf32, #tpu.memory_space<vmem>>) offsets(%dma_start3A_104 : memref<64xi32, #tpu.memory_space<vmem>>) semaphore(%arg17 : memref<!tpu.dma_semaphore, #tpu.memory_space<semaphore_mem>>)
        } else {
        }
      }
      %scan3A_43 = arith.constant 53 : i32
      %dma_wait3A = arith.constant 159 : i32
      %dma_wait3A_44 = arith.constant 0 : i32
      %dma_wait3A_45 = tpu.memref_slice %arg9[%dma_wait3A, %dma_wait3A_44] : memref<160x64xi32, #tpu.memory_space<vmem>> -> memref<1x64xi32, #tpu.memory_space<vmem>>
      %dma_wait3A_46 = tpu.memref_squeeze %dma_wait3A_45 : memref<1x64xi32, #tpu.memory_space<vmem>> -> memref<64xi32, #tpu.memory_space<vmem>>
      %dma_wait3A_47 = arith.constant 0 : i32
      %dma_wait3A_48 = arith.constant 0 : i32
      %dma_wait3A_49 = tpu.memref_slice %arg2[%dma_wait3A_47, %dma_wait3A_48] : memref<10240x128xf32, #tpu.memory_space<hbm>> -> memref<10240x128xf32, #tpu.memory_space<hbm>>
      tpu.wait_indirect_dma semaphore(%arg15 : memref<!tpu.dma_semaphore, #tpu.memory_space<semaphore_mem>>) src(%dma_wait3A_49 : memref<10240x128xf32, #tpu.memory_space<hbm>>) dst(%arg11 : memref<64x128xf32, #tpu.memory_space<vmem>>)
      %run_scoped3A = arith.constant 159 : i32
      "tpu.region"() ({
        %run_scoped3A_50 = tpu.sem_alloc : memref<!tpu.dma_semaphore, #tpu.memory_space<semaphore_mem>>
        %dma_start3A_51 = arith.constant 0 : i32
        %dma_start3A_52 = tpu.memref_slice %arg10[%run_scoped3A, %dma_start3A_51] : memref<160x64xi32, #tpu.memory_space<vmem>> -> memref<1x64xi32, #tpu.memory_space<vmem>>
        %dma_start3A_53 = tpu.memref_squeeze %dma_start3A_52 : memref<1x64xi32, #tpu.memory_space<vmem>> -> memref<64xi32, #tpu.memory_space<vmem>>
        %dma_start3A_54 = arith.constant 0 : i32
        %dma_start3A_55 = arith.constant 0 : i32
        %dma_start3A_56 = tpu.memref_slice %arg14[%dma_start3A_54, %dma_start3A_55] : memref<10240x128xf32, #tpu.memory_space<vmem_shared>> -> memref<10240x128xf32, #tpu.memory_space<vmem_shared>>
        tpu.enqueue_indirect_dma source(%arg11 : memref<64x128xf32, #tpu.memory_space<vmem>>) target(%dma_start3A_56 : memref<10240x128xf32, #tpu.memory_space<vmem_shared>>) offsets(%dma_start3A_53 : memref<64xi32, #tpu.memory_space<vmem>>) semaphore(%run_scoped3A_50 : memref<!tpu.dma_semaphore, #tpu.memory_space<semaphore_mem>>) {add = true}
        %dma_wait3A_57 = arith.constant 0 : i32
        %dma_wait3A_58 = tpu.memref_slice %arg10[%run_scoped3A, %dma_wait3A_57] : memref<160x64xi32, #tpu.memory_space<vmem>> -> memref<1x64xi32, #tpu.memory_space<vmem>>
        %dma_wait3A_59 = tpu.memref_squeeze %dma_wait3A_58 : memref<1x64xi32, #tpu.memory_space<vmem>> -> memref<64xi32, #tpu.memory_space<vmem>>
        %dma_wait3A_60 = arith.constant 0 : i32
        %dma_wait3A_61 = arith.constant 0 : i32
        %dma_wait3A_62 = tpu.memref_slice %arg14[%dma_wait3A_60, %dma_wait3A_61] : memref<10240x128xf32, #tpu.memory_space<vmem_shared>> -> memref<10240x128xf32, #tpu.memory_space<vmem_shared>>
        tpu.wait_indirect_dma semaphore(%run_scoped3A_50 : memref<!tpu.dma_semaphore, #tpu.memory_space<semaphore_mem>>) src(%arg11 : memref<64x128xf32, #tpu.memory_space<vmem>>) dst(%dma_wait3A_62 : memref<10240x128xf32, #tpu.memory_space<vmem_shared>>)
        tpu.yield
      }) : () -> ()
    } else {
    }
    %eq3A_3 = arith.constant 1 : i32
    %eq3A_4 = arith.cmpi eq, %arg0, %eq3A_3 : i32
    %convert_element_type3A_5 = arith.extui %eq3A_4 : i1 to i32
    %cond3A_6 = arith.constant 0 : i32
    %cond3A_7 = arith.cmpi ne, %convert_element_type3A_5, %cond3A_6 : i32
    scf.if %cond3A_7 {
      %dma_start3A = arith.constant 0 : i32
      %dma_start3A_19 = arith.constant 0 : i32
      %dma_start3A_20 = tpu.memref_slice %arg9[%dma_start3A, %dma_start3A_19] : memref<160x64xi32, #tpu.memory_space<vmem>> -> memref<1x64xi32, #tpu.memory_space<vmem>>
      %dma_start3A_21 = tpu.memref_squeeze %dma_start3A_20 : memref<1x64xi32, #tpu.memory_space<vmem>> -> memref<64xi32, #tpu.memory_space<vmem>>
      %dma_start3A_22 = arith.constant 0 : i32
      %dma_start3A_23 = arith.constant 0 : i32
      %dma_start3A_24 = tpu.memref_slice %arg3[%dma_start3A_22, %dma_start3A_23] : memref<10240x128xf32, #tpu.memory_space<hbm>> -> memref<10240x128xf32, #tpu.memory_space<hbm>>
      tpu.enqueue_indirect_dma source(%dma_start3A_24 : memref<10240x128xf32, #tpu.memory_space<hbm>>) target(%arg11 : memref<64x128xf32, #tpu.memory_space<vmem>>) offsets(%dma_start3A_21 : memref<64xi32, #tpu.memory_space<vmem>>) semaphore(%arg15 : memref<!tpu.dma_semaphore, #tpu.memory_space<semaphore_mem>>)
      %dma_start3A_25 = arith.constant 1 : i32
      %dma_start3A_26 = arith.constant 0 : i32
      %dma_start3A_27 = tpu.memref_slice %arg9[%dma_start3A_25, %dma_start3A_26] : memref<160x64xi32, #tpu.memory_space<vmem>> -> memref<1x64xi32, #tpu.memory_space<vmem>>
      %dma_start3A_28 = tpu.memref_squeeze %dma_start3A_27 : memref<1x64xi32, #tpu.memory_space<vmem>> -> memref<64xi32, #tpu.memory_space<vmem>>
      %dma_start3A_29 = arith.constant 0 : i32
      %dma_start3A_30 = arith.constant 0 : i32
      %dma_start3A_31 = tpu.memref_slice %arg3[%dma_start3A_29, %dma_start3A_30] : memref<10240x128xf32, #tpu.memory_space<hbm>> -> memref<10240x128xf32, #tpu.memory_space<hbm>>
      tpu.enqueue_indirect_dma source(%dma_start3A_31 : memref<10240x128xf32, #tpu.memory_space<hbm>>) target(%arg12 : memref<64x128xf32, #tpu.memory_space<vmem>>) offsets(%dma_start3A_28 : memref<64xi32, #tpu.memory_space<vmem>>) semaphore(%arg16 : memref<!tpu.dma_semaphore, #tpu.memory_space<semaphore_mem>>)
      %dma_start3A_32 = arith.constant 2 : i32
      %dma_start3A_33 = arith.constant 0 : i32
      %dma_start3A_34 = tpu.memref_slice %arg9[%dma_start3A_32, %dma_start3A_33] : memref<160x64xi32, #tpu.memory_space<vmem>> -> memref<1x64xi32, #tpu.memory_space<vmem>>
      %dma_start3A_35 = tpu.memref_squeeze %dma_start3A_34 : memref<1x64xi32, #tpu.memory_space<vmem>> -> memref<64xi32, #tpu.memory_space<vmem>>
      %dma_start3A_36 = arith.constant 0 : i32
      %dma_start3A_37 = arith.constant 0 : i32
      %dma_start3A_38 = tpu.memref_slice %arg3[%dma_start3A_36, %dma_start3A_37] : memref<10240x128xf32, #tpu.memory_space<hbm>> -> memref<10240x128xf32, #tpu.memory_space<hbm>>
      tpu.enqueue_indirect_dma source(%dma_start3A_38 : memref<10240x128xf32, #tpu.memory_space<hbm>>) target(%arg13 : memref<64x128xf32, #tpu.memory_space<vmem>>) offsets(%dma_start3A_35 : memref<64xi32, #tpu.memory_space<vmem>>) semaphore(%arg17 : memref<!tpu.dma_semaphore, #tpu.memory_space<semaphore_mem>>)
      %scan3A = arith.constant 0 : i32
      %scan3A_39 = arith.constant 0 : i32
      %scan3A_40 = arith.constant 53 : i32
      %scan3A_41 = arith.addi %scan3A_39, %scan3A_40 : i32
      %scan3A_42 = arith.constant 1 : i32
      scf.for %scan3A_50 = %scan3A_39 to %scan3A_41 step %scan3A_42  : i32 {
        %mul3A_51 = arith.constant 3 : i32
        %mul3A_52 = arith.muli %scan3A_50, %mul3A_51 : i32
        %add3A = arith.constant 0 : i32
        %add3A_53 = arith.addi %mul3A_52, %add3A : i32
        %dma_wait3A_54 = arith.constant 0 : i32
        %dma_wait3A_55 = tpu.memref_slice %arg9[%add3A_53, %dma_wait3A_54] : memref<160x64xi32, #tpu.memory_space<vmem>> -> memref<1x64xi32, #tpu.memory_space<vmem>>
        %dma_wait3A_56 = tpu.memref_squeeze %dma_wait3A_55 : memref<1x64xi32, #tpu.memory_space<vmem>> -> memref<64xi32, #tpu.memory_space<vmem>>
        %dma_wait3A_57 = arith.constant 0 : i32
        %dma_wait3A_58 = arith.constant 0 : i32
        %dma_wait3A_59 = tpu.memref_slice %arg3[%dma_wait3A_57, %dma_wait3A_58] : memref<10240x128xf32, #tpu.memory_space<hbm>> -> memref<10240x128xf32, #tpu.memory_space<hbm>>
        tpu.wait_indirect_dma semaphore(%arg15 : memref<!tpu.dma_semaphore, #tpu.memory_space<semaphore_mem>>) src(%dma_wait3A_59 : memref<10240x128xf32, #tpu.memory_space<hbm>>) dst(%arg11 : memref<64x128xf32, #tpu.memory_space<vmem>>)
        "tpu.region"() ({
          %run_scoped3A_100 = tpu.sem_alloc : memref<!tpu.dma_semaphore, #tpu.memory_space<semaphore_mem>>
          %dma_start3A_101 = arith.constant 0 : i32
          %dma_start3A_102 = tpu.memref_slice %arg10[%add3A_53, %dma_start3A_101] : memref<160x64xi32, #tpu.memory_space<vmem>> -> memref<1x64xi32, #tpu.memory_space<vmem>>
          %dma_start3A_103 = tpu.memref_squeeze %dma_start3A_102 : memref<1x64xi32, #tpu.memory_space<vmem>> -> memref<64xi32, #tpu.memory_space<vmem>>
          %dma_start3A_104 = arith.constant 0 : i32
          %dma_start3A_105 = arith.constant 0 : i32
          %dma_start3A_106 = tpu.memref_slice %arg14[%dma_start3A_104, %dma_start3A_105] : memref<10240x128xf32, #tpu.memory_space<vmem_shared>> -> memref<10240x128xf32, #tpu.memory_space<vmem_shared>>
          tpu.enqueue_indirect_dma source(%arg11 : memref<64x128xf32, #tpu.memory_space<vmem>>) target(%dma_start3A_106 : memref<10240x128xf32, #tpu.memory_space<vmem_shared>>) offsets(%dma_start3A_103 : memref<64xi32, #tpu.memory_space<vmem>>) semaphore(%run_scoped3A_100 : memref<!tpu.dma_semaphore, #tpu.memory_space<semaphore_mem>>) {add = true}
          %dma_wait3A_107 = arith.constant 0 : i32
          %dma_wait3A_108 = tpu.memref_slice %arg10[%add3A_53, %dma_wait3A_107] : memref<160x64xi32, #tpu.memory_space<vmem>> -> memref<1x64xi32, #tpu.memory_space<vmem>>
          %dma_wait3A_109 = tpu.memref_squeeze %dma_wait3A_108 : memref<1x64xi32, #tpu.memory_space<vmem>> -> memref<64xi32, #tpu.memory_space<vmem>>
          %dma_wait3A_110 = arith.constant 0 : i32
          %dma_wait3A_111 = arith.constant 0 : i32
          %dma_wait3A_112 = tpu.memref_slice %arg14[%dma_wait3A_110, %dma_wait3A_111] : memref<10240x128xf32, #tpu.memory_space<vmem_shared>> -> memref<10240x128xf32, #tpu.memory_space<vmem_shared>>
          tpu.wait_indirect_dma semaphore(%run_scoped3A_100 : memref<!tpu.dma_semaphore, #tpu.memory_space<semaphore_mem>>) src(%arg11 : memref<64x128xf32, #tpu.memory_space<vmem>>) dst(%dma_wait3A_112 : memref<10240x128xf32, #tpu.memory_space<vmem_shared>>)
          tpu.yield
        }) : () -> ()
        %add3A_60 = arith.constant 3 : i32
        %add3A_61 = arith.addi %add3A_53, %add3A_60 : i32
        %lt3A = arith.constant 160 : i32
        %lt3A_62 = arith.cmpi slt, %add3A_61, %lt3A : i32
        %convert_element_type3A_63 = arith.extui %lt3A_62 : i1 to i32
        %cond3A_64 = arith.constant 0 : i32
        %cond3A_65 = arith.cmpi ne, %convert_element_type3A_63, %cond3A_64 : i32
        scf.if %cond3A_65 {
          %add3A_100 = arith.constant 3 : i32
          %add3A_101 = arith.addi %add3A_53, %add3A_100 : i32
          %dma_start3A_102 = arith.constant 0 : i32
          %dma_start3A_103 = tpu.memref_slice %arg9[%add3A_101, %dma_start3A_102] : memref<160x64xi32, #tpu.memory_space<vmem>> -> memref<1x64xi32, #tpu.memory_space<vmem>>
          %dma_start3A_104 = tpu.memref_squeeze %dma_start3A_103 : memref<1x64xi32, #tpu.memory_space<vmem>> -> memref<64xi32, #tpu.memory_space<vmem>>
          %dma_start3A_105 = arith.constant 0 : i32
          %dma_start3A_106 = arith.constant 0 : i32
          %dma_start3A_107 = tpu.memref_slice %arg3[%dma_start3A_105, %dma_start3A_106] : memref<10240x128xf32, #tpu.memory_space<hbm>> -> memref<10240x128xf32, #tpu.memory_space<hbm>>
          tpu.enqueue_indirect_dma source(%dma_start3A_107 : memref<10240x128xf32, #tpu.memory_space<hbm>>) target(%arg11 : memref<64x128xf32, #tpu.memory_space<vmem>>) offsets(%dma_start3A_104 : memref<64xi32, #tpu.memory_space<vmem>>) semaphore(%arg15 : memref<!tpu.dma_semaphore, #tpu.memory_space<semaphore_mem>>)
        } else {
        }
        %mul3A_66 = arith.constant 3 : i32
        %mul3A_67 = arith.muli %scan3A_50, %mul3A_66 : i32
        %add3A_68 = arith.constant 1 : i32
        %add3A_69 = arith.addi %mul3A_67, %add3A_68 : i32
        %dma_wait3A_70 = arith.constant 0 : i32
        %dma_wait3A_71 = tpu.memref_slice %arg9[%add3A_69, %dma_wait3A_70] : memref<160x64xi32, #tpu.memory_space<vmem>> -> memref<1x64xi32, #tpu.memory_space<vmem>>
        %dma_wait3A_72 = tpu.memref_squeeze %dma_wait3A_71 : memref<1x64xi32, #tpu.memory_space<vmem>> -> memref<64xi32, #tpu.memory_space<vmem>>
        %dma_wait3A_73 = arith.constant 0 : i32
        %dma_wait3A_74 = arith.constant 0 : i32
        %dma_wait3A_75 = tpu.memref_slice %arg3[%dma_wait3A_73, %dma_wait3A_74] : memref<10240x128xf32, #tpu.memory_space<hbm>> -> memref<10240x128xf32, #tpu.memory_space<hbm>>
        tpu.wait_indirect_dma semaphore(%arg16 : memref<!tpu.dma_semaphore, #tpu.memory_space<semaphore_mem>>) src(%dma_wait3A_75 : memref<10240x128xf32, #tpu.memory_space<hbm>>) dst(%arg12 : memref<64x128xf32, #tpu.memory_space<vmem>>)
        "tpu.region"() ({
          %run_scoped3A_100 = tpu.sem_alloc : memref<!tpu.dma_semaphore, #tpu.memory_space<semaphore_mem>>
          %dma_start3A_101 = arith.constant 0 : i32
          %dma_start3A_102 = tpu.memref_slice %arg10[%add3A_69, %dma_start3A_101] : memref<160x64xi32, #tpu.memory_space<vmem>> -> memref<1x64xi32, #tpu.memory_space<vmem>>
          %dma_start3A_103 = tpu.memref_squeeze %dma_start3A_102 : memref<1x64xi32, #tpu.memory_space<vmem>> -> memref<64xi32, #tpu.memory_space<vmem>>
          %dma_start3A_104 = arith.constant 0 : i32
          %dma_start3A_105 = arith.constant 0 : i32
          %dma_start3A_106 = tpu.memref_slice %arg14[%dma_start3A_104, %dma_start3A_105] : memref<10240x128xf32, #tpu.memory_space<vmem_shared>> -> memref<10240x128xf32, #tpu.memory_space<vmem_shared>>
          tpu.enqueue_indirect_dma source(%arg12 : memref<64x128xf32, #tpu.memory_space<vmem>>) target(%dma_start3A_106 : memref<10240x128xf32, #tpu.memory_space<vmem_shared>>) offsets(%dma_start3A_103 : memref<64xi32, #tpu.memory_space<vmem>>) semaphore(%run_scoped3A_100 : memref<!tpu.dma_semaphore, #tpu.memory_space<semaphore_mem>>) {add = true}
          %dma_wait3A_107 = arith.constant 0 : i32
          %dma_wait3A_108 = tpu.memref_slice %arg10[%add3A_69, %dma_wait3A_107] : memref<160x64xi32, #tpu.memory_space<vmem>> -> memref<1x64xi32, #tpu.memory_space<vmem>>
          %dma_wait3A_109 = tpu.memref_squeeze %dma_wait3A_108 : memref<1x64xi32, #tpu.memory_space<vmem>> -> memref<64xi32, #tpu.memory_space<vmem>>
          %dma_wait3A_110 = arith.constant 0 : i32
          %dma_wait3A_111 = arith.constant 0 : i32
          %dma_wait3A_112 = tpu.memref_slice %arg14[%dma_wait3A_110, %dma_wait3A_111] : memref<10240x128xf32, #tpu.memory_space<vmem_shared>> -> memref<10240x128xf32, #tpu.memory_space<vmem_shared>>
          tpu.wait_indirect_dma semaphore(%run_scoped3A_100 : memref<!tpu.dma_semaphore, #tpu.memory_space<semaphore_mem>>) src(%arg12 : memref<64x128xf32, #tpu.memory_space<vmem>>) dst(%dma_wait3A_112 : memref<10240x128xf32, #tpu.memory_space<vmem_shared>>)
          tpu.yield
        }) : () -> ()
        %add3A_76 = arith.constant 3 : i32
        %add3A_77 = arith.addi %add3A_69, %add3A_76 : i32
        %lt3A_78 = arith.constant 160 : i32
        %lt3A_79 = arith.cmpi slt, %add3A_77, %lt3A_78 : i32
        %convert_element_type3A_80 = arith.extui %lt3A_79 : i1 to i32
        %cond3A_81 = arith.constant 0 : i32
        %cond3A_82 = arith.cmpi ne, %convert_element_type3A_80, %cond3A_81 : i32
        scf.if %cond3A_82 {
          %add3A_100 = arith.constant 3 : i32
          %add3A_101 = arith.addi %add3A_69, %add3A_100 : i32
          %dma_start3A_102 = arith.constant 0 : i32
          %dma_start3A_103 = tpu.memref_slice %arg9[%add3A_101, %dma_start3A_102] : memref<160x64xi32, #tpu.memory_space<vmem>> -> memref<1x64xi32, #tpu.memory_space<vmem>>
          %dma_start3A_104 = tpu.memref_squeeze %dma_start3A_103 : memref<1x64xi32, #tpu.memory_space<vmem>> -> memref<64xi32, #tpu.memory_space<vmem>>
          %dma_start3A_105 = arith.constant 0 : i32
          %dma_start3A_106 = arith.constant 0 : i32
          %dma_start3A_107 = tpu.memref_slice %arg3[%dma_start3A_105, %dma_start3A_106] : memref<10240x128xf32, #tpu.memory_space<hbm>> -> memref<10240x128xf32, #tpu.memory_space<hbm>>
          tpu.enqueue_indirect_dma source(%dma_start3A_107 : memref<10240x128xf32, #tpu.memory_space<hbm>>) target(%arg12 : memref<64x128xf32, #tpu.memory_space<vmem>>) offsets(%dma_start3A_104 : memref<64xi32, #tpu.memory_space<vmem>>) semaphore(%arg16 : memref<!tpu.dma_semaphore, #tpu.memory_space<semaphore_mem>>)
        } else {
        }
        %mul3A_83 = arith.constant 3 : i32
        %mul3A_84 = arith.muli %scan3A_50, %mul3A_83 : i32
        %add3A_85 = arith.constant 2 : i32
        %add3A_86 = arith.addi %mul3A_84, %add3A_85 : i32
        %dma_wait3A_87 = arith.constant 0 : i32
        %dma_wait3A_88 = tpu.memref_slice %arg9[%add3A_86, %dma_wait3A_87] : memref<160x64xi32, #tpu.memory_space<vmem>> -> memref<1x64xi32, #tpu.memory_space<vmem>>
        %dma_wait3A_89 = tpu.memref_squeeze %dma_wait3A_88 : memref<1x64xi32, #tpu.memory_space<vmem>> -> memref<64xi32, #tpu.memory_space<vmem>>
        %dma_wait3A_90 = arith.constant 0 : i32
        %dma_wait3A_91 = arith.constant 0 : i32
        %dma_wait3A_92 = tpu.memref_slice %arg3[%dma_wait3A_90, %dma_wait3A_91] : memref<10240x128xf32, #tpu.memory_space<hbm>> -> memref<10240x128xf32, #tpu.memory_space<hbm>>
        tpu.wait_indirect_dma semaphore(%arg17 : memref<!tpu.dma_semaphore, #tpu.memory_space<semaphore_mem>>) src(%dma_wait3A_92 : memref<10240x128xf32, #tpu.memory_space<hbm>>) dst(%arg13 : memref<64x128xf32, #tpu.memory_space<vmem>>)
        "tpu.region"() ({
          %run_scoped3A_100 = tpu.sem_alloc : memref<!tpu.dma_semaphore, #tpu.memory_space<semaphore_mem>>
          %dma_start3A_101 = arith.constant 0 : i32
          %dma_start3A_102 = tpu.memref_slice %arg10[%add3A_86, %dma_start3A_101] : memref<160x64xi32, #tpu.memory_space<vmem>> -> memref<1x64xi32, #tpu.memory_space<vmem>>
          %dma_start3A_103 = tpu.memref_squeeze %dma_start3A_102 : memref<1x64xi32, #tpu.memory_space<vmem>> -> memref<64xi32, #tpu.memory_space<vmem>>
          %dma_start3A_104 = arith.constant 0 : i32
          %dma_start3A_105 = arith.constant 0 : i32
          %dma_start3A_106 = tpu.memref_slice %arg14[%dma_start3A_104, %dma_start3A_105] : memref<10240x128xf32, #tpu.memory_space<vmem_shared>> -> memref<10240x128xf32, #tpu.memory_space<vmem_shared>>
          tpu.enqueue_indirect_dma source(%arg13 : memref<64x128xf32, #tpu.memory_space<vmem>>) target(%dma_start3A_106 : memref<10240x128xf32, #tpu.memory_space<vmem_shared>>) offsets(%dma_start3A_103 : memref<64xi32, #tpu.memory_space<vmem>>) semaphore(%run_scoped3A_100 : memref<!tpu.dma_semaphore, #tpu.memory_space<semaphore_mem>>) {add = true}
          %dma_wait3A_107 = arith.constant 0 : i32
          %dma_wait3A_108 = tpu.memref_slice %arg10[%add3A_86, %dma_wait3A_107] : memref<160x64xi32, #tpu.memory_space<vmem>> -> memref<1x64xi32, #tpu.memory_space<vmem>>
          %dma_wait3A_109 = tpu.memref_squeeze %dma_wait3A_108 : memref<1x64xi32, #tpu.memory_space<vmem>> -> memref<64xi32, #tpu.memory_space<vmem>>
          %dma_wait3A_110 = arith.constant 0 : i32
          %dma_wait3A_111 = arith.constant 0 : i32
          %dma_wait3A_112 = tpu.memref_slice %arg14[%dma_wait3A_110, %dma_wait3A_111] : memref<10240x128xf32, #tpu.memory_space<vmem_shared>> -> memref<10240x128xf32, #tpu.memory_space<vmem_shared>>
          tpu.wait_indirect_dma semaphore(%run_scoped3A_100 : memref<!tpu.dma_semaphore, #tpu.memory_space<semaphore_mem>>) src(%arg13 : memref<64x128xf32, #tpu.memory_space<vmem>>) dst(%dma_wait3A_112 : memref<10240x128xf32, #tpu.memory_space<vmem_shared>>)
          tpu.yield
        }) : () -> ()
        %add3A_93 = arith.constant 3 : i32
        %add3A_94 = arith.addi %add3A_86, %add3A_93 : i32
        %lt3A_95 = arith.constant 160 : i32
        %lt3A_96 = arith.cmpi slt, %add3A_94, %lt3A_95 : i32
        %convert_element_type3A_97 = arith.extui %lt3A_96 : i1 to i32
        %cond3A_98 = arith.constant 0 : i32
        %cond3A_99 = arith.cmpi ne, %convert_element_type3A_97, %cond3A_98 : i32
        scf.if %cond3A_99 {
          %add3A_100 = arith.constant 3 : i32
          %add3A_101 = arith.addi %add3A_86, %add3A_100 : i32
          %dma_start3A_102 = arith.constant 0 : i32
          %dma_start3A_103 = tpu.memref_slice %arg9[%add3A_101, %dma_start3A_102] : memref<160x64xi32, #tpu.memory_space<vmem>> -> memref<1x64xi32, #tpu.memory_space<vmem>>
          %dma_start3A_104 = tpu.memref_squeeze %dma_start3A_103 : memref<1x64xi32, #tpu.memory_space<vmem>> -> memref<64xi32, #tpu.memory_space<vmem>>
          %dma_start3A_105 = arith.constant 0 : i32
          %dma_start3A_106 = arith.constant 0 : i32
          %dma_start3A_107 = tpu.memref_slice %arg3[%dma_start3A_105, %dma_start3A_106] : memref<10240x128xf32, #tpu.memory_space<hbm>> -> memref<10240x128xf32, #tpu.memory_space<hbm>>
          tpu.enqueue_indirect_dma source(%dma_start3A_107 : memref<10240x128xf32, #tpu.memory_space<hbm>>) target(%arg13 : memref<64x128xf32, #tpu.memory_space<vmem>>) offsets(%dma_start3A_104 : memref<64xi32, #tpu.memory_space<vmem>>) semaphore(%arg17 : memref<!tpu.dma_semaphore, #tpu.memory_space<semaphore_mem>>)
        } else {
        }
      }
      %scan3A_43 = arith.constant 53 : i32
      %dma_wait3A = arith.constant 159 : i32
      %dma_wait3A_44 = arith.constant 0 : i32
      %dma_wait3A_45 = tpu.memref_slice %arg9[%dma_wait3A, %dma_wait3A_44] : memref<160x64xi32, #tpu.memory_space<vmem>> -> memref<1x64xi32, #tpu.memory_space<vmem>>
      %dma_wait3A_46 = tpu.memref_squeeze %dma_wait3A_45 : memref<1x64xi32, #tpu.memory_space<vmem>> -> memref<64xi32, #tpu.memory_space<vmem>>
      %dma_wait3A_47 = arith.constant 0 : i32
      %dma_wait3A_48 = arith.constant 0 : i32
      %dma_wait3A_49 = tpu.memref_slice %arg3[%dma_wait3A_47, %dma_wait3A_48] : memref<10240x128xf32, #tpu.memory_space<hbm>> -> memref<10240x128xf32, #tpu.memory_space<hbm>>
      tpu.wait_indirect_dma semaphore(%arg15 : memref<!tpu.dma_semaphore, #tpu.memory_space<semaphore_mem>>) src(%dma_wait3A_49 : memref<10240x128xf32, #tpu.memory_space<hbm>>) dst(%arg11 : memref<64x128xf32, #tpu.memory_space<vmem>>)
      %run_scoped3A = arith.constant 159 : i32
      "tpu.region"() ({
        %run_scoped3A_50 = tpu.sem_alloc : memref<!tpu.dma_semaphore, #tpu.memory_space<semaphore_mem>>
        %dma_start3A_51 = arith.constant 0 : i32
        %dma_start3A_52 = tpu.memref_slice %arg10[%run_scoped3A, %dma_start3A_51] : memref<160x64xi32, #tpu.memory_space<vmem>> -> memref<1x64xi32, #tpu.memory_space<vmem>>
        %dma_start3A_53 = tpu.memref_squeeze %dma_start3A_52 : memref<1x64xi32, #tpu.memory_space<vmem>> -> memref<64xi32, #tpu.memory_space<vmem>>
        %dma_start3A_54 = arith.constant 0 : i32
        %dma_start3A_55 = arith.constant 0 : i32
        %dma_start3A_56 = tpu.memref_slice %arg14[%dma_start3A_54, %dma_start3A_55] : memref<10240x128xf32, #tpu.memory_space<vmem_shared>> -> memref<10240x128xf32, #tpu.memory_space<vmem_shared>>
        tpu.enqueue_indirect_dma source(%arg11 : memref<64x128xf32, #tpu.memory_space<vmem>>) target(%dma_start3A_56 : memref<10240x128xf32, #tpu.memory_space<vmem_shared>>) offsets(%dma_start3A_53 : memref<64xi32, #tpu.memory_space<vmem>>) semaphore(%run_scoped3A_50 : memref<!tpu.dma_semaphore, #tpu.memory_space<semaphore_mem>>) {add = true}
        %dma_wait3A_57 = arith.constant 0 : i32
        %dma_wait3A_58 = tpu.memref_slice %arg10[%run_scoped3A, %dma_wait3A_57] : memref<160x64xi32, #tpu.memory_space<vmem>> -> memref<1x64xi32, #tpu.memory_space<vmem>>
        %dma_wait3A_59 = tpu.memref_squeeze %dma_wait3A_58 : memref<1x64xi32, #tpu.memory_space<vmem>> -> memref<64xi32, #tpu.memory_space<vmem>>
        %dma_wait3A_60 = arith.constant 0 : i32
        %dma_wait3A_61 = arith.constant 0 : i32
        %dma_wait3A_62 = tpu.memref_slice %arg14[%dma_wait3A_60, %dma_wait3A_61] : memref<10240x128xf32, #tpu.memory_space<vmem_shared>> -> memref<10240x128xf32, #tpu.memory_space<vmem_shared>>
        tpu.wait_indirect_dma semaphore(%run_scoped3A_50 : memref<!tpu.dma_semaphore, #tpu.memory_space<semaphore_mem>>) src(%arg11 : memref<64x128xf32, #tpu.memory_space<vmem>>) dst(%dma_wait3A_62 : memref<10240x128xf32, #tpu.memory_space<vmem_shared>>)
        tpu.yield
      }) : () -> ()
    } else {
    }
    %barrier3A_8 = arith.constant 0 : index
    tpu.barrier barrier_id(%barrier3A_8)
    %eq3A_9 = arith.constant 0 : i32
    %eq3A_10 = arith.cmpi eq, %arg0, %eq3A_9 : i32
    %convert_element_type3A_11 = arith.extui %eq3A_10 : i1 to i32
    %cond3A_12 = arith.constant 0 : i32
    %cond3A_13 = arith.cmpi ne, %convert_element_type3A_11, %cond3A_12 : i32
    scf.if %cond3A_13 {
      "tpu.region"() ({
        %run_scoped3A = tpu.sem_alloc : memref<!tpu.dma_semaphore, #tpu.memory_space<semaphore_mem>>
        %dma_start3A = arith.constant 0 : i32
        %dma_start3A_19 = tpu.memref_slice %arg7[%mul3A_0, %dma_start3A] : memref<10240x128xf32, #tpu.memory_space<hbm>> -> memref<640x128xf32, #tpu.memory_space<hbm>>
        %dma_start3A_20 = arith.constant 0 : i32
        %dma_start3A_21 = tpu.memref_slice %arg14[%mul3A_0, %dma_start3A_20] : memref<10240x128xf32, #tpu.memory_space<vmem_shared>> -> memref<640x128xf32, #tpu.memory_space<vmem_shared>>
        tpu.enqueue_dma source(%dma_start3A_21 : memref<640x128xf32, #tpu.memory_space<vmem_shared>>) target(%dma_start3A_19 : memref<640x128xf32, #tpu.memory_space<hbm>>) target_semaphore(%run_scoped3A : memref<!tpu.dma_semaphore, #tpu.memory_space<semaphore_mem>>)
        %dma_wait3A = arith.constant 0 : i32
        %dma_wait3A_22 = tpu.memref_slice %arg7[%mul3A_0, %dma_wait3A] : memref<10240x128xf32, #tpu.memory_space<hbm>> -> memref<640x128xf32, #tpu.memory_space<hbm>>
        %dma_wait3A_23 = arith.constant 0 : i32
        %dma_wait3A_24 = tpu.memref_slice %arg14[%mul3A_0, %dma_wait3A_23] : memref<10240x128xf32, #tpu.memory_space<vmem_shared>> -> memref<640x128xf32, #tpu.memory_space<vmem_shared>>
        tpu.wait_dma2 semaphore(%run_scoped3A : memref<!tpu.dma_semaphore, #tpu.memory_space<semaphore_mem>>) src(%dma_wait3A_24 : memref<640x128xf32, #tpu.memory_space<vmem_shared>>) dst(%dma_wait3A_22 : memref<640x128xf32, #tpu.memory_space<hbm>>)
        tpu.yield
      }) : () -> ()
    } else {
    }
    %eq3A_14 = arith.constant 1 : i32
    %eq3A_15 = arith.cmpi eq, %arg0, %eq3A_14 : i32
    %convert_element_type3A_16 = arith.extui %eq3A_15 : i1 to i32
    %cond3A_17 = arith.constant 0 : i32
    %cond3A_18 = arith.cmpi ne, %convert_element_type3A_16, %cond3A_17 : i32
    scf.if %cond3A_18 {
      "tpu.region"() ({
        %run_scoped3A = tpu.sem_alloc : memref<!tpu.dma_semaphore, #tpu.memory_space<semaphore_mem>>
        %dma_start3A = arith.constant 0 : i32
        %dma_start3A_19 = tpu.memref_slice %arg8[%mul3A_0, %dma_start3A] : memref<10240x128xf32, #tpu.memory_space<hbm>> -> memref<640x128xf32, #tpu.memory_space<hbm>>
        %dma_start3A_20 = arith.constant 0 : i32
        %dma_start3A_21 = tpu.memref_slice %arg14[%mul3A_0, %dma_start3A_20] : memref<10240x128xf32, #tpu.memory_space<vmem_shared>> -> memref<640x128xf32, #tpu.memory_space<vmem_shared>>
        tpu.enqueue_dma source(%dma_start3A_21 : memref<640x128xf32, #tpu.memory_space<vmem_shared>>) target(%dma_start3A_19 : memref<640x128xf32, #tpu.memory_space<hbm>>) target_semaphore(%run_scoped3A : memref<!tpu.dma_semaphore, #tpu.memory_space<semaphore_mem>>)
        %dma_wait3A = arith.constant 0 : i32
        %dma_wait3A_22 = tpu.memref_slice %arg8[%mul3A_0, %dma_wait3A] : memref<10240x128xf32, #tpu.memory_space<hbm>> -> memref<640x128xf32, #tpu.memory_space<hbm>>
        %dma_wait3A_23 = arith.constant 0 : i32
        %dma_wait3A_24 = tpu.memref_slice %arg14[%mul3A_0, %dma_wait3A_23] : memref<10240x128xf32, #tpu.memory_space<vmem_shared>> -> memref<640x128xf32, #tpu.memory_space<vmem_shared>>
        tpu.wait_dma2 semaphore(%run_scoped3A : memref<!tpu.dma_semaphore, #tpu.memory_space<semaphore_mem>>) src(%dma_wait3A_24 : memref<640x128xf32, #tpu.memory_space<vmem_shared>>) dst(%dma_wait3A_22 : memref<640x128xf32, #tpu.memory_space<hbm>>)
        tpu.yield
      }) : () -> ()
    } else {
    }
    return
  }
}

module attributes {stable_mosaic.version = 14 : i64} {
  func.func @_mm1_body(%arg0: i32, %arg1: memref<512x256xf32, #tpu.memory_space<vmem>>, %arg2: memref<256x256xf32, #tpu.memory_space<vmem>>, %arg3: memref<32x512xf32, #tpu.memory_space<vmem>>, %arg4: memref<512xf32, #tpu.memory_space<vmem>>, %arg5: memref<512x128xf32, #tpu.memory_space<vmem>>, %arg6: memref<512x128xf32, #tpu.memory_space<vmem>>) attributes {dimension_semantics = [#tpu.dimension_semantics<arbitrary>], iteration_bounds = array<i64: 20>, scalar_prefetch = 0 : i64, scratch_operands = 0 : i64, tpu.core_type = #tpu.core_type<tc>, window_params = [{transform_indices = @transform_0, window_bounds = array<i64: 512, 256>}, {pipeline_mode = #tpu.pipeline_mode<synchronous>, transform_indices = @transform_1, window_bounds = array<i64: 256, 256>}, {transform_indices = @transform_2, window_bounds = array<i64: 32, 512>}, {transform_indices = @transform_3, window_bounds = array<i64: 512>}, {transform_indices = @transform_4, window_bounds = array<i64: 512, 128>}, {transform_indices = @transform_5, window_bounds = array<i64: 512, 128>}]} {
    %get3A = arith.constant 0 : index
    %get3A_0 = arith.constant 0 : index
    %get3A_1 = vector.load %arg3[%get3A, %get3A_0] : memref<32x512xf32, #tpu.memory_space<vmem>>, vector<32x512xf32>
    %reduce_sum3A = arith.constant dense<0.000000e+00> : vector<512xf32>
    %reduce_sum3A_2 = vector.multi_reduction <add>, %get3A_1, %reduce_sum3A [0] : vector<32x512xf32> to vector<512xf32>
    %gt3A = arith.constant 0.000000e+00 : f32
    %gt3A_3 = vector.broadcast %gt3A : f32 to vector<512xf32>
    %gt3A_4 = arith.cmpf ogt, %reduce_sum3A_2, %gt3A_3 : vector<512xf32>
    %rsqrt3A = math.rsqrt %reduce_sum3A_2 : vector<512xf32>
    %jit3A = arith.constant 0.000000e+00 : f32
    %broadcast_in_dim3A = vector.broadcast %jit3A : f32 to vector<512xf32>
    %select_n3A = arith.select %gt3A_4, %rsqrt3A, %broadcast_in_dim3A : vector<512xi1>, vector<512xf32>
    %swap3A = arith.constant 0 : index
    %swap3A_5 = vector.load %arg4[%swap3A] : memref<512xf32, #tpu.memory_space<vmem>>, vector<512xf32>
    tpu.vector_store %arg4[%swap3A], %select_n3A {strides = array<i32>} : memref<512xf32, #tpu.memory_space<vmem>>, vector<512xf32>,
    %get3A_6 = arith.constant 0 : index
    %get3A_7 = arith.constant 0 : index
    %get3A_8 = vector.load %arg1[%get3A_6, %get3A_7] : memref<512x256xf32, #tpu.memory_space<vmem>>, vector<512x256xf32>
    %get3A_9 = arith.constant 0 : index
    %get3A_10 = arith.constant 0 : index
    %get3A_11 = vector.load %arg2[%get3A_9, %get3A_10] : memref<256x256xf32, #tpu.memory_space<vmem>>, vector<256x256xf32>
    %dot_general3A = arith.constant dense<0.000000e+00> : vector<512x256xf32>
    %dot_general3A_12 = tpu.matmul %get3A_8, %get3A_11, %dot_general3A {dimension_numbers = #tpu.dot_dimension_numbers<[1], [0], [0], [1], [0, 0, 1, 1], [], []>, transpose_lhs_hint = false} : vector<512x256xf32>, vector<256x256xf32>, vector<512x256xf32> -> vector<512x256xf32>
    %broadcast_in_dim3A_13 = vector.shape_cast %select_n3A : vector<512xf32> to vector<512x1xf32>
    %mul3A = vector.broadcast %broadcast_in_dim3A_13 : vector<512x1xf32> to vector<512x256xf32>
    %mul3A_14 = arith.mulf %dot_general3A_12, %mul3A : vector<512x256xf32>
    %slice3A = vector.extract_strided_slice %mul3A_14 {offsets = [0, 0], sizes = [512, 128], strides = [1, 1]} : vector<512x256xf32> to vector<512x128xf32>
    %swap3A_15 = arith.constant 0 : index
    %swap3A_16 = arith.constant 0 : index
    %swap3A_17 = vector.load %arg5[%swap3A_15, %swap3A_16] : memref<512x128xf32, #tpu.memory_space<vmem>>, vector<512x128xf32>
    tpu.vector_store %arg5[%swap3A_15, %swap3A_16], %slice3A {strides = array<i32>} : memref<512x128xf32, #tpu.memory_space<vmem>>, vector<512x128xf32>,
    %slice3A_18 = vector.extract_strided_slice %mul3A_14 {offsets = [0, 128], sizes = [512, 128], strides = [1, 1]} : vector<512x256xf32> to vector<512x128xf32>
    %swap3A_19 = arith.constant 0 : index
    %swap3A_20 = arith.constant 0 : index
    %swap3A_21 = vector.load %arg6[%swap3A_19, %swap3A_20] : memref<512x128xf32, #tpu.memory_space<vmem>>, vector<512x128xf32>
    tpu.vector_store %arg6[%swap3A_19, %swap3A_20], %slice3A_18 {strides = array<i32>} : memref<512x128xf32, #tpu.memory_space<vmem>>, vector<512x128xf32>,
    return
  }
  func.func @transform_0(%arg0: i32) -> (i32, i32) {
    %c0_i32 = arith.constant 0 : i32
    %c0_i32_0 = arith.constant 0 : i32
    return %arg0, %c0_i32 : i32, i32
  }
  func.func @transform_1(%arg0: i32) -> (i32, i32) {
    %c0_i32 = arith.constant 0 : i32
    %c0_i32_0 = arith.constant 0 : i32
    %c0_i32_1 = arith.constant 0 : i32
    return %c0_i32, %c0_i32_0 : i32, i32
  }
  func.func @transform_2(%arg0: i32) -> (i32, i32) {
    %c0_i32 = arith.constant 0 : i32
    %c0_i32_0 = arith.constant 0 : i32
    return %c0_i32, %arg0 : i32, i32
  }
  func.func @transform_3(%arg0: i32) -> i32 {
    %c0_i32 = arith.constant 0 : i32
    return %arg0 : i32
  }
  func.func @transform_4(%arg0: i32) -> (i32, i32) {
    %c0_i32 = arith.constant 0 : i32
    %c0_i32_0 = arith.constant 0 : i32
    return %arg0, %c0_i32 : i32, i32
  }
  func.func @transform_5(%arg0: i32) -> (i32, i32) {
    %c0_i32 = arith.constant 0 : i32
    %c0_i32_0 = arith.constant 0 : i32
    return %arg0, %c0_i32 : i32, i32
  }
}

module attributes {stable_mosaic.version = 14 : i64} {
  func.func @_mm2_body(%arg0: i32, %arg1: memref<512x128xf32, #tpu.memory_space<vmem>>, %arg2: memref<512x128xf32, #tpu.memory_space<vmem>>, %arg3: memref<512xf32, #tpu.memory_space<vmem>>, %arg4: memref<1x256xf32, #tpu.memory_space<vmem>>, %arg5: memref<256x64xf32, #tpu.memory_space<vmem>>, %arg6: memref<512x32xf32, #tpu.memory_space<vmem>>, %arg7: memref<512x32xf32, #tpu.memory_space<vmem>>) attributes {dimension_semantics = [#tpu.dimension_semantics<arbitrary>], iteration_bounds = array<i64: 20>, scalar_prefetch = 0 : i64, scratch_operands = 0 : i64, tpu.core_type = #tpu.core_type<tc>, window_params = [{transform_indices = @transform_0, window_bounds = array<i64: 512, 128>}, {transform_indices = @transform_1, window_bounds = array<i64: 512, 128>}, {transform_indices = @transform_2, window_bounds = array<i64: 512>}, {pipeline_mode = #tpu.pipeline_mode<synchronous>, transform_indices = @transform_3, window_bounds = array<i64: 1, 256>}, {pipeline_mode = #tpu.pipeline_mode<synchronous>, transform_indices = @transform_4, window_bounds = array<i64: 256, 64>}, {transform_indices = @transform_5, window_bounds = array<i64: 512, 32>}, {transform_indices = @transform_6, window_bounds = array<i64: 512, 32>}]} {
    %get3A = arith.constant 0 : index
    %get3A_0 = vector.load %arg3[%get3A] : memref<512xf32, #tpu.memory_space<vmem>>, vector<512xf32>
    %get3A_1 = arith.constant 0 : index
    %get3A_2 = arith.constant 0 : index
    %get3A_3 = vector.load %arg1[%get3A_1, %get3A_2] : memref<512x128xf32, #tpu.memory_space<vmem>>, vector<512x128xf32>
    %get3A_4 = arith.constant 0 : index
    %get3A_5 = arith.constant 0 : index
    %get3A_6 = vector.load %arg2[%get3A_4, %get3A_5] : memref<512x128xf32, #tpu.memory_space<vmem>>, vector<512x128xf32>
    %concatenate3A = tpu.concatenate %get3A_3, %get3A_6 in 1 : vector<512x128xf32>, vector<512x128xf32> -> vector<512x256xf32>
    %broadcast_in_dim3A = vector.shape_cast %get3A_0 : vector<512xf32> to vector<512x1xf32>
    %mul3A = vector.broadcast %broadcast_in_dim3A : vector<512x1xf32> to vector<512x256xf32>
    %mul3A_7 = arith.mulf %concatenate3A, %mul3A : vector<512x256xf32>
    %get3A_8 = arith.constant 0 : index
    %get3A_9 = arith.constant 0 : index
    %get3A_10 = vector.load %arg4[%get3A_8, %get3A_9] : memref<1x256xf32, #tpu.memory_space<vmem>>, vector<1x256xf32>
    %add3A = vector.broadcast %get3A_10 : vector<1x256xf32> to vector<512x256xf32>
    %add3A_11 = arith.addf %mul3A_7, %add3A : vector<512x256xf32>
    %max3A = arith.constant 0.000000e+00 : f32
    %max3A_12 = vector.broadcast %max3A : f32 to vector<512x256xf32>
    %max3A_13 = arith.maximumf %add3A_11, %max3A_12 : vector<512x256xf32>
    %get3A_14 = arith.constant 0 : index
    %get3A_15 = arith.constant 0 : index
    %get3A_16 = vector.load %arg5[%get3A_14, %get3A_15] : memref<256x64xf32, #tpu.memory_space<vmem>>, vector<256x64xf32>
    %dot_general3A = arith.constant dense<0.000000e+00> : vector<512x64xf32>
    %dot_general3A_17 = tpu.matmul %max3A_13, %get3A_16, %dot_general3A {dimension_numbers = #tpu.dot_dimension_numbers<[1], [0], [0], [1], [0, 0, 1, 1], [], []>, transpose_lhs_hint = false} : vector<512x256xf32>, vector<256x64xf32>, vector<512x64xf32> -> vector<512x64xf32>
    %broadcast_in_dim3A_18 = vector.shape_cast %get3A_0 : vector<512xf32> to vector<512x1xf32>
    %mul3A_19 = vector.broadcast %broadcast_in_dim3A_18 : vector<512x1xf32> to vector<512x64xf32>
    %mul3A_20 = arith.mulf %dot_general3A_17, %mul3A_19 : vector<512x64xf32>
    %slice3A = vector.extract_strided_slice %mul3A_20 {offsets = [0, 0], sizes = [512, 32], strides = [1, 1]} : vector<512x64xf32> to vector<512x32xf32>
    %swap3A = arith.constant 0 : index
    %swap3A_21 = arith.constant 0 : index
    %swap3A_22 = vector.load %arg6[%swap3A, %swap3A_21] : memref<512x32xf32, #tpu.memory_space<vmem>>, vector<512x32xf32>
    tpu.vector_store %arg6[%swap3A, %swap3A_21], %slice3A {strides = array<i32>} : memref<512x32xf32, #tpu.memory_space<vmem>>, vector<512x32xf32>,
    %slice3A_23 = vector.extract_strided_slice %mul3A_20 {offsets = [0, 32], sizes = [512, 32], strides = [1, 1]} : vector<512x64xf32> to vector<512x32xf32>
    %swap3A_24 = arith.constant 0 : index
    %swap3A_25 = arith.constant 0 : index
    %swap3A_26 = vector.load %arg7[%swap3A_24, %swap3A_25] : memref<512x32xf32, #tpu.memory_space<vmem>>, vector<512x32xf32>
    tpu.vector_store %arg7[%swap3A_24, %swap3A_25], %slice3A_23 {strides = array<i32>} : memref<512x32xf32, #tpu.memory_space<vmem>>, vector<512x32xf32>,
    return
  }
  func.func @transform_0(%arg0: i32) -> (i32, i32) {
    %c0_i32 = arith.constant 0 : i32
    %c0_i32_0 = arith.constant 0 : i32
    return %arg0, %c0_i32 : i32, i32
  }
  func.func @transform_1(%arg0: i32) -> (i32, i32) {
    %c0_i32 = arith.constant 0 : i32
    %c0_i32_0 = arith.constant 0 : i32
    return %arg0, %c0_i32 : i32, i32
  }
  func.func @transform_2(%arg0: i32) -> i32 {
    %c0_i32 = arith.constant 0 : i32
    return %arg0 : i32
  }
  func.func @transform_3(%arg0: i32) -> (i32, i32) {
    %c0_i32 = arith.constant 0 : i32
    %c0_i32_0 = arith.constant 0 : i32
    %c0_i32_1 = arith.constant 0 : i32
    return %c0_i32, %c0_i32_0 : i32, i32
  }
  func.func @transform_4(%arg0: i32) -> (i32, i32) {
    %c0_i32 = arith.constant 0 : i32
    %c0_i32_0 = arith.constant 0 : i32
    %c0_i32_1 = arith.constant 0 : i32
    return %c0_i32, %c0_i32_0 : i32, i32
  }
  func.func @transform_5(%arg0: i32) -> (i32, i32) {
    %c0_i32 = arith.constant 0 : i32
    %c0_i32_0 = arith.constant 0 : i32
    return %arg0, %c0_i32 : i32, i32
  }
  func.func @transform_6(%arg0: i32) -> (i32, i32) {
    %c0_i32 = arith.constant 0 : i32
    %c0_i32_0 = arith.constant 0 : i32
    return %arg0, %c0_i32 : i32, i32
  }
}

module attributes {stable_mosaic.version = 14 : i64} {
  func.func @_mm3_body(%arg0: i32, %arg1: memref<512x32xf32, #tpu.memory_space<vmem>>, %arg2: memref<512x32xf32, #tpu.memory_space<vmem>>, %arg3: memref<512xf32, #tpu.memory_space<vmem>>, %arg4: memref<1x64xf32, #tpu.memory_space<vmem>>, %arg5: memref<512x64xf32, #tpu.memory_space<vmem>>) attributes {dimension_semantics = [#tpu.dimension_semantics<arbitrary>], iteration_bounds = array<i64: 20>, scalar_prefetch = 0 : i64, scratch_operands = 0 : i64, tpu.core_type = #tpu.core_type<tc>, window_params = [{transform_indices = @transform_0, window_bounds = array<i64: 512, 32>}, {transform_indices = @transform_1, window_bounds = array<i64: 512, 32>}, {transform_indices = @transform_2, window_bounds = array<i64: 512>}, {pipeline_mode = #tpu.pipeline_mode<synchronous>, transform_indices = @transform_3, window_bounds = array<i64: 1, 64>}, {transform_indices = @transform_4, window_bounds = array<i64: 512, 64>}]} {
    %get3A = arith.constant 0 : index
    %get3A_0 = vector.load %arg3[%get3A] : memref<512xf32, #tpu.memory_space<vmem>>, vector<512xf32>
    %get3A_1 = arith.constant 0 : index
    %get3A_2 = arith.constant 0 : index
    %get3A_3 = vector.load %arg1[%get3A_1, %get3A_2] : memref<512x32xf32, #tpu.memory_space<vmem>>, vector<512x32xf32>
    %get3A_4 = arith.constant 0 : index
    %get3A_5 = arith.constant 0 : index
    %get3A_6 = vector.load %arg2[%get3A_4, %get3A_5] : memref<512x32xf32, #tpu.memory_space<vmem>>, vector<512x32xf32>
    %concatenate3A = tpu.concatenate %get3A_3, %get3A_6 in 1 : vector<512x32xf32>, vector<512x32xf32> -> vector<512x64xf32>
    %broadcast_in_dim3A = vector.shape_cast %get3A_0 : vector<512xf32> to vector<512x1xf32>
    %mul3A = vector.broadcast %broadcast_in_dim3A : vector<512x1xf32> to vector<512x64xf32>
    %mul3A_7 = arith.mulf %concatenate3A, %mul3A : vector<512x64xf32>
    %get3A_8 = arith.constant 0 : index
    %get3A_9 = arith.constant 0 : index
    %get3A_10 = vector.load %arg4[%get3A_8, %get3A_9] : memref<1x64xf32, #tpu.memory_space<vmem>>, vector<1x64xf32>
    %add3A = vector.broadcast %get3A_10 : vector<1x64xf32> to vector<512x64xf32>
    %add3A_11 = arith.addf %mul3A_7, %add3A : vector<512x64xf32>
    %swap3A = arith.constant 0 : index
    %swap3A_12 = arith.constant 0 : index
    %swap3A_13 = vector.load %arg5[%swap3A, %swap3A_12] : memref<512x64xf32, #tpu.memory_space<vmem>>, vector<512x64xf32>
    tpu.vector_store %arg5[%swap3A, %swap3A_12], %add3A_11 {strides = array<i32>} : memref<512x64xf32, #tpu.memory_space<vmem>>, vector<512x64xf32>,
    return
  }
  func.func @transform_0(%arg0: i32) -> (i32, i32) {
    %c0_i32 = arith.constant 0 : i32
    %c0_i32_0 = arith.constant 0 : i32
    return %arg0, %c0_i32 : i32, i32
  }
  func.func @transform_1(%arg0: i32) -> (i32, i32) {
    %c0_i32 = arith.constant 0 : i32
    %c0_i32_0 = arith.constant 0 : i32
    return %arg0, %c0_i32 : i32, i32
  }
  func.func @transform_2(%arg0: i32) -> i32 {
    %c0_i32 = arith.constant 0 : i32
    return %arg0 : i32
  }
  func.func @transform_3(%arg0: i32) -> (i32, i32) {
    %c0_i32 = arith.constant 0 : i32
    %c0_i32_0 = arith.constant 0 : i32
    %c0_i32_1 = arith.constant 0 : i32
    return %c0_i32, %c0_i32_0 : i32, i32
  }
  func.func @transform_4(%arg0: i32) -> (i32, i32) {
    %c0_i32 = arith.constant 0 : i32
    %c0_i32_0 = arith.constant 0 : i32
    return %arg0, %c0_i32 : i32, i32
  }
}

</mosaic_0001>

<sc_bundles>
// kernel: kernel.11.cloned.1.call-start
scs
__scs_entry_jumppad:
0x0: {  	(pc) =	sbr.rel $0x88, $3  }
0x1: {  	(tag) =	ssettag $0x0;
	lr =	simm.s32 $0x1  }
0x2: {  	[smem:$0x3F9B] =	sst lr;
	_ =	strace $0xD0000000  }
0x3: {  	_ = 	snop  }
0x4: {  	_ = 	snop  }
0x5: {  	_ = 	snop  }
0x6: {  	_ = 	snop  }
0x7: {  	_ = 	snop  }
__scs_overlays_trampoline_lowered:
0x8: {  	[smem:$0x3FAA] =	sst s0  }
0x9: {  	[smem:$0x3FAB] =	sst s1  }
0xa: {  	[smem:$0x3FAC] =	sst s2  }
0xb: {  	[smem:$0x3FAD] =	sst s3  }
0xc: {  	[smem:$0x3FAE] =	sst s4  }
0xd: {  	[smem:$0x3FAF] =	sst s5  }
0xe: {  	[smem:$0x3FB0] =	sst s6  }
0xf: {  	[smem:$0x3FB1] =	sst s7  }
0x10: {  	[smem:$0x3FB2] =	sst s8  }
0x11: {  	[smem:$0x3FB3] =	sst s9;
	s0 =	simm.s32 @!p0 $0x0  }
0x12: {  	s1 =	sld [smem:$0x3F99];
	s0 =	simm.s32 @p0 $0x1  }
0x13: {  	[smem:$0x3FB4] =	sst s0;
	s0 =	simm.s32 @!p1 $0x0  }
0x14: {  	s2 =	sld [smem:$0x3F98];
	s0 =	simm.s32 @p1 $0x1  }
0x15: {  	[smem:$0x3FB5] =	sst s0;
	s0 =	simm.s32 @!p2 $0x0  }
0x16: {  	s3 =	sld [smem:$0x3FDB];
	s0 =	simm.s32 @p2 $0x1  }
0x17: {  	s4 =	simm.s32 $0x1BF5;
	[smem:$0x3FB7] =	sst s0  }
0x18: {  	s0 =	sld [smem:$0x3F9A];
	_ =	swait.ge [sflag:s4], $0x0  }
0x19: {  	s7 =	sld [smem:$0x3F9B]  }
0x1a: {  	s8 =	sadd.s32 $0xFFFFE003, lr  }
0x1b: {  	s9 =	sadd.s32 $0xFFFFFEF7, lr;
	s5 =	simm.s32 $0xFFFFFFFF;
	p2 =	slt.u32 s8, $0xFFFFF086  }
0x1c: {  	p1 =	slt.u32 s9, $0xF7A;
	s5 =	simm.s32 @!p2 $0x0  }
0x1d: {  	s5 =	simm.s32 @p1 $0x1;
	p0 =	seq.s32 s7, s2  }
0x1e: {  	s7 =	smul.u32 @!p0 $0xF7A, s2;
	p2 =	seq.s32 @!p0 s5, $0x0  }
0x1f: {  	s9 =	smul.u32 $0xF7A, s1;
	s8 =	simm.s32 @!p0 $0x1BF5;
	p2 =	por !p2, p0  }
0x20: {  	[sflag:s8] =	ssyncset.s32 @!p0 $0xFFFFF086;
	s6 =	sadd.s32 @!p0 s3, s7;
	s7 =	simm.s32 @!p0 $0x108  }
0x21: {  	s3 =	sadd.s32 s3, s9;
	s6 =	sadd.s32 @!p0 $0x88, s6;
	s7 =	simm.s32 @p2 $0x1082  }
0x22: {  	[simem:s7], [sflag:s8] =	dma.local @!p0 [hbm:s6], $0xF7A  }
0x23: {  	s9 =	sor.u32 $0xD0000000, s2;
	s6 =	simm.s32 $0x108;
	_ =	swait.ge @!p0 [sflag:s8], $0x0  }
0x24: {  	s3 =	sadd.s32 $0x88, s3;
	s6 =	simm.s32 @!p1 $0x1082;
	[sflag:s4] =	ssyncset.s32 $0xFFFFF086  }
0x25: {  	[simem:s6], [sflag:s4] =	dma.local [hbm:s3], $0xF7A  }
0x26: {  	[smem:$0x3F9B] =	sst s1;
	(tag) =	ssettag s2;
	_ =	strace s9  }
0x27: {  	s1 =	sld [smem:$0x3FAB]  }
0x28: {  	s2 =	sld [smem:$0x3FAC]  }
0x29: {  	s4 =	sld [smem:$0x3FAE]  }
0x2a: {  	p0 =	seq.s32 s5, $0x0;
	s5 =	sld [smem:$0x3FAF]  }
0x2b: {  	s6 =	sld [smem:$0x3FB0]  }
0x2c: {  	s7 =	sld [smem:$0x3FB1]  }
0x2d: {  	s3 =	simm.s32 $0x108;
	s8 =	sld [smem:$0x3FB2]  }
0x2e: {  	s3 =	simm.s32 @!p0 $0x1082;
	s9 =	sld [smem:$0x3FB3]  }
0x2f: {  	lr =	sadd.s32 s0, s3;
	s0 =	sld [smem:$0x3FAA]  }
0x30: {  	s3 =	sld [smem:$0x3FAD]  }
0x31: {  	[smem:$0x3FB6] =	sst s10  }
0x32: {  	s10 =	sld [smem:$0x3FB4];
	_ =	sdelay $0x3  }
0x33: {  	p0 =	seq.s32 s10, $0x1;
	s10 =	sld [smem:$0x3FB6];
	_ =	sdelay $0x3  }
0x34: {  	[smem:$0x3FB6] =	sst s10  }
0x35: {  	s10 =	sld [smem:$0x3FB5];
	_ =	sdelay $0x3  }
0x36: {  	p1 =	seq.s32 s10, $0x1;
	s10 =	sld [smem:$0x3FB6];
	_ =	sdelay $0x3  }
0x37: {  	[smem:$0x3FB6] =	sst s10  }
0x38: {  	s10 =	sld [smem:$0x3FB7]  }
0x39: {  	_ = 	snop;
	(pc) =	sbr.ind lr, $3  }
0x3a: {  	_ = 	snop  }
0x3b: {  	_ = 	snop  }
0x3c: {  	p2 =	seq.s32 s10, $0x1;
	s10 =	sld [smem:$0x3FB6]  }
0x3d: {  	_ =	shalt  }
0x3e: {  	_ =	shalt  }
0x3f: {  	_ =	shalt  }
0x40: {  	_ =	shalt  }
0x41: {  	_ =	shalt  }
0x42: {  	_ =	shalt  }
0x43: {  	_ =	shalt  }
0x44: {  	_ =	shalt  }
0x45: {  	_ =	shalt  }
0x46: {  	_ =	shalt  }
0x47: {  	_ =	shalt  }
0x48: {  	_ =	shalt  }
0x49: {  	_ =	shalt  }
0x4a: {  	_ =	shalt  }
0x4b: {  	_ =	shalt  }
0x4c: {  	_ =	shalt  }
0x4d: {  	_ =	shalt  }
0x4e: {  	_ =	shalt  }
0x4f: {  	_ =	shalt  }
0x50: {  	_ =	shalt  }
0x51: {  	_ =	shalt  }
0x52: {  	_ =	shalt  }
0x53: {  	_ =	shalt  }
0x54: {  	_ =	shalt  }
0x55: {  	_ =	shalt  }
0x56: {  	_ =	shalt  }
0x57: {  	_ =	shalt  }
0x58: {  	_ =	shalt  }
0x59: {  	_ =	shalt  }
0x5a: {  	_ =	shalt  }
0x5b: {  	_ =	shalt  }
0x5c: {  	_ =	shalt  }
0x5d: {  	_ =	shalt  }
0x5e: {  	_ =	shalt  }
0x5f: {  	_ =	shalt  }
0x60: {  	_ =	shalt  }
0x61: {  	_ =	shalt  }
0x62: {  	_ =	shalt  }
0x63: {  	_ =	shalt  }
0x64: {  	_ =	shalt  }
0x65: {  	_ =	shalt  }
0x66: {  	_ =	shalt  }
0x67: {  	_ =	shalt  }
0x68: {  	_ =	shalt  }
0x69: {  	_ =	shalt  }
0x6a: {  	_ =	shalt  }
0x6b: {  	_ =	shalt  }
0x6c: {  	_ =	shalt  }
0x6d: {  	_ =	shalt  }
0x6e: {  	_ =	shalt  }
0x6f: {  	_ =	shalt  }
0x70: {  	_ =	shalt  }
0x71: {  	_ =	shalt  }
0x72: {  	_ =	shalt  }
0x73: {  	_ =	shalt  }
0x74: {  	_ =	shalt  }
0x75: {  	_ =	shalt  }
0x76: {  	_ =	shalt  }
0x77: {  	_ =	shalt  }
0x78: {  	_ =	shalt  }
0x79: {  	_ =	shalt  }
0x7a: {  	_ =	shalt  }
0x7b: {  	_ =	shalt  }
0x7c: {  	_ =	shalt  }
0x7d: {  	_ =	shalt  }
0x7e: {  	_ =	shalt  }
0x7f: {  	_ =	shalt  }
0x80: {  	_ =	shalt  }
0x81: {  	_ =	shalt  }
0x82: {  	_ =	shalt  }
0x83: {  	_ =	shalt  }
0x84: {  	_ =	shalt  }
0x85: {  	_ =	shalt  }
0x86: {  	_ =	shalt  }
0x87: {  	_ =	shalt  }
.Lfunc_end0:
.L_simem_size_0:
called_computation.1_lowered:
.L_overlay_start_0:
0x88: {  	s2 =	sld [smem:$0x3FD9]  }
0x89: {  	s3 =	sld [smem:$0x3FFE];
	_ =	sdelay $0x1  }
0x8a: {  	s1 =	srdreg.scid  }
0x8b: {  	s0 =	sand.u32 $0x1, s1  }
0x8c: {  	s17 =	sshll.u32 s0, $0xA;
	s2 =	sadd.s32 s3, s2  }
0x8d: {  	s2 =	sadd.s32 s2, s17  }
0x8e: {  	[smem:$0x3FC2] =	sst s2  }
0x8f: {  	_ = 	snop  }
0x90: {  	s2 =	sld [smem:$0x3FD0];
	(tm) =	ssettm $0x1  }
0x91: {  	s18 =	sld [smem:$0x3FFB];
	_ =	sdelay $0x3  }
0x92: {  	_ =	strace s18  }
0x93: {  	s3 =	sld [smem:$0x3FFC];
	_ =	sdelay $0x3  }
0x94: {  	_ =	strace s3  }
0x95: {  	s3 =	sld [smem:$0x3FFD];
	_ =	sdelay $0x3  }
0x96: {  	_ =	strace s3  }
0x97: {  	_ =	strace $0x8FFFFFFF  }
0x98: {  	s19 =	sld [smem:$0x3FDB];
	_ =	sdelay $0x1  }
0x99: {  	s4 =	simm.s32 $_scs_section_size  }
0x9a: {  	s5 =	simm.s32 $_size__tile_overlayer_lowered;
	s6 =	simm.s32 $_tile_overlayer_lowered  }
0x9b: {  	s22 =	simm.s32 $0x1BFF;
	s21 =	sshll.u32 s6, $0x1;
	s3 =	sadd.s32 s4, s19  }
0x9c: {  	s7 =	simm.s32 $0x0;
	s20 =	sshll.u32 s5, $0x1;
	s5 =	sadd.s32 s21, s3  }
0x9d: {  	[timem:s7], [sflag:s22] =	dma.local [hbm:s5], s20  }
0x9e: {  	_ =	swait.ge [sflag:s22], s20  }
0x9f: {  	s4 =	ssub.s32 $0x0, s20;
	[sflag:s22] =	ssyncset.done $0x0  }
0xa0: {  	[sflag:s22] =	ssyncadd.s32 s4;
	_ =	sdelay $0x1  }
0xa1: {  	s23 =	simm.s32 $0x1B8B  }
0xa2: {  	_ =	swait.ge [sflag:s23], $0x1  }
0xa3: {  	[sflag:s23] =	ssyncset.done $0x0  }
0xa4: {  	s25 =	simm.s32 $0x1B8E;
	s24 =	sld [smem:$0x3FFE];
	[sflag:s23] =	ssyncadd.s32 $0xFFFFFFFF  }
0xa5: {  	s26 =	simm.s32 $execute0_lowered;
	[smem:$0x3FD2] =	sst s25  }
0xa6: {  	s5 =	sshll.u32 s26, $0x1;
	_ =	strace $0x80000049;
	[dreg:$0x1] =	wrdreg $0xFFFFFFFF  }
0xa7: {  	s28 =	simm.s32 $_size_execute0_lowered;
	s3 =	sadd.s32 s3, s5;
	[dreg:$0x0] =	wrdreg $0x0  }
0xa8: {  	s5 =	sshll.u32 s28, $0x1;
	[dreg:$0x2] =	wrdreg s3  }
0xa9: {  	[dreg:$0x3] =	wrdreg s5  }
0xaa: {  	[dreg:$0x4] =	wrdreg $0xC0  }
0xab: {  	_ =	task [dreg:s7], $0x5FFFF  }
0xac: {  	[dreg:$0x1] =	wrdreg $0xFFFFFFFF  }
0xad: {  	[dreg:$0x0] =	wrdreg $0x60  }
0xae: {  	[dreg:$0x2] =	wrdreg s24  }
0xaf: {  	[dreg:$0x3] =	wrdreg s2  }
0xb0: {  	[dreg:$0x4] =	wrdreg $0xB0000  }
0xb1: {  	[dreg:$0x5] =	wrdreg $0x9  }
0xb2: {  	_ =	task.clear_ibuf [dreg:s7], $0x6FFFF;
	_ =	strace $0x90000049  }
0xb3: {  	s29 =	simm.s32 $0x9;
	_ =	strace $0x8000004B  }
0xb4: {  	_ =	swait.ge [sflag:s29], $0x1  }
0xb5: {  	[sflag:s29] =	ssyncadd.s32 $0xFFFFFFFF  }
0xb6: {  	_ =	strace $0x9000004B  }
0xb7: {  	_ =	sfence  }
0xb8: {  	s30 =	sld [smem:$0x0];
	_ =	sdelay $0x2  }
0xb9: {  	s31 =	sshll.u32 s1, $0xD;
	s1 =	sshrl.u32 s1, $0x2  }
0xba: {  	s3 =	sand.u32 $0x4000, s31;
	s1 =	sadd.s32 s1, s30  }
0xbb: {  	s0 =	sor.u32 s3, s0;
	s1 =	sshll.u32 s1, $0x11  }
0xbc: {  	s0 =	sor.u32 s1, s0  }
0xbd: {  	s0 =	sadd.s32 $0x8F2B, s0  }
0xbe: {  	[sflag:s0] =	ssyncadd.remote.s32 $0x1  }
0xbf: {  	_ =	sfence.sel $0xFFFF  }
0xc0: {  	[dreg:$0x0] =	wrdreg $0xFFFFFFFF;
	(pc) =	sbr.abs _section_cstart, $3  }
0xc1: {  	[dreg:$0x1] =	wrdreg $0xFFFFFFFF  }
0xc2: {  	_ =	task.clear_ibuf [dreg:s7], $0x2FFFF;
	_ =	strace $0x9FFFFFFF  }
0xc3: {  	(tm) =	ssettm $0x7FFFFFFF  }
tec
execute0_lowered:
.L_overlay_start_1:
0x0: {  	(tag) =	ssettag $0x1  }
0x1: {  	s0 =	rddreg [dreg:$0x0]  }
0x2: {  	s3 =	rddreg [dreg:$0x2]  }
0x3: {  	s4 =	simm.s32 $0x0;
	s1 =	stileid.u32;
	s6 =	srdreg.scid  }
0x4: {  	s16 =	simm.s32 $0x2800;
	s17 =	simm.s32 $0x40;
	s18 =	simm.s32 $0x5000  }
0x5: {  	s19 =	simm.s32 $0x7000;
	s20 =	simm.s32 $0x80;
	s21 =	simm.s32 $0x9000  }
0x6: {  	s22 =	simm.s32 $0x1;
	s23 =	simm.s32 $0x2;
	s24 =	simm.s32 $0x3  }
0x7: {  	s28 =	simm.s32 $0x4F40;
	s29 =	simm.s32 $0x4F80;
	s30 =	simm.s32 $0x4FC0  }
0x8: {  	s31 =	simm.s32 $0x0;
	[smem:$0x7FF] =	sst s4;
	s2 =	smul.u32 $0x500, s1  }
0x9: {  	s5 =	sadd.s32 $0x11800, s0;
	s14 =	sand.u32 $0x1, s6;
	s6 =	sadd.s32 $0x39800, s0  }
0xa: {  	s7 =	sadd.s32 $0x61800, s0;
	s12 =	smul.u32 $0x14000, s1;
	s8 =	sadd.s32 $0x89800, s0  }
0xb: {  	s26 =	sshll.u32 s1, $0x6;
	_ =	strace $0x8000004A;
	s9 =	ssub.s32 $0x2, s14  }
.Ltmp0:
0xc: {  	p0 =	sne.s32 s14, $0x0;
	s2 =	sadd.s32 s2, s0;
	(pc) =	sbr.rel .LBB2_1-.Ltmp0, $4  }
0xd: {  	s10 =	sshrl.u32 s9, $0x1;
	s15 =	sadd.s32 s12, s3;
	s12 =	sshrl.u32 s12, $0x3  }
0xe: {  	s25 =	ssub.s32 s9, s10;
	s9 =	sor.u32 $0x1C04, s26;
	s10 =	sadd.s32 $0x2800, s2  }
0xf: {  	s11 =	sadd.s32 $0xC800, s2;
	s14 =	sshrl.u32 s15, $0x3;
	s15 =	simm.s32 $0x4  }
0x10: {  	s26 =	simm.s32 $0x27C0;
	s13 =	smax.u32 s25, $0x1;
	s25 =	simm.s32 $0x4F00  }
.LBB2_7:
0x11: {  	[tilespmem:s21], [sflag:$0x3] =	stream.indirect.gather [hbm4b:s6+s17], $0x80, s2, s17, $0xb8;
	[tilespmem:$0x1F000] =	vst v63  }
0x12: {  	_ =	swait.ge [sflag:s22], $0x2000  }
0x13: {  	[sflag:s22] =	ssyncset.done $0x0  }
0x14: {  	[sflag:s22] =	ssyncadd.s32 $0xFFFFE000  }
0x15: {  	[spmem:s3] =	stream.indirect.scatter.add.f32 [tilespmem:s18], [sflag:$0x4], $0x80, s25, s17, $0xb8;
	[tilespmem:$0x1F000] =	vst v63  }
0x16: {  	_ =	swait.ge [sflag:s15], $0x2000  }
0x17: {  	[sflag:s15] =	ssyncset.done $0x0  }
0x18: {  	s0 =	smov.u32 s8;
	[sflag:s15] =	ssyncadd.s32 $0xFFFFE000  }
0x19: {  	[tilespmem:s18], [sflag:$0x1] =	stream.indirect.gather [hbm4b:s6+s17], $0x80, s26, s17, $0xb8;
	[tilespmem:$0x1F000] =	vst v63  }
.LBB2_8:
0x1a: {  	_ =	swait.ge [sflag:s23], $0x2000  }
0x1b: {  	[sflag:s23] =	ssyncset.done $0x0  }
0x1c: {  	[sflag:s23] =	ssyncadd.s32 $0xFFFFE000  }
0x1d: {  	[spmem:s3] =	stream.indirect.scatter.add.f32 [tilespmem:s19], [sflag:$0x4], $0x80, s28, s17, $0xb8;
	[tilespmem:$0x1F000] =	vst v63  }
0x1e: {  	_ =	swait.ge [sflag:s15], $0x2000  }
0x1f: {  	[sflag:s15] =	ssyncset.done $0x0  }
0x20: {  	[sflag:s15] =	ssyncadd.s32 $0xFFFFE000  }
0x21: {  	_ =	swait.ge [sflag:s24], $0x2000  }
0x22: {  	[sflag:s24] =	ssyncset.done $0x0  }
0x23: {  	[sflag:s24] =	ssyncadd.s32 $0xFFFFE000  }
0x24: {  	[spmem:s3] =	stream.indirect.scatter.add.f32 [tilespmem:s21], [sflag:$0x4], $0x80, s29, s17, $0xb8;
	[tilespmem:$0x1F000] =	vst v63  }
0x25: {  	_ =	swait.ge [sflag:s15], $0x2000  }
0x26: {  	[sflag:s15] =	ssyncset.done $0x0  }
0x27: {  	[sflag:s15] =	ssyncadd.s32 $0xFFFFE000  }
0x28: {  	_ =	swait.ge [sflag:s22], $0x2000  }
0x29: {  	[sflag:s22] =	ssyncset.done $0x0  }
0x2a: {  	[sflag:s22] =	ssyncadd.s32 $0xFFFFE000  }
0x2b: {  	[spmem:s3] =	stream.indirect.scatter.add.f32 [tilespmem:s18], [sflag:$0x4], $0x80, s30, s17, $0xb8;
	[tilespmem:$0x1F000] =	vst v63  }
0x2c: {  	_ =	swait.ge [sflag:s15], $0x2000  }
0x2d: {  	s31 =	sadd.s32 $0x1, s31;
	[sflag:s15] =	ssyncset.done $0x0  }
0x2e: {  	p1 =	sne.s32 s31, s13;
	[sflag:s15] =	ssyncadd.s32 $0xFFFFE000  }
.Ltmp1:
0x2f: {  	s0 =	sadd.s32 s0, s12;
	[bflag:$0x0] =	sbarrier.arrive $0xFFFF;
	(pc) =	sbr.rel @!p1 .LBB2_9-.Ltmp1, $4  }
0x30: {  	[hbm:s0], [sflag:s9] =	dma.local [spmem:s14], $0x2800  }
0x31: {  	_ =	swait.ge [sflag:s15], $0x2800  }
0x32: {  	[sflag:s15] =	ssyncset.done $0x0  }
0x33: {  	[sflag:s15] =	ssyncadd.s32 $0xFFFFD800  }
.LBB2_1:
0x34: {  	s0 =	rddreg [dreg:$0x1]  }
0x35: {  	[spmem:s14], [sflag:s9] =	dma.local [hbm:s0], $0x2800  }
0x36: {  	_ =	swait.ge [sflag:s15], $0x2800  }
0x37: {  	[sflag:s15] =	ssyncset.done $0x0  }
0x38: {  	[sflag:s15] =	ssyncadd.s32 $0xFFFFD800  }
0x39: {  	[tilespmem:s4], [sflag:$0x4] =	stream.linear.gather [hbm4b:s10+s4], $0x2800, $0x38;
	[tilespmem:$0x1F000] =	vst v63  }
0x3a: {  	_ =	swait.ge [sflag:s15], $0x2800  }
0x3b: {  	[sflag:s15] =	ssyncset.done $0x0  }
0x3c: {  	[sflag:s15] =	ssyncadd.s32 $0xFFFFD800  }
0x3d: {  	[tilespmem:s16], [sflag:$0x4] =	stream.linear.gather [hbm4b:s11+s4], $0x2800, $0x38;
	[tilespmem:$0x1F000] =	vst v63  }
.Ltmp2:
0x3e: {  	_ =	swait.ge [sflag:s15], $0x2800;
	(pc) =	sbr.rel @p0 .LBB2_5-.Ltmp2, $4  }
0x3f: {  	[sflag:s15] =	ssyncset.done $0x0  }
0x40: {  	[sflag:s15] =	ssyncadd.s32 $0xFFFFD800  }
0x41: {  	[bflag:$0x0] =	sbarrier.arrive $0xFFFF  }
0x42: {  	s0 =	simm.s32 $0x0  }
0x43: {  	[tilespmem:s18], [sflag:$0x1] =	stream.indirect.gather [hbm4b:s5+s17], $0x80, s0, s17, $0xb8;
	[tilespmem:$0x1F000] =	vst v63  }
0x44: {  	_ = 	snop  }
0x45: {  	[tilespmem:s19], [sflag:$0x2] =	stream.indirect.gather [hbm4b:s5+s17], $0x80, s17, s17, $0xb8;
	[tilespmem:$0x1F000] =	vst v63  }
0x46: {  	_ = 	snop  }
0x47: {  	[tilespmem:s21], [sflag:$0x3] =	stream.indirect.gather [hbm4b:s5+s17], $0x80, s20, s17, $0xb8;
	[tilespmem:$0x1F000] =	vst v63  }
0x48: {  	_ =	swait.ge [sflag:s22], $0x2000  }
0x49: {  	[sflag:s22] =	ssyncset.done $0x0  }
0x4a: {  	s2 =	simm.s32 $0x2800;
	[sflag:s22] =	ssyncadd.s32 $0xFFFFE000  }
0x4b: {  	[spmem:s3] =	stream.indirect.scatter.add.f32 [tilespmem:s18], [sflag:$0x4], $0x80, s2, s17, $0xb8;
	[tilespmem:$0x1F000] =	vst v63  }
0x4c: {  	_ =	swait.ge [sflag:s15], $0x2000  }
0x4d: {  	[sflag:s15] =	ssyncset.done $0x0  }
0x4e: {  	s1 =	simm.s32 $0xC0;
	[sflag:s15] =	ssyncadd.s32 $0xFFFFE000  }
0x4f: {  	[tilespmem:s18], [sflag:$0x1] =	stream.indirect.gather [hbm4b:s5+s17], $0x80, s1, s17, $0xb8;
	[tilespmem:$0x1F000] =	vst v63  }
0x50: {  	_ =	swait.ge [sflag:s23], $0x2000  }
0x51: {  	[sflag:s23] =	ssyncset.done $0x0  }
0x52: {  	s2 =	simm.s32 $0x2840;
	[sflag:s23] =	ssyncadd.s32 $0xFFFFE000  }
0x53: {  	[spmem:s3] =	stream.indirect.scatter.add.f32 [tilespmem:s19], [sflag:$0x4], $0x80, s2, s17, $0xb8;
	[tilespmem:$0x1F000] =	vst v63  }
0x54: {  	_ =	swait.ge [sflag:s15], $0x2000  }
0x55: {  	[sflag:s15] =	ssyncset.done $0x0  }
0x56: {  	s1 =	simm.s32 $0x100;
	[sflag:s15] =	ssyncadd.s32 $0xFFFFE000  }
0x57: {  	[tilespmem:s19], [sflag:$0x2] =	stream.indirect.gather [hbm4b:s5+s17], $0x80, s1, s17, $0xb8;
	[tilespmem:$0x1F000] =	vst v63  }
0x58: {  	_ =	swait.ge [sflag:s24], $0x2000  }
0x59: {  	[sflag:s24] =	ssyncset.done $0x0  }
0x5a: {  	s2 =	simm.s32 $0x2880;
	[sflag:s24] =	ssyncadd.s32 $0xFFFFE000  }
0x5b: {  	[spmem:s3] =	stream.indirect.scatter.add.f32 [tilespmem:s21], [sflag:$0x4], $0x80, s2, s17, $0xb8;
	[tilespmem:$0x1F000] =	vst v63  }
0x5c: {  	_ =	swait.ge [sflag:s15], $0x2000  }
0x5d: {  	[sflag:s15] =	ssyncset.done $0x0  }
0x5e: {  	s0 =	simm.s32 $0x300;
	s2 =	simm.s32 $0x140;
	[sflag:s15] =	ssyncadd.s32 $0xFFFFE000  }
.LBB2_3:
0x5f: {  	[tilespmem:s21], [sflag:$0x3] =	stream.indirect.gather [hbm4b:s5+s17], $0x80, s2, s17, $0xb8;
	[tilespmem:$0x1F000] =	vst v63  }
0x60: {  	s2 =	smov.u32 s0  }
0x61: {  	p1 =	sne.s32 s0, $0x9900;
	s0 =	sadd.s32 $0x300, s0;
	_ =	swait.ge [sflag:s22], $0x2000  }
0x62: {  	s2 =	sshra.s32 s2, $0x2;
	[sflag:s22] =	ssyncset.done $0x0  }
0x63: {  	s1 =	sadd.s32 $0x2800, s2;
	[sflag:s22] =	ssyncadd.s32 $0xFFFFE000  }
0x64: {  	[spmem:s3] =	stream.indirect.scatter.add.f32 [tilespmem:s18], [sflag:$0x4], $0x80, s1, s17, $0xb8;
	[tilespmem:$0x1F000] =	vst v63  }
0x65: {  	_ =	swait.ge [sflag:s15], $0x2000  }
0x66: {  	[sflag:s15] =	ssyncset.done $0x0  }
0x67: {  	s1 =	sadd.s32 $0xC0, s2;
	[sflag:s15] =	ssyncadd.s32 $0xFFFFE000  }
0x68: {  	[tilespmem:s18], [sflag:$0x1] =	stream.indirect.gather [hbm4b:s5+s17], $0x80, s1, s17, $0xb8;
	[tilespmem:$0x1F000] =	vst v63  }
0x69: {  	_ =	swait.ge [sflag:s23], $0x2000  }
0x6a: {  	[sflag:s23] =	ssyncset.done $0x0  }
0x6b: {  	s1 =	sadd.s32 $0x2840, s2;
	[sflag:s23] =	ssyncadd.s32 $0xFFFFE000  }
0x6c: {  	[spmem:s3] =	stream.indirect.scatter.add.f32 [tilespmem:s19], [sflag:$0x4], $0x80, s1, s17, $0xb8;
	[tilespmem:$0x1F000] =	vst v63  }
0x6d: {  	_ =	swait.ge [sflag:s15], $0x2000  }
0x6e: {  	[sflag:s15] =	ssyncset.done $0x0  }
0x6f: {  	s1 =	sadd.s32 $0x100, s2;
	[sflag:s15] =	ssyncadd.s32 $0xFFFFE000  }
0x70: {  	[tilespmem:s19], [sflag:$0x2] =	stream.indirect.gather [hbm4b:s5+s17], $0x80, s1, s17, $0xb8;
	[tilespmem:$0x1F000] =	vst v63  }
0x71: {  	_ =	swait.ge [sflag:s24], $0x2000  }
0x72: {  	[sflag:s24] =	ssyncset.done $0x0  }
.Ltmp3:
0x73: {  	s1 =	sadd.s32 $0x2880, s2;
	[sflag:s24] =	ssyncadd.s32 $0xFFFFE000;
	(pc) =	sbr.rel @p1 .LBB2_3-.Ltmp3, $4  }
0x74: {  	[spmem:s3] =	stream.indirect.scatter.add.f32 [tilespmem:s21], [sflag:$0x4], $0x80, s1, s17, $0xb8;
	[tilespmem:$0x1F000] =	vst v63  }
0x75: {  	_ =	swait.ge [sflag:s15], $0x2000  }
0x76: {  	[sflag:s15] =	ssyncset.done $0x0  }
0x77: {  	s2 =	sadd.s32 $0x140, s2;
	[sflag:s15] =	ssyncadd.s32 $0xFFFFE000  }
0x78: {  	[tilespmem:s21], [sflag:$0x3] =	stream.indirect.gather [hbm4b:s5+s17], $0x80, s2, s17, $0xb8;
	[tilespmem:$0x1F000] =	vst v63  }
0x79: {  	_ =	swait.ge [sflag:s22], $0x2000  }
0x7a: {  	[sflag:s22] =	ssyncset.done $0x0  }
0x7b: {  	[sflag:s22] =	ssyncadd.s32 $0xFFFFE000  }
0x7c: {  	[spmem:s3] =	stream.indirect.scatter.add.f32 [tilespmem:s18], [sflag:$0x4], $0x80, s25, s17, $0xb8;
	[tilespmem:$0x1F000] =	vst v63  }
.Ltmp4:
0x7d: {  	_ = 	snop;
	(pc) =	sbr.rel .LBB2_8-.Ltmp4, $4  }
0x7e: {  	_ =	swait.ge [sflag:s15], $0x2000  }
0x7f: {  	[sflag:s15] =	ssyncset.done $0x0  }
0x80: {  	s0 =	smov.u32 s7;
	[sflag:s15] =	ssyncadd.s32 $0xFFFFE000  }
0x81: {  	[tilespmem:s18], [sflag:$0x1] =	stream.indirect.gather [hbm4b:s5+s17], $0x80, s26, s17, $0xb8;
	[tilespmem:$0x1F000] =	vst v63  }
.LBB2_5:
0x82: {  	[tilespmem:s18], [sflag:$0x1] =	stream.indirect.gather [hbm4b:s6+s17], $0x80, s0, s17, $0xb8;
	[tilespmem:$0x1F000] =	vst v63  }
0x83: {  	_ = 	snop  }
0x84: {  	[tilespmem:s19], [sflag:$0x2] =	stream.indirect.gather [hbm4b:s6+s17], $0x80, s17, s17, $0xb8;
	[tilespmem:$0x1F000] =	vst v63  }
0x85: {  	_ = 	snop  }
0x86: {  	[tilespmem:s21], [sflag:$0x3] =	stream.indirect.gather [hbm4b:s6+s17], $0x80, s20, s17, $0xb8;
	[tilespmem:$0x1F000] =	vst v63  }
0x87: {  	_ =	swait.ge [sflag:s22], $0x2000  }
0x88: {  	[sflag:s22] =	ssyncset.done $0x0  }
0x89: {  	s2 =	simm.s32 $0x2800;
	[sflag:s22] =	ssyncadd.s32 $0xFFFFE000  }
0x8a: {  	[spmem:s3] =	stream.indirect.scatter.add.f32 [tilespmem:s18], [sflag:$0x4], $0x80, s2, s17, $0xb8;
	[tilespmem:$0x1F000] =	vst v63  }
0x8b: {  	_ =	swait.ge [sflag:s15], $0x2000  }
0x8c: {  	[sflag:s15] =	ssyncset.done $0x0  }
0x8d: {  	s1 =	simm.s32 $0xC0;
	[sflag:s15] =	ssyncadd.s32 $0xFFFFE000  }
0x8e: {  	[tilespmem:s18], [sflag:$0x1] =	stream.indirect.gather [hbm4b:s6+s17], $0x80, s1, s17, $0xb8;
	[tilespmem:$0x1F000] =	vst v63  }
0x8f: {  	_ =	swait.ge [sflag:s23], $0x2000  }
0x90: {  	[sflag:s23] =	ssyncset.done $0x0  }
0x91: {  	s2 =	simm.s32 $0x2840;
	[sflag:s23] =	ssyncadd.s32 $0xFFFFE000  }
0x92: {  	[spmem:s3] =	stream.indirect.scatter.add.f32 [tilespmem:s19], [sflag:$0x4], $0x80, s2, s17, $0xb8;
	[tilespmem:$0x1F000] =	vst v63  }
0x93: {  	_ =	swait.ge [sflag:s15], $0x2000  }
0x94: {  	[sflag:s15] =	ssyncset.done $0x0  }
0x95: {  	s1 =	simm.s32 $0x100;
	[sflag:s15] =	ssyncadd.s32 $0xFFFFE000  }
0x96: {  	[tilespmem:s19], [sflag:$0x2] =	stream.indirect.gather [hbm4b:s6+s17], $0x80, s1, s17, $0xb8;
	[tilespmem:$0x1F000] =	vst v63  }
0x97: {  	_ =	swait.ge [sflag:s24], $0x2000  }
0x98: {  	[sflag:s24] =	ssyncset.done $0x0  }
0x99: {  	s2 =	simm.s32 $0x2880;
	[sflag:s24] =	ssyncadd.s32 $0xFFFFE000  }
0x9a: {  	[spmem:s3] =	stream.indirect.scatter.add.f32 [tilespmem:s21], [sflag:$0x4], $0x80, s2, s17, $0xb8;
	[tilespmem:$0x1F000] =	vst v63  }
0x9b: {  	_ =	swait.ge [sflag:s15], $0x2000  }
0x9c: {  	[sflag:s15] =	ssyncset.done $0x0  }
0x9d: {  	s0 =	simm.s32 $0x300;
	s2 =	simm.s32 $0x140;
	[sflag:s15] =	ssyncadd.s32 $0xFFFFE000  }
.LBB2_6:
0x9e: {  	[tilespmem:s21], [sflag:$0x3] =	stream.indirect.gather [hbm4b:s6+s17], $0x80, s2, s17, $0xb8;
	[tilespmem:$0x1F000] =	vst v63  }
0x9f: {  	s1 =	smov.u32 s0  }
0xa0: {  	p1 =	sne.s32 s0, $0x9900;
	s0 =	sadd.s32 $0x300, s0;
	_ =	swait.ge [sflag:s22], $0x2000  }
0xa1: {  	s1 =	sshra.s32 s1, $0x2;
	[sflag:s22] =	ssyncset.done $0x0  }
0xa2: {  	s2 =	sadd.s32 $0x2800, s1;
	[sflag:s22] =	ssyncadd.s32 $0xFFFFE000  }
0xa3: {  	[spmem:s3] =	stream.indirect.scatter.add.f32 [tilespmem:s18], [sflag:$0x4], $0x80, s2, s17, $0xb8;
	[tilespmem:$0x1F000] =	vst v63  }
0xa4: {  	_ =	swait.ge [sflag:s15], $0x2000  }
0xa5: {  	[sflag:s15] =	ssyncset.done $0x0  }
0xa6: {  	s2 =	sadd.s32 $0xC0, s1;
	[sflag:s15] =	ssyncadd.s32 $0xFFFFE000  }
0xa7: {  	[tilespmem:s18], [sflag:$0x1] =	stream.indirect.gather [hbm4b:s6+s17], $0x80, s2, s17, $0xb8;
	[tilespmem:$0x1F000] =	vst v63  }
0xa8: {  	_ =	swait.ge [sflag:s23], $0x2000  }
0xa9: {  	[sflag:s23] =	ssyncset.done $0x0  }
0xaa: {  	s2 =	sadd.s32 $0x2840, s1;
	[sflag:s23] =	ssyncadd.s32 $0xFFFFE000  }
0xab: {  	[spmem:s3] =	stream.indirect.scatter.add.f32 [tilespmem:s19], [sflag:$0x4], $0x80, s2, s17, $0xb8;
	[tilespmem:$0x1F000] =	vst v63  }
0xac: {  	_ =	swait.ge [sflag:s15], $0x2000  }
0xad: {  	[sflag:s15] =	ssyncset.done $0x0  }
0xae: {  	s2 =	sadd.s32 $0x100, s1;
	[sflag:s15] =	ssyncadd.s32 $0xFFFFE000  }
0xaf: {  	[tilespmem:s19], [sflag:$0x2] =	stream.indirect.gather [hbm4b:s6+s17], $0x80, s2, s17, $0xb8;
	[tilespmem:$0x1F000] =	vst v63  }
0xb0: {  	_ =	swait.ge [sflag:s24], $0x2000  }
0xb1: {  	[sflag:s24] =	ssyncset.done $0x0  }
.Ltmp5:
0xb2: {  	s2 =	sadd.s32 $0x2880, s1;
	[sflag:s24] =	ssyncadd.s32 $0xFFFFE000;
	(pc) =	sbr.rel @p1 .LBB2_6-.Ltmp5, $4  }
0xb3: {  	[spmem:s3] =	stream.indirect.scatter.add.f32 [tilespmem:s21], [sflag:$0x4], $0x80, s2, s17, $0xb8;
	[tilespmem:$0x1F000] =	vst v63  }
0xb4: {  	_ =	swait.ge [sflag:s15], $0x2000  }
0xb5: {  	[sflag:s15] =	ssyncset.done $0x0  }
0xb6: {  	s2 =	sadd.s32 $0x140, s1;
	[sflag:s15] =	ssyncadd.s32 $0xFFFFE000  }
.Ltmp6:
0xb7: {  	_ = 	snop;
	(pc) =	sbr.rel .LBB2_7-.Ltmp6, $1  }
0xb8: {  	_ =	sdelay $0x3  }
.LBB2_9:
0xb9: {  	_ =	sfence.sel $0x180000  }
0xba: {  	[bflag:$0x0] =	sbarrier.arrive $0xFFFF  }
0xbb: {  	_ =	strace $0x9000004A  }
0xbc: {  	s0 =	stileid.u32;
	[bflag:$0x2] =	sbarrier.arrive $0xFFFF  }
0xbd: {  	p0 =	sne.s32 s0, $0x0;
	s0 =	rddreg [dreg:$0x3]  }
0xbe: {  	s0 =	sadd.s32 @!p0 $0x100000, s0  }
0xbf: {  	[sflag:s0] =	ssyncadd.tile.s32 @!p0 $0x1;
	_ =	shalt  }
.Lfunc_end2:
_tile_overlayer_lowered:
.L_overlay_start_2:
0xc0: {  	(tag) =	ssettag $0x2  }
0xc1: {  	s0 =	rddreg [dreg:$0x0];
	s2 =	stileid.u32  }
0xc2: {  	s1 =	rddreg [dreg:$0x1];
	p0 =	sne.s32 s2, $0x0  }
0xc3: {  	s3 =	rddreg [dreg:$0x2];
	[bflag:$0x3] =	sbarrier.arrive $0xFFFF;
	s2 =	simm.s32 @!p0 $0x1C04  }
0xc4: {  	[timem:s3], [sflag:s2] =	dma.local @!p0 [hbm:s0], s1  }
0xc5: {  	s0 =	simm.s32 @!p0 $0x4  }
0xc6: {  	_ =	swait.ge @!p0 [sflag:s0], s1  }
0xc7: {  	s1 =	ssub.s32 @!p0 $0x0, s1;
	[sflag:s0] =	ssyncset.done @!p0 $0x0  }
0xc8: {  	[sflag:s0] =	ssyncadd.s32 @!p0 s1  }
0xc9: {  	[bflag:$0x3] =	sbarrier.arrive $0xFFFF  }
0xca: {  	_ =	shalt  }

// kernel: kernel.14.cloned.1.call-start
scs
__scs_entry_jumppad:
0x0: {  	(pc) =	sbr.rel $0x88, $3  }
0x1: {  	(tag) =	ssettag $0x0;
	lr =	simm.s32 $0x1  }
0x2: {  	[smem:$0x3F9B] =	sst lr;
	_ =	strace $0xD0000000  }
0x3: {  	_ = 	snop  }
0x4: {  	_ = 	snop  }
0x5: {  	_ = 	snop  }
0x6: {  	_ = 	snop  }
0x7: {  	_ = 	snop  }
__scs_overlays_trampoline_lowered:
0x8: {  	[smem:$0x3FAA] =	sst s0  }
0x9: {  	[smem:$0x3FAB] =	sst s1  }
0xa: {  	[smem:$0x3FAC] =	sst s2  }
0xb: {  	[smem:$0x3FAD] =	sst s3  }
0xc: {  	[smem:$0x3FAE] =	sst s4  }
0xd: {  	[smem:$0x3FAF] =	sst s5  }
0xe: {  	[smem:$0x3FB0] =	sst s6  }
0xf: {  	[smem:$0x3FB1] =	sst s7  }
0x10: {  	[smem:$0x3FB2] =	sst s8  }
0x11: {  	[smem:$0x3FB3] =	sst s9;
	s0 =	simm.s32 @!p0 $0x0  }
0x12: {  	s1 =	sld [smem:$0x3F99];
	s0 =	simm.s32 @p0 $0x1  }
0x13: {  	[smem:$0x3FB4] =	sst s0;
	s0 =	simm.s32 @!p1 $0x0  }
0x14: {  	s2 =	sld [smem:$0x3F98];
	s0 =	simm.s32 @p1 $0x1  }
0x15: {  	[smem:$0x3FB5] =	sst s0;
	s0 =	simm.s32 @!p2 $0x0  }
0x16: {  	s3 =	sld [smem:$0x3FDB];
	s0 =	simm.s32 @p2 $0x1  }
0x17: {  	s4 =	simm.s32 $0x1BF5;
	[smem:$0x3FB7] =	sst s0  }
0x18: {  	s0 =	sld [smem:$0x3F9A];
	_ =	swait.ge [sflag:s4], $0x0  }
0x19: {  	s7 =	sld [smem:$0x3F9B]  }
0x1a: {  	s8 =	sadd.s32 $0xFFFFE003, lr  }
0x1b: {  	s9 =	sadd.s32 $0xFFFFFEF7, lr;
	s5 =	simm.s32 $0xFFFFFFFF;
	p2 =	slt.u32 s8, $0xFFFFF086  }
0x1c: {  	p1 =	slt.u32 s9, $0xF7A;
	s5 =	simm.s32 @!p2 $0x0  }
0x1d: {  	s5 =	simm.s32 @p1 $0x1;
	p0 =	seq.s32 s7, s2  }
0x1e: {  	s7 =	smul.u32 @!p0 $0xF7A, s2;
	p2 =	seq.s32 @!p0 s5, $0x0  }
0x1f: {  	s9 =	smul.u32 $0xF7A, s1;
	s8 =	simm.s32 @!p0 $0x1BF5;
	p2 =	por !p2, p0  }
0x20: {  	[sflag:s8] =	ssyncset.s32 @!p0 $0xFFFFF086;
	s6 =	sadd.s32 @!p0 s3, s7;
	s7 =	simm.s32 @!p0 $0x108  }
0x21: {  	s3 =	sadd.s32 s3, s9;
	s6 =	sadd.s32 @!p0 $0x88, s6;
	s7 =	simm.s32 @p2 $0x1082  }
0x22: {  	[simem:s7], [sflag:s8] =	dma.local @!p0 [hbm:s6], $0xF7A  }
0x23: {  	s9 =	sor.u32 $0xD0000000, s2;
	s6 =	simm.s32 $0x108;
	_ =	swait.ge @!p0 [sflag:s8], $0x0  }
0x24: {  	s3 =	sadd.s32 $0x88, s3;
	s6 =	simm.s32 @!p1 $0x1082;
	[sflag:s4] =	ssyncset.s32 $0xFFFFF086  }
0x25: {  	[simem:s6], [sflag:s4] =	dma.local [hbm:s3], $0xF7A  }
0x26: {  	[smem:$0x3F9B] =	sst s1;
	(tag) =	ssettag s2;
	_ =	strace s9  }
0x27: {  	s1 =	sld [smem:$0x3FAB]  }
0x28: {  	s2 =	sld [smem:$0x3FAC]  }
0x29: {  	s4 =	sld [smem:$0x3FAE]  }
0x2a: {  	p0 =	seq.s32 s5, $0x0;
	s5 =	sld [smem:$0x3FAF]  }
0x2b: {  	s6 =	sld [smem:$0x3FB0]  }
0x2c: {  	s7 =	sld [smem:$0x3FB1]  }
0x2d: {  	s3 =	simm.s32 $0x108;
	s8 =	sld [smem:$0x3FB2]  }
0x2e: {  	s3 =	simm.s32 @!p0 $0x1082;
	s9 =	sld [smem:$0x3FB3]  }
0x2f: {  	lr =	sadd.s32 s0, s3;
	s0 =	sld [smem:$0x3FAA]  }
0x30: {  	s3 =	sld [smem:$0x3FAD]  }
0x31: {  	[smem:$0x3FB6] =	sst s10  }
0x32: {  	s10 =	sld [smem:$0x3FB4];
	_ =	sdelay $0x3  }
0x33: {  	p0 =	seq.s32 s10, $0x1;
	s10 =	sld [smem:$0x3FB6];
	_ =	sdelay $0x3  }
0x34: {  	[smem:$0x3FB6] =	sst s10  }
0x35: {  	s10 =	sld [smem:$0x3FB5];
	_ =	sdelay $0x3  }
0x36: {  	p1 =	seq.s32 s10, $0x1;
	s10 =	sld [smem:$0x3FB6];
	_ =	sdelay $0x3  }
0x37: {  	[smem:$0x3FB6] =	sst s10  }
0x38: {  	s10 =	sld [smem:$0x3FB7]  }
0x39: {  	_ = 	snop;
	(pc) =	sbr.ind lr, $3  }
0x3a: {  	_ = 	snop  }
0x3b: {  	_ = 	snop  }
0x3c: {  	p2 =	seq.s32 s10, $0x1;
	s10 =	sld [smem:$0x3FB6]  }
0x3d: {  	_ =	shalt  }
0x3e: {  	_ =	shalt  }
0x3f: {  	_ =	shalt  }
0x40: {  	_ =	shalt  }
0x41: {  	_ =	shalt  }
0x42: {  	_ =	shalt  }
0x43: {  	_ =	shalt  }
0x44: {  	_ =	shalt  }
0x45: {  	_ =	shalt  }
0x46: {  	_ =	shalt  }
0x47: {  	_ =	shalt  }
0x48: {  	_ =	shalt  }
0x49: {  	_ =	shalt  }
0x4a: {  	_ =	shalt  }
0x4b: {  	_ =	shalt  }
0x4c: {  	_ =	shalt  }
0x4d: {  	_ =	shalt  }
0x4e: {  	_ =	shalt  }
0x4f: {  	_ =	shalt  }
0x50: {  	_ =	shalt  }
0x51: {  	_ =	shalt  }
0x52: {  	_ =	shalt  }
0x53: {  	_ =	shalt  }
0x54: {  	_ =	shalt  }
0x55: {  	_ =	shalt  }
0x56: {  	_ =	shalt  }
0x57: {  	_ =	shalt  }
0x58: {  	_ =	shalt  }
0x59: {  	_ =	shalt  }
0x5a: {  	_ =	shalt  }
0x5b: {  	_ =	shalt  }
0x5c: {  	_ =	shalt  }
0x5d: {  	_ =	shalt  }
0x5e: {  	_ =	shalt  }
0x5f: {  	_ =	shalt  }
0x60: {  	_ =	shalt  }
0x61: {  	_ =	shalt  }
0x62: {  	_ =	shalt  }
0x63: {  	_ =	shalt  }
0x64: {  	_ =	shalt  }
0x65: {  	_ =	shalt  }
0x66: {  	_ =	shalt  }
0x67: {  	_ =	shalt  }
0x68: {  	_ =	shalt  }
0x69: {  	_ =	shalt  }
0x6a: {  	_ =	shalt  }
0x6b: {  	_ =	shalt  }
0x6c: {  	_ =	shalt  }
0x6d: {  	_ =	shalt  }
0x6e: {  	_ =	shalt  }
0x6f: {  	_ =	shalt  }
0x70: {  	_ =	shalt  }
0x71: {  	_ =	shalt  }
0x72: {  	_ =	shalt  }
0x73: {  	_ =	shalt  }
0x74: {  	_ =	shalt  }
0x75: {  	_ =	shalt  }
0x76: {  	_ =	shalt  }
0x77: {  	_ =	shalt  }
0x78: {  	_ =	shalt  }
0x79: {  	_ =	shalt  }
0x7a: {  	_ =	shalt  }
0x7b: {  	_ =	shalt  }
0x7c: {  	_ =	shalt  }
0x7d: {  	_ =	shalt  }
0x7e: {  	_ =	shalt  }
0x7f: {  	_ =	shalt  }
0x80: {  	_ =	shalt  }
0x81: {  	_ =	shalt  }
0x82: {  	_ =	shalt  }
0x83: {  	_ =	shalt  }
0x84: {  	_ =	shalt  }
0x85: {  	_ =	shalt  }
0x86: {  	_ =	shalt  }
0x87: {  	_ =	shalt  }
.Lfunc_end0:
.L_simem_size_0:
called_computation.2_lowered:
.L_overlay_start_0:
0x88: {  	s2 =	sld [smem:$0x3FD9]  }
0x89: {  	s3 =	sld [smem:$0x3FFE];
	_ =	sdelay $0x1  }
0x8a: {  	s1 =	srdreg.scid  }
0x8b: {  	s0 =	sand.u32 $0x1, s1  }
0x8c: {  	s17 =	sshll.u32 s0, $0xA;
	s2 =	sadd.s32 s3, s2  }
0x8d: {  	s2 =	sadd.s32 s2, s17  }
0x8e: {  	[smem:$0x3FC2] =	sst s2  }
0x8f: {  	_ = 	snop  }
0x90: {  	s2 =	sld [smem:$0x3FD0];
	(tm) =	ssettm $0x1  }
0x91: {  	s18 =	sld [smem:$0x3FFB];
	_ =	sdelay $0x3  }
0x92: {  	_ =	strace s18  }
0x93: {  	s3 =	sld [smem:$0x3FFC];
	_ =	sdelay $0x3  }
0x94: {  	_ =	strace s3  }
0x95: {  	s3 =	sld [smem:$0x3FFD];
	_ =	sdelay $0x3  }
0x96: {  	_ =	strace s3  }
0x97: {  	_ =	strace $0x8FFFFFFF  }
0x98: {  	s19 =	sld [smem:$0x3FDB];
	_ =	sdelay $0x1  }
0x99: {  	s4 =	simm.s32 $_scs_section_size  }
0x9a: {  	s5 =	simm.s32 $_size__tile_overlayer_lowered;
	s6 =	simm.s32 $_tile_overlayer_lowered  }
0x9b: {  	s22 =	simm.s32 $0x1BFF;
	s21 =	sshll.u32 s6, $0x1;
	s3 =	sadd.s32 s4, s19  }
0x9c: {  	s7 =	simm.s32 $0x0;
	s20 =	sshll.u32 s5, $0x1;
	s5 =	sadd.s32 s21, s3  }
0x9d: {  	[timem:s7], [sflag:s22] =	dma.local [hbm:s5], s20  }
0x9e: {  	_ =	swait.ge [sflag:s22], s20  }
0x9f: {  	s4 =	ssub.s32 $0x0, s20;
	[sflag:s22] =	ssyncset.done $0x0  }
0xa0: {  	[sflag:s22] =	ssyncadd.s32 s4;
	_ =	sdelay $0x1  }
0xa1: {  	s23 =	simm.s32 $0x1B8B  }
0xa2: {  	_ =	swait.ge [sflag:s23], $0x1  }
0xa3: {  	[sflag:s23] =	ssyncset.done $0x0  }
0xa4: {  	s25 =	simm.s32 $0x1B8E;
	s24 =	sld [smem:$0x3FFE];
	[sflag:s23] =	ssyncadd.s32 $0xFFFFFFFF  }
0xa5: {  	s26 =	simm.s32 $execute0_lowered;
	[smem:$0x3FD2] =	sst s25  }
0xa6: {  	s5 =	sshll.u32 s26, $0x1;
	_ =	strace $0x8000004C;
	[dreg:$0x1] =	wrdreg $0xFFFFFFFF  }
0xa7: {  	s28 =	simm.s32 $_size_execute0_lowered;
	s3 =	sadd.s32 s3, s5;
	[dreg:$0x0] =	wrdreg $0x0  }
0xa8: {  	s5 =	sshll.u32 s28, $0x1;
	[dreg:$0x2] =	wrdreg s3  }
0xa9: {  	[dreg:$0x3] =	wrdreg s5  }
0xaa: {  	[dreg:$0x4] =	wrdreg $0xC0  }
0xab: {  	_ =	task [dreg:s7], $0x5FFFF  }
0xac: {  	[dreg:$0x1] =	wrdreg $0xFFFFFFFF  }
0xad: {  	[dreg:$0x0] =	wrdreg $0x60  }
0xae: {  	[dreg:$0x2] =	wrdreg s2  }
0xaf: {  	[dreg:$0x3] =	wrdreg s24  }
0xb0: {  	[dreg:$0x4] =	wrdreg $0x90000  }
0xb1: {  	[dreg:$0x5] =	wrdreg $0x9  }
0xb2: {  	_ =	task.clear_ibuf [dreg:s7], $0x6FFFF;
	_ =	strace $0x9000004C  }
0xb3: {  	s29 =	simm.s32 $0x9;
	_ =	strace $0x8000004E  }
0xb4: {  	_ =	swait.ge [sflag:s29], $0x1  }
0xb5: {  	[sflag:s29] =	ssyncadd.s32 $0xFFFFFFFF  }
0xb6: {  	_ =	strace $0x9000004E  }
0xb7: {  	_ =	sfence  }
0xb8: {  	s30 =	sld [smem:$0x0];
	_ =	sdelay $0x2  }
0xb9: {  	s31 =	sshll.u32 s1, $0xD;
	s1 =	sshrl.u32 s1, $0x2  }
0xba: {  	s3 =	sand.u32 $0x4000, s31;
	s1 =	sadd.s32 s1, s30  }
0xbb: {  	s0 =	sor.u32 s3, s0;
	s1 =	sshll.u32 s1, $0x11  }
0xbc: {  	s0 =	sor.u32 s1, s0  }
0xbd: {  	s0 =	sadd.s32 $0x8F2B, s0  }
0xbe: {  	[sflag:s0] =	ssyncadd.remote.s32 $0x1  }
0xbf: {  	_ =	sfence.sel $0xFFFF  }
0xc0: {  	[dreg:$0x0] =	wrdreg $0xFFFFFFFF;
	(pc) =	sbr.abs _section_cstart, $3  }
0xc1: {  	[dreg:$0x1] =	wrdreg $0xFFFFFFFF  }
0xc2: {  	_ =	task.clear_ibuf [dreg:s7], $0x2FFFF;
	_ =	strace $0x9FFFFFFF  }
0xc3: {  	(tm) =	ssettm $0x7FFFFFFF  }
tec
execute0_lowered:
.L_overlay_start_1:
0x0: {  	(tag) =	ssettag $0x1  }
0x1: {  	s1 =	rddreg [dreg:$0x0]  }
0x2: {  	s0 =	rddreg [dreg:$0x1]  }
0x3: {  	s3 =	rddreg [dreg:$0x2]  }
0x4: {  	s4 =	simm.s32 $0x0;
	s8 =	stileid.u32;
	s7 =	srdreg.scid  }
0x5: {  	s15 =	simm.s32 $0x5;
	s17 =	simm.s32 $0x80;
	s18 =	simm.s32 $0x5000  }
0x6: {  	s19 =	simm.s32 $0x6000;
	s20 =	simm.s32 $0x100;
	s21 =	simm.s32 $0x7000  }
0x7: {  	s22 =	simm.s32 $0x180;
	s23 =	simm.s32 $0x8000;
	s24 =	simm.s32 $0x1  }
0x8: {  	s28 =	simm.s32 $0x4;
	s29 =	simm.s32 $0x4E00;
	s30 =	simm.s32 $0x4E80  }
0x9: {  	s31 =	simm.s32 $0x4F00;
	[smem:$0x7FF] =	sst s4;
	s2 =	smul.u32 $0x500, s8  }
0xa: {  	s5 =	sadd.s32 $0x11800, s0;
	s6 =	sadd.s32 $0x7800, s0;
	s7 =	sand.u32 $0x1, s7  }
0xb: {  	s9 =	sadd.s32 $0x25800, s0;
	s12 =	smul.u32 $0x5000, s8;
	s10 =	sshll.u32 s8, $0x6  }
0xc: {  	_ =	strace $0x8000004D;
	[dreg:$0x4] =	wrdreg s9;
	s25 =	ssub.s32 $0x2, s7  }
0xd: {  	s9 =	sor.u32 $0x1C05, s10;
	p0 =	sne.s32 s7, $0x0;
	s2 =	sadd.s32 s2, s0  }
.Ltmp0:
0xe: {  	s0 =	sadd.s32 $0x1B800, s0;
	s26 =	sshrl.u32 s25, $0x1;
	(pc) =	sbr.rel .LBB2_1-.Ltmp0, $4  }
0xf: {  	s14 =	sadd.s32 s12, s3;
	s12 =	sshrl.u32 s12, $0x3;
	[dreg:$0x5] =	wrdreg s0  }
0x10: {  	s0 =	ssub.s32 s25, s26;
	s10 =	sadd.s32 $0x2800, s2;
	s11 =	sadd.s32 $0xC800, s2  }
0x11: {  	s14 =	sshrl.u32 s14, $0x3;
	s25 =	simm.s32 $0x2;
	s26 =	simm.s32 $0x3  }
0x12: {  	s2 =	simm.s32 $0x0;
	s13 =	smax.u32 s0, $0x1;
	s0 =	simm.s32 $0x4F80  }
.LBB2_7:
0x13: {  	[tilespmem:s23], [sflag:$0x4] =	stream.indirect.gather [hbm4b:s5+s17], $0x20, s16, s17, $0xb8;
	[tilespmem:$0xE000] =	vst v63  }
0x14: {  	s7 =	rddreg [dreg:$0x5]  }
.LBB2_8:
0x15: {  	_ =	swait.ge [sflag:s24], $0x1000  }
0x16: {  	[sflag:s24] =	ssyncset.done $0x0  }
0x17: {  	[sflag:s24] =	ssyncadd.s32 $0xFFFFF000  }
0x18: {  	[spmem:s3] =	stream.indirect.scatter.add.f32 [tilespmem:s18], [sflag:$0x5], $0x20, s29, s17, $0xb8;
	[tilespmem:$0xE000] =	vst v63  }
0x19: {  	_ =	swait.ge [sflag:s15], $0x1000  }
0x1a: {  	[sflag:s15] =	ssyncset.done $0x0  }
0x1b: {  	[sflag:s15] =	ssyncadd.s32 $0xFFFFF000  }
0x1c: {  	_ =	swait.ge [sflag:s25], $0x1000  }
0x1d: {  	[sflag:s25] =	ssyncset.done $0x0  }
0x1e: {  	[sflag:s25] =	ssyncadd.s32 $0xFFFFF000  }
0x1f: {  	[spmem:s3] =	stream.indirect.scatter.add.f32 [tilespmem:s19], [sflag:$0x5], $0x20, s30, s17, $0xb8;
	[tilespmem:$0xE000] =	vst v63  }
0x20: {  	_ =	swait.ge [sflag:s15], $0x1000  }
0x21: {  	[sflag:s15] =	ssyncset.done $0x0  }
0x22: {  	[sflag:s15] =	ssyncadd.s32 $0xFFFFF000  }
0x23: {  	_ =	swait.ge [sflag:s26], $0x1000  }
0x24: {  	[sflag:s26] =	ssyncset.done $0x0  }
0x25: {  	[sflag:s26] =	ssyncadd.s32 $0xFFFFF000  }
0x26: {  	[spmem:s3] =	stream.indirect.scatter.add.f32 [tilespmem:s21], [sflag:$0x5], $0x20, s31, s17, $0xb8;
	[tilespmem:$0xE000] =	vst v63  }
0x27: {  	_ =	swait.ge [sflag:s15], $0x1000  }
0x28: {  	[sflag:s15] =	ssyncset.done $0x0  }
0x29: {  	[sflag:s15] =	ssyncadd.s32 $0xFFFFF000  }
0x2a: {  	_ =	swait.ge [sflag:s28], $0x1000  }
0x2b: {  	[sflag:s28] =	ssyncset.done $0x0  }
0x2c: {  	[sflag:s28] =	ssyncadd.s32 $0xFFFFF000  }
0x2d: {  	[spmem:s3] =	stream.indirect.scatter.add.f32 [tilespmem:s23], [sflag:$0x5], $0x20, s0, s17, $0xb8;
	[tilespmem:$0xE000] =	vst v63  }
0x2e: {  	_ =	swait.ge [sflag:s15], $0x1000  }
0x2f: {  	s2 =	sadd.s32 $0x1, s2;
	[sflag:s15] =	ssyncset.done $0x0  }
0x30: {  	p1 =	sne.s32 s2, s13;
	[sflag:s15] =	ssyncadd.s32 $0xFFFFF000  }
.Ltmp1:
0x31: {  	s7 =	sadd.s32 s7, s12;
	[bflag:$0x0] =	sbarrier.arrive $0xFFFF;
	(pc) =	sbr.rel @!p1 .LBB2_9-.Ltmp1, $4  }
0x32: {  	[hbm:s7], [sflag:s9] =	dma.local [spmem:s14], $0xA00  }
0x33: {  	_ =	swait.ge [sflag:s15], $0xA00  }
0x34: {  	[sflag:s15] =	ssyncset.done $0x0  }
0x35: {  	[sflag:s15] =	ssyncadd.s32 $0xFFFFF600  }
.LBB2_1:
0x36: {  	[spmem:s14], [sflag:s9] =	dma.local [hbm:s6], $0xA00  }
0x37: {  	_ =	swait.ge [sflag:s15], $0xA00  }
0x38: {  	[sflag:s15] =	ssyncset.done $0x0  }
0x39: {  	[sflag:s15] =	ssyncadd.s32 $0xFFFFF600  }
0x3a: {  	[tilespmem:s4], [sflag:$0x5] =	stream.linear.gather [hbm4b:s10+s4], $0x2800, $0x38;
	[tilespmem:$0xE000] =	vst v63  }
0x3b: {  	_ =	swait.ge [sflag:s15], $0x2800  }
0x3c: {  	[sflag:s15] =	ssyncset.done $0x0  }
0x3d: {  	s7 =	simm.s32 $0x2800;
	[sflag:s15] =	ssyncadd.s32 $0xFFFFD800  }
0x3e: {  	[tilespmem:s7], [sflag:$0x5] =	stream.linear.gather [hbm4b:s11+s4], $0x2800, $0x38;
	[tilespmem:$0xE000] =	vst v63  }
.Ltmp2:
0x3f: {  	_ =	swait.ge [sflag:s15], $0x2800;
	(pc) =	sbr.rel @p0 .LBB2_5-.Ltmp2, $4  }
0x40: {  	[sflag:s15] =	ssyncset.done $0x0  }
0x41: {  	[sflag:s15] =	ssyncadd.s32 $0xFFFFD800  }
0x42: {  	[bflag:$0x0] =	sbarrier.arrive $0xFFFF  }
0x43: {  	s7 =	simm.s32 $0x0  }
0x44: {  	[tilespmem:s18], [sflag:$0x1] =	stream.indirect.gather [hbm4b:s1+s17], $0x20, s7, s17, $0xb8;
	[tilespmem:$0xE000] =	vst v63  }
0x45: {  	_ = 	snop  }
0x46: {  	[tilespmem:s19], [sflag:$0x2] =	stream.indirect.gather [hbm4b:s1+s17], $0x20, s17, s17, $0xb8;
	[tilespmem:$0xE000] =	vst v63  }
0x47: {  	_ = 	snop  }
0x48: {  	[tilespmem:s21], [sflag:$0x3] =	stream.indirect.gather [hbm4b:s1+s17], $0x20, s20, s17, $0xb8;
	[tilespmem:$0xE000] =	vst v63  }
0x49: {  	_ = 	snop  }
0x4a: {  	[tilespmem:s23], [sflag:$0x4] =	stream.indirect.gather [hbm4b:s1+s17], $0x20, s22, s17, $0xb8;
	[tilespmem:$0xE000] =	vst v63  }
0x4b: {  	_ =	swait.ge [sflag:s24], $0x1000  }
0x4c: {  	[sflag:s24] =	ssyncset.done $0x0  }
0x4d: {  	s16 =	simm.s32 $0x2800;
	[sflag:s24] =	ssyncadd.s32 $0xFFFFF000  }
0x4e: {  	[spmem:s3] =	stream.indirect.scatter.add.f32 [tilespmem:s18], [sflag:$0x5], $0x20, s16, s17, $0xb8;
	[tilespmem:$0xE000] =	vst v63  }
0x4f: {  	_ =	swait.ge [sflag:s15], $0x1000  }
0x50: {  	[sflag:s15] =	ssyncset.done $0x0  }
0x51: {  	s8 =	simm.s32 $0x200;
	[sflag:s15] =	ssyncadd.s32 $0xFFFFF000  }
0x52: {  	[tilespmem:s18], [sflag:$0x1] =	stream.indirect.gather [hbm4b:s1+s17], $0x20, s8, s17, $0xb8;
	[tilespmem:$0xE000] =	vst v63  }
0x53: {  	_ =	swait.ge [sflag:s25], $0x1000  }
0x54: {  	[sflag:s25] =	ssyncset.done $0x0  }
0x55: {  	s16 =	simm.s32 $0x2880;
	[sflag:s25] =	ssyncadd.s32 $0xFFFFF000  }
0x56: {  	[spmem:s3] =	stream.indirect.scatter.add.f32 [tilespmem:s19], [sflag:$0x5], $0x20, s16, s17, $0xb8;
	[tilespmem:$0xE000] =	vst v63  }
0x57: {  	_ =	swait.ge [sflag:s15], $0x1000  }
0x58: {  	[sflag:s15] =	ssyncset.done $0x0  }
0x59: {  	s8 =	simm.s32 $0x280;
	[sflag:s15] =	ssyncadd.s32 $0xFFFFF000  }
0x5a: {  	[tilespmem:s19], [sflag:$0x2] =	stream.indirect.gather [hbm4b:s1+s17], $0x20, s8, s17, $0xb8;
	[tilespmem:$0xE000] =	vst v63  }
0x5b: {  	_ =	swait.ge [sflag:s26], $0x1000  }
0x5c: {  	[sflag:s26] =	ssyncset.done $0x0  }
0x5d: {  	s16 =	simm.s32 $0x2900;
	[sflag:s26] =	ssyncadd.s32 $0xFFFFF000  }
0x5e: {  	[spmem:s3] =	stream.indirect.scatter.add.f32 [tilespmem:s21], [sflag:$0x5], $0x20, s16, s17, $0xb8;
	[tilespmem:$0xE000] =	vst v63  }
0x5f: {  	_ =	swait.ge [sflag:s15], $0x1000  }
0x60: {  	[sflag:s15] =	ssyncset.done $0x0  }
0x61: {  	s8 =	simm.s32 $0x300;
	[sflag:s15] =	ssyncadd.s32 $0xFFFFF000  }
0x62: {  	[tilespmem:s21], [sflag:$0x3] =	stream.indirect.gather [hbm4b:s1+s17], $0x20, s8, s17, $0xb8;
	[tilespmem:$0xE000] =	vst v63  }
0x63: {  	_ =	swait.ge [sflag:s28], $0x1000  }
0x64: {  	[sflag:s28] =	ssyncset.done $0x0  }
0x65: {  	s16 =	simm.s32 $0x2980;
	[sflag:s28] =	ssyncadd.s32 $0xFFFFF000  }
0x66: {  	[spmem:s3] =	stream.indirect.scatter.add.f32 [tilespmem:s23], [sflag:$0x5], $0x20, s16, s17, $0xb8;
	[tilespmem:$0xE000] =	vst v63  }
0x67: {  	_ =	swait.ge [sflag:s15], $0x1000  }
0x68: {  	[sflag:s15] =	ssyncset.done $0x0  }
0x69: {  	s7 =	simm.s32 $0x800;
	s16 =	simm.s32 $0x380;
	[sflag:s15] =	ssyncadd.s32 $0xFFFFF000  }
.LBB2_3:
0x6a: {  	[tilespmem:s23], [sflag:$0x4] =	stream.indirect.gather [hbm4b:s1+s17], $0x20, s16, s17, $0xb8;
	[tilespmem:$0xE000] =	vst v63  }
0x6b: {  	s16 =	smov.u32 s7  }
0x6c: {  	p1 =	seq.s32 s7, $0x9000;
	s7 =	sadd.s32 $0x800, s7;
	_ =	swait.ge [sflag:s24], $0x1000  }
0x6d: {  	s16 =	sshra.s32 s16, $0x2;
	[sflag:s24] =	ssyncset.done $0x0  }
0x6e: {  	s8 =	sadd.s32 $0x2800, s16;
	[sflag:s24] =	ssyncadd.s32 $0xFFFFF000  }
0x6f: {  	[spmem:s3] =	stream.indirect.scatter.add.f32 [tilespmem:s18], [sflag:$0x5], $0x20, s8, s17, $0xb8;
	[tilespmem:$0xE000] =	vst v63  }
0x70: {  	_ =	swait.ge [sflag:s15], $0x1000  }
0x71: {  	[sflag:s15] =	ssyncset.done $0x0  }
0x72: {  	s8 =	sadd.s32 $0x200, s16;
	[sflag:s15] =	ssyncadd.s32 $0xFFFFF000  }
0x73: {  	[tilespmem:s18], [sflag:$0x1] =	stream.indirect.gather [hbm4b:s1+s17], $0x20, s8, s17, $0xb8;
	[tilespmem:$0xE000] =	vst v63  }
0x74: {  	_ =	swait.ge [sflag:s25], $0x1000  }
0x75: {  	[sflag:s25] =	ssyncset.done $0x0  }
0x76: {  	s8 =	sadd.s32 $0x2880, s16;
	[sflag:s25] =	ssyncadd.s32 $0xFFFFF000  }
0x77: {  	[spmem:s3] =	stream.indirect.scatter.add.f32 [tilespmem:s19], [sflag:$0x5], $0x20, s8, s17, $0xb8;
	[tilespmem:$0xE000] =	vst v63  }
0x78: {  	_ =	swait.ge [sflag:s15], $0x1000  }
0x79: {  	[sflag:s15] =	ssyncset.done $0x0  }
0x7a: {  	s8 =	sadd.s32 $0x280, s16;
	[sflag:s15] =	ssyncadd.s32 $0xFFFFF000  }
0x7b: {  	[tilespmem:s19], [sflag:$0x2] =	stream.indirect.gather [hbm4b:s1+s17], $0x20, s8, s17, $0xb8;
	[tilespmem:$0xE000] =	vst v63  }
0x7c: {  	_ =	swait.ge [sflag:s26], $0x1000  }
0x7d: {  	[sflag:s26] =	ssyncset.done $0x0  }
0x7e: {  	s8 =	sadd.s32 $0x2900, s16;
	[sflag:s26] =	ssyncadd.s32 $0xFFFFF000  }
0x7f: {  	[spmem:s3] =	stream.indirect.scatter.add.f32 [tilespmem:s21], [sflag:$0x5], $0x20, s8, s17, $0xb8;
	[tilespmem:$0xE000] =	vst v63  }
0x80: {  	_ =	swait.ge [sflag:s15], $0x1000  }
0x81: {  	[sflag:s15] =	ssyncset.done $0x0  }
0x82: {  	s8 =	sadd.s32 $0x300, s16;
	[sflag:s15] =	ssyncadd.s32 $0xFFFFF000  }
0x83: {  	[tilespmem:s21], [sflag:$0x3] =	stream.indirect.gather [hbm4b:s1+s17], $0x20, s8, s17, $0xb8;
	[tilespmem:$0xE000] =	vst v63  }
0x84: {  	_ =	swait.ge [sflag:s28], $0x1000  }
0x85: {  	[sflag:s28] =	ssyncset.done $0x0  }
.Ltmp3:
0x86: {  	s8 =	sadd.s32 $0x2980, s16;
	[sflag:s28] =	ssyncadd.s32 $0xFFFFF000;
	(pc) =	sbr.rel @!p1 .LBB2_3-.Ltmp3, $4  }
0x87: {  	[spmem:s3] =	stream.indirect.scatter.add.f32 [tilespmem:s23], [sflag:$0x5], $0x20, s8, s17, $0xb8;
	[tilespmem:$0xE000] =	vst v63  }
0x88: {  	_ =	swait.ge [sflag:s15], $0x1000  }
0x89: {  	[sflag:s15] =	ssyncset.done $0x0  }
0x8a: {  	s16 =	sadd.s32 $0x380, s16;
	[sflag:s15] =	ssyncadd.s32 $0xFFFFF000  }
.Ltmp4:
0x8b: {  	(pc) =	sbr.rel .LBB2_8-.Ltmp4, $3  }
0x8c: {  	_ =	sdelay $0x1  }
0x8d: {  	[tilespmem:s23], [sflag:$0x4] =	stream.indirect.gather [hbm4b:s1+s17], $0x20, s16, s17, $0xb8;
	[tilespmem:$0xE000] =	vst v63  }
0x8e: {  	s7 =	rddreg [dreg:$0x4]  }
.LBB2_5:
0x8f: {  	[tilespmem:s18], [sflag:$0x1] =	stream.indirect.gather [hbm4b:s5+s17], $0x20, s7, s17, $0xb8;
	[tilespmem:$0xE000] =	vst v63  }
0x90: {  	_ = 	snop  }
0x91: {  	[tilespmem:s19], [sflag:$0x2] =	stream.indirect.gather [hbm4b:s5+s17], $0x20, s17, s17, $0xb8;
	[tilespmem:$0xE000] =	vst v63  }
0x92: {  	_ = 	snop  }
0x93: {  	[tilespmem:s21], [sflag:$0x3] =	stream.indirect.gather [hbm4b:s5+s17], $0x20, s20, s17, $0xb8;
	[tilespmem:$0xE000] =	vst v63  }
0x94: {  	_ = 	snop  }
0x95: {  	[tilespmem:s23], [sflag:$0x4] =	stream.indirect.gather [hbm4b:s5+s17], $0x20, s22, s17, $0xb8;
	[tilespmem:$0xE000] =	vst v63  }
0x96: {  	_ =	swait.ge [sflag:s24], $0x1000  }
0x97: {  	[sflag:s24] =	ssyncset.done $0x0  }
0x98: {  	s16 =	simm.s32 $0x2800;
	[sflag:s24] =	ssyncadd.s32 $0xFFFFF000  }
0x99: {  	[spmem:s3] =	stream.indirect.scatter.add.f32 [tilespmem:s18], [sflag:$0x5], $0x20, s16, s17, $0xb8;
	[tilespmem:$0xE000] =	vst v63  }
0x9a: {  	_ =	swait.ge [sflag:s15], $0x1000  }
0x9b: {  	[sflag:s15] =	ssyncset.done $0x0  }
0x9c: {  	s8 =	simm.s32 $0x200;
	[sflag:s15] =	ssyncadd.s32 $0xFFFFF000  }
0x9d: {  	[tilespmem:s18], [sflag:$0x1] =	stream.indirect.gather [hbm4b:s5+s17], $0x20, s8, s17, $0xb8;
	[tilespmem:$0xE000] =	vst v63  }
0x9e: {  	_ =	swait.ge [sflag:s25], $0x1000  }
0x9f: {  	[sflag:s25] =	ssyncset.done $0x0  }
0xa0: {  	s16 =	simm.s32 $0x2880;
	[sflag:s25] =	ssyncadd.s32 $0xFFFFF000  }
0xa1: {  	[spmem:s3] =	stream.indirect.scatter.add.f32 [tilespmem:s19], [sflag:$0x5], $0x20, s16, s17, $0xb8;
	[tilespmem:$0xE000] =	vst v63  }
0xa2: {  	_ =	swait.ge [sflag:s15], $0x1000  }
0xa3: {  	[sflag:s15] =	ssyncset.done $0x0  }
0xa4: {  	s8 =	simm.s32 $0x280;
	[sflag:s15] =	ssyncadd.s32 $0xFFFFF000  }
0xa5: {  	[tilespmem:s19], [sflag:$0x2] =	stream.indirect.gather [hbm4b:s5+s17], $0x20, s8, s17, $0xb8;
	[tilespmem:$0xE000] =	vst v63  }
0xa6: {  	_ =	swait.ge [sflag:s26], $0x1000  }
0xa7: {  	[sflag:s26] =	ssyncset.done $0x0  }
0xa8: {  	s16 =	simm.s32 $0x2900;
	[sflag:s26] =	ssyncadd.s32 $0xFFFFF000  }
0xa9: {  	[spmem:s3] =	stream.indirect.scatter.add.f32 [tilespmem:s21], [sflag:$0x5], $0x20, s16, s17, $0xb8;
	[tilespmem:$0xE000] =	vst v63  }
0xaa: {  	_ =	swait.ge [sflag:s15], $0x1000  }
0xab: {  	[sflag:s15] =	ssyncset.done $0x0  }
0xac: {  	s8 =	simm.s32 $0x300;
	[sflag:s15] =	ssyncadd.s32 $0xFFFFF000  }
0xad: {  	[tilespmem:s21], [sflag:$0x3] =	stream.indirect.gather [hbm4b:s5+s17], $0x20, s8, s17, $0xb8;
	[tilespmem:$0xE000] =	vst v63  }
0xae: {  	_ =	swait.ge [sflag:s28], $0x1000  }
0xaf: {  	[sflag:s28] =	ssyncset.done $0x0  }
0xb0: {  	s16 =	simm.s32 $0x2980;
	[sflag:s28] =	ssyncadd.s32 $0xFFFFF000  }
0xb1: {  	[spmem:s3] =	stream.indirect.scatter.add.f32 [tilespmem:s23], [sflag:$0x5], $0x20, s16, s17, $0xb8;
	[tilespmem:$0xE000] =	vst v63  }
0xb2: {  	_ =	swait.ge [sflag:s15], $0x1000  }
0xb3: {  	[sflag:s15] =	ssyncset.done $0x0  }
0xb4: {  	s7 =	simm.s32 $0x800;
	s16 =	simm.s32 $0x380;
	[sflag:s15] =	ssyncadd.s32 $0xFFFFF000  }
.LBB2_6:
0xb5: {  	[tilespmem:s23], [sflag:$0x4] =	stream.indirect.gather [hbm4b:s5+s17], $0x20, s16, s17, $0xb8;
	[tilespmem:$0xE000] =	vst v63  }
0xb6: {  	s8 =	smov.u32 s7  }
0xb7: {  	p1 =	sne.s32 s7, $0x9000;
	s7 =	sadd.s32 $0x800, s7;
	_ =	swait.ge [sflag:s24], $0x1000  }
0xb8: {  	s16 =	sshra.s32 s8, $0x2;
	[sflag:s24] =	ssyncset.done $0x0  }
0xb9: {  	s8 =	sadd.s32 $0x2800, s16;
	[sflag:s24] =	ssyncadd.s32 $0xFFFFF000  }
0xba: {  	[spmem:s3] =	stream.indirect.scatter.add.f32 [tilespmem:s18], [sflag:$0x5], $0x20, s8, s17, $0xb8;
	[tilespmem:$0xE000] =	vst v63  }
0xbb: {  	_ =	swait.ge [sflag:s15], $0x1000  }
0xbc: {  	[sflag:s15] =	ssyncset.done $0x0  }
0xbd: {  	s8 =	sadd.s32 $0x200, s16;
	[sflag:s15] =	ssyncadd.s32 $0xFFFFF000  }
0xbe: {  	[tilespmem:s18], [sflag:$0x1] =	stream.indirect.gather [hbm4b:s5+s17], $0x20, s8, s17, $0xb8;
	[tilespmem:$0xE000] =	vst v63  }
0xbf: {  	_ =	swait.ge [sflag:s25], $0x1000  }
0xc0: {  	[sflag:s25] =	ssyncset.done $0x0  }
0xc1: {  	s8 =	sadd.s32 $0x2880, s16;
	[sflag:s25] =	ssyncadd.s32 $0xFFFFF000  }
0xc2: {  	[spmem:s3] =	stream.indirect.scatter.add.f32 [tilespmem:s19], [sflag:$0x5], $0x20, s8, s17, $0xb8;
	[tilespmem:$0xE000] =	vst v63  }
0xc3: {  	_ =	swait.ge [sflag:s15], $0x1000  }
0xc4: {  	[sflag:s15] =	ssyncset.done $0x0  }
0xc5: {  	s8 =	sadd.s32 $0x280, s16;
	[sflag:s15] =	ssyncadd.s32 $0xFFFFF000  }
0xc6: {  	[tilespmem:s19], [sflag:$0x2] =	stream.indirect.gather [hbm4b:s5+s17], $0x20, s8, s17, $0xb8;
	[tilespmem:$0xE000] =	vst v63  }
0xc7: {  	_ =	swait.ge [sflag:s26], $0x1000  }
0xc8: {  	[sflag:s26] =	ssyncset.done $0x0  }
0xc9: {  	s8 =	sadd.s32 $0x2900, s16;
	[sflag:s26] =	ssyncadd.s32 $0xFFFFF000  }
0xca: {  	[spmem:s3] =	stream.indirect.scatter.add.f32 [tilespmem:s21], [sflag:$0x5], $0x20, s8, s17, $0xb8;
	[tilespmem:$0xE000] =	vst v63  }
0xcb: {  	_ =	swait.ge [sflag:s15], $0x1000  }
0xcc: {  	[sflag:s15] =	ssyncset.done $0x0  }
0xcd: {  	s8 =	sadd.s32 $0x300, s16;
	[sflag:s15] =	ssyncadd.s32 $0xFFFFF000  }
0xce: {  	[tilespmem:s21], [sflag:$0x3] =	stream.indirect.gather [hbm4b:s5+s17], $0x20, s8, s17, $0xb8;
	[tilespmem:$0xE000] =	vst v63  }
0xcf: {  	_ =	swait.ge [sflag:s28], $0x1000  }
0xd0: {  	[sflag:s28] =	ssyncset.done $0x0  }
.Ltmp5:
0xd1: {  	s8 =	sadd.s32 $0x2980, s16;
	[sflag:s28] =	ssyncadd.s32 $0xFFFFF000;
	(pc) =	sbr.rel @p1 .LBB2_6-.Ltmp5, $4  }
0xd2: {  	[spmem:s3] =	stream.indirect.scatter.add.f32 [tilespmem:s23], [sflag:$0x5], $0x20, s8, s17, $0xb8;
	[tilespmem:$0xE000] =	vst v63  }
0xd3: {  	_ =	swait.ge [sflag:s15], $0x1000  }
0xd4: {  	[sflag:s15] =	ssyncset.done $0x0  }
0xd5: {  	s16 =	sadd.s32 $0x380, s16;
	[sflag:s15] =	ssyncadd.s32 $0xFFFFF000  }
.Ltmp6:
0xd6: {  	_ = 	snop;
	(pc) =	sbr.rel .LBB2_7-.Ltmp6, $1  }
0xd7: {  	_ =	sdelay $0x3  }
.LBB2_9:
0xd8: {  	_ =	sfence.sel $0x180000  }
0xd9: {  	[bflag:$0x0] =	sbarrier.arrive $0xFFFF  }
0xda: {  	_ =	strace $0x9000004D  }
0xdb: {  	s0 =	stileid.u32;
	[bflag:$0x2] =	sbarrier.arrive $0xFFFF  }
0xdc: {  	p0 =	sne.s32 s0, $0x0;
	s0 =	rddreg [dreg:$0x3]  }
0xdd: {  	s0 =	sadd.s32 @!p0 $0x100000, s0  }
0xde: {  	[sflag:s0] =	ssyncadd.tile.s32 @!p0 $0x1;
	_ =	shalt  }
.Lfunc_end2:
_tile_overlayer_lowered:
.L_overlay_start_2:
0xdf: {  	(tag) =	ssettag $0x2  }
0xe0: {  	s0 =	rddreg [dreg:$0x0];
	s2 =	stileid.u32  }
0xe1: {  	s1 =	rddreg [dreg:$0x1];
	p0 =	sne.s32 s2, $0x0  }
0xe2: {  	s3 =	rddreg [dreg:$0x2];
	[bflag:$0x3] =	sbarrier.arrive $0xFFFF;
	s2 =	simm.s32 @!p0 $0x1C05  }
0xe3: {  	[timem:s3], [sflag:s2] =	dma.local @!p0 [hbm:s0], s1  }
0xe4: {  	s0 =	simm.s32 @!p0 $0x5  }
0xe5: {  	_ =	swait.ge @!p0 [sflag:s0], s1  }
0xe6: {  	s1 =	ssub.s32 @!p0 $0x0, s1;
	[sflag:s0] =	ssyncset.done @!p0 $0x0  }
0xe7: {  	[sflag:s0] =	ssyncadd.s32 @!p0 s1  }
0xe8: {  	[bflag:$0x3] =	sbarrier.arrive $0xFFFF  }
0xe9: {  	_ =	shalt  }

// kernel: kernel.8.cloned.1.call-start
scs
__scs_entry_jumppad:
0x0: {  	(pc) =	sbr.rel $0x88, $3  }
0x1: {  	(tag) =	ssettag $0x0;
	lr =	simm.s32 $0x1  }
0x2: {  	[smem:$0x3F9B] =	sst lr;
	_ =	strace $0xD0000000  }
0x3: {  	_ = 	snop  }
0x4: {  	_ = 	snop  }
0x5: {  	_ = 	snop  }
0x6: {  	_ = 	snop  }
0x7: {  	_ = 	snop  }
__scs_overlays_trampoline_lowered:
0x8: {  	[smem:$0x3FAA] =	sst s0  }
0x9: {  	[smem:$0x3FAB] =	sst s1  }
0xa: {  	[smem:$0x3FAC] =	sst s2  }
0xb: {  	[smem:$0x3FAD] =	sst s3  }
0xc: {  	[smem:$0x3FAE] =	sst s4  }
0xd: {  	[smem:$0x3FAF] =	sst s5  }
0xe: {  	[smem:$0x3FB0] =	sst s6  }
0xf: {  	[smem:$0x3FB1] =	sst s7  }
0x10: {  	[smem:$0x3FB2] =	sst s8  }
0x11: {  	[smem:$0x3FB3] =	sst s9;
	s0 =	simm.s32 @!p0 $0x0  }
0x12: {  	s1 =	sld [smem:$0x3F99];
	s0 =	simm.s32 @p0 $0x1  }
0x13: {  	[smem:$0x3FB4] =	sst s0;
	s0 =	simm.s32 @!p1 $0x0  }
0x14: {  	s2 =	sld [smem:$0x3F98];
	s0 =	simm.s32 @p1 $0x1  }
0x15: {  	[smem:$0x3FB5] =	sst s0;
	s0 =	simm.s32 @!p2 $0x0  }
0x16: {  	s3 =	sld [smem:$0x3FDB];
	s0 =	simm.s32 @p2 $0x1  }
0x17: {  	s4 =	simm.s32 $0x1BF5;
	[smem:$0x3FB7] =	sst s0  }
0x18: {  	s0 =	sld [smem:$0x3F9A];
	_ =	swait.ge [sflag:s4], $0x0  }
0x19: {  	s7 =	sld [smem:$0x3F9B]  }
0x1a: {  	s8 =	sadd.s32 $0xFFFFE003, lr  }
0x1b: {  	s9 =	sadd.s32 $0xFFFFFEF7, lr;
	s5 =	simm.s32 $0xFFFFFFFF;
	p2 =	slt.u32 s8, $0xFFFFF086  }
0x1c: {  	p1 =	slt.u32 s9, $0xF7A;
	s5 =	simm.s32 @!p2 $0x0  }
0x1d: {  	s5 =	simm.s32 @p1 $0x1;
	p0 =	seq.s32 s7, s2  }
0x1e: {  	s7 =	smul.u32 @!p0 $0xF7A, s2;
	p2 =	seq.s32 @!p0 s5, $0x0  }
0x1f: {  	s9 =	smul.u32 $0xF7A, s1;
	s8 =	simm.s32 @!p0 $0x1BF5;
	p2 =	por !p2, p0  }
0x20: {  	[sflag:s8] =	ssyncset.s32 @!p0 $0xFFFFF086;
	s6 =	sadd.s32 @!p0 s3, s7;
	s7 =	simm.s32 @!p0 $0x108  }
0x21: {  	s3 =	sadd.s32 s3, s9;
	s6 =	sadd.s32 @!p0 $0x88, s6;
	s7 =	simm.s32 @p2 $0x1082  }
0x22: {  	[simem:s7], [sflag:s8] =	dma.local @!p0 [hbm:s6], $0xF7A  }
0x23: {  	s9 =	sor.u32 $0xD0000000, s2;
	s6 =	simm.s32 $0x108;
	_ =	swait.ge @!p0 [sflag:s8], $0x0  }
0x24: {  	s3 =	sadd.s32 $0x88, s3;
	s6 =	simm.s32 @!p1 $0x1082;
	[sflag:s4] =	ssyncset.s32 $0xFFFFF086  }
0x25: {  	[simem:s6], [sflag:s4] =	dma.local [hbm:s3], $0xF7A  }
0x26: {  	[smem:$0x3F9B] =	sst s1;
	(tag) =	ssettag s2;
	_ =	strace s9  }
0x27: {  	s1 =	sld [smem:$0x3FAB]  }
0x28: {  	s2 =	sld [smem:$0x3FAC]  }
0x29: {  	s4 =	sld [smem:$0x3FAE]  }
0x2a: {  	p0 =	seq.s32 s5, $0x0;
	s5 =	sld [smem:$0x3FAF]  }
0x2b: {  	s6 =	sld [smem:$0x3FB0]  }
0x2c: {  	s7 =	sld [smem:$0x3FB1]  }
0x2d: {  	s3 =	simm.s32 $0x108;
	s8 =	sld [smem:$0x3FB2]  }
0x2e: {  	s3 =	simm.s32 @!p0 $0x1082;
	s9 =	sld [smem:$0x3FB3]  }
0x2f: {  	lr =	sadd.s32 s0, s3;
	s0 =	sld [smem:$0x3FAA]  }
0x30: {  	s3 =	sld [smem:$0x3FAD]  }
0x31: {  	[smem:$0x3FB6] =	sst s10  }
0x32: {  	s10 =	sld [smem:$0x3FB4];
	_ =	sdelay $0x3  }
0x33: {  	p0 =	seq.s32 s10, $0x1;
	s10 =	sld [smem:$0x3FB6];
	_ =	sdelay $0x3  }
0x34: {  	[smem:$0x3FB6] =	sst s10  }
0x35: {  	s10 =	sld [smem:$0x3FB5];
	_ =	sdelay $0x3  }
0x36: {  	p1 =	seq.s32 s10, $0x1;
	s10 =	sld [smem:$0x3FB6];
	_ =	sdelay $0x3  }
0x37: {  	[smem:$0x3FB6] =	sst s10  }
0x38: {  	s10 =	sld [smem:$0x3FB7]  }
0x39: {  	_ = 	snop;
	(pc) =	sbr.ind lr, $3  }
0x3a: {  	_ = 	snop  }
0x3b: {  	_ = 	snop  }
0x3c: {  	p2 =	seq.s32 s10, $0x1;
	s10 =	sld [smem:$0x3FB6]  }
0x3d: {  	_ =	shalt  }
0x3e: {  	_ =	shalt  }
0x3f: {  	_ =	shalt  }
0x40: {  	_ =	shalt  }
0x41: {  	_ =	shalt  }
0x42: {  	_ =	shalt  }
0x43: {  	_ =	shalt  }
0x44: {  	_ =	shalt  }
0x45: {  	_ =	shalt  }
0x46: {  	_ =	shalt  }
0x47: {  	_ =	shalt  }
0x48: {  	_ =	shalt  }
0x49: {  	_ =	shalt  }
0x4a: {  	_ =	shalt  }
0x4b: {  	_ =	shalt  }
0x4c: {  	_ =	shalt  }
0x4d: {  	_ =	shalt  }
0x4e: {  	_ =	shalt  }
0x4f: {  	_ =	shalt  }
0x50: {  	_ =	shalt  }
0x51: {  	_ =	shalt  }
0x52: {  	_ =	shalt  }
0x53: {  	_ =	shalt  }
0x54: {  	_ =	shalt  }
0x55: {  	_ =	shalt  }
0x56: {  	_ =	shalt  }
0x57: {  	_ =	shalt  }
0x58: {  	_ =	shalt  }
0x59: {  	_ =	shalt  }
0x5a: {  	_ =	shalt  }
0x5b: {  	_ =	shalt  }
0x5c: {  	_ =	shalt  }
0x5d: {  	_ =	shalt  }
0x5e: {  	_ =	shalt  }
0x5f: {  	_ =	shalt  }
0x60: {  	_ =	shalt  }
0x61: {  	_ =	shalt  }
0x62: {  	_ =	shalt  }
0x63: {  	_ =	shalt  }
0x64: {  	_ =	shalt  }
0x65: {  	_ =	shalt  }
0x66: {  	_ =	shalt  }
0x67: {  	_ =	shalt  }
0x68: {  	_ =	shalt  }
0x69: {  	_ =	shalt  }
0x6a: {  	_ =	shalt  }
0x6b: {  	_ =	shalt  }
0x6c: {  	_ =	shalt  }
0x6d: {  	_ =	shalt  }
0x6e: {  	_ =	shalt  }
0x6f: {  	_ =	shalt  }
0x70: {  	_ =	shalt  }
0x71: {  	_ =	shalt  }
0x72: {  	_ =	shalt  }
0x73: {  	_ =	shalt  }
0x74: {  	_ =	shalt  }
0x75: {  	_ =	shalt  }
0x76: {  	_ =	shalt  }
0x77: {  	_ =	shalt  }
0x78: {  	_ =	shalt  }
0x79: {  	_ =	shalt  }
0x7a: {  	_ =	shalt  }
0x7b: {  	_ =	shalt  }
0x7c: {  	_ =	shalt  }
0x7d: {  	_ =	shalt  }
0x7e: {  	_ =	shalt  }
0x7f: {  	_ =	shalt  }
0x80: {  	_ =	shalt  }
0x81: {  	_ =	shalt  }
0x82: {  	_ =	shalt  }
0x83: {  	_ =	shalt  }
0x84: {  	_ =	shalt  }
0x85: {  	_ =	shalt  }
0x86: {  	_ =	shalt  }
0x87: {  	_ =	shalt  }
.Lfunc_end0:
.L_simem_size_0:
called_computation_lowered:
.L_overlay_start_0:
0x88: {  	s2 =	sld [smem:$0x3FD9]  }
0x89: {  	s3 =	sld [smem:$0x3FFE];
	_ =	sdelay $0x1  }
0x8a: {  	s1 =	srdreg.scid  }
0x8b: {  	s0 =	sand.u32 $0x1, s1  }
0x8c: {  	s17 =	sshll.u32 s0, $0xA;
	s2 =	sadd.s32 s3, s2  }
0x8d: {  	s2 =	sadd.s32 s2, s17  }
0x8e: {  	[smem:$0x3FC2] =	sst s2  }
0x8f: {  	_ = 	snop  }
0x90: {  	s2 =	sld [smem:$0x3FD0];
	(tm) =	ssettm $0x1  }
0x91: {  	s18 =	sld [smem:$0x3FFB];
	_ =	sdelay $0x3  }
0x92: {  	_ =	strace s18  }
0x93: {  	s3 =	sld [smem:$0x3FFC];
	_ =	sdelay $0x3  }
0x94: {  	_ =	strace s3  }
0x95: {  	s3 =	sld [smem:$0x3FFD];
	_ =	sdelay $0x3  }
0x96: {  	_ =	strace s3  }
0x97: {  	_ =	strace $0x8FFFFFFF  }
0x98: {  	s19 =	sld [smem:$0x3FDB];
	_ =	sdelay $0x1  }
0x99: {  	s4 =	simm.s32 $_scs_section_size  }
0x9a: {  	s5 =	simm.s32 $_size__tile_overlayer_lowered;
	s6 =	simm.s32 $_tile_overlayer_lowered  }
0x9b: {  	s22 =	simm.s32 $0x1BFF;
	s21 =	sshll.u32 s6, $0x1;
	s3 =	sadd.s32 s4, s19  }
0x9c: {  	s7 =	simm.s32 $0x0;
	s20 =	sshll.u32 s5, $0x1;
	s5 =	sadd.s32 s21, s3  }
0x9d: {  	[timem:s7], [sflag:s22] =	dma.local [hbm:s5], s20  }
0x9e: {  	_ =	swait.ge [sflag:s22], s20  }
0x9f: {  	s4 =	ssub.s32 $0x0, s20;
	[sflag:s22] =	ssyncset.done $0x0  }
0xa0: {  	[sflag:s22] =	ssyncadd.s32 s4;
	_ =	sdelay $0x1  }
0xa1: {  	s23 =	simm.s32 $0x1B8B  }
0xa2: {  	_ =	swait.ge [sflag:s23], $0x1  }
0xa3: {  	[sflag:s23] =	ssyncset.done $0x0  }
0xa4: {  	s25 =	simm.s32 $0x1B8E;
	s24 =	sld [smem:$0x3FFE];
	[sflag:s23] =	ssyncadd.s32 $0xFFFFFFFF  }
0xa5: {  	s26 =	simm.s32 $execute0_lowered;
	[smem:$0x3FD2] =	sst s25  }
0xa6: {  	s5 =	sshll.u32 s26, $0x1;
	_ =	strace $0x80000046;
	[dreg:$0x1] =	wrdreg $0xFFFFFFFF  }
0xa7: {  	s28 =	simm.s32 $_size_execute0_lowered;
	s3 =	sadd.s32 s3, s5;
	[dreg:$0x0] =	wrdreg $0x0  }
0xa8: {  	s5 =	sshll.u32 s28, $0x1;
	[dreg:$0x2] =	wrdreg s3  }
0xa9: {  	[dreg:$0x3] =	wrdreg s5  }
0xaa: {  	[dreg:$0x4] =	wrdreg $0xC0  }
0xab: {  	_ =	task [dreg:s7], $0x5FFFF  }
0xac: {  	[dreg:$0x1] =	wrdreg $0xFFFFFFFF  }
0xad: {  	[dreg:$0x0] =	wrdreg $0x60  }
0xae: {  	[dreg:$0x2] =	wrdreg s24  }
0xaf: {  	[dreg:$0x3] =	wrdreg s2  }
0xb0: {  	[dreg:$0x4] =	wrdreg $0x9  }
0xb1: {  	_ =	task.clear_ibuf [dreg:s7], $0x5FFFF;
	_ =	strace $0x90000046  }
0xb2: {  	s29 =	simm.s32 $0x9;
	_ =	strace $0x80000048  }
0xb3: {  	_ =	swait.ge [sflag:s29], $0x1  }
0xb4: {  	[sflag:s29] =	ssyncadd.s32 $0xFFFFFFFF  }
0xb5: {  	_ =	strace $0x90000048  }
0xb6: {  	_ =	sfence  }
0xb7: {  	s30 =	sld [smem:$0x0];
	_ =	sdelay $0x2  }
0xb8: {  	s31 =	sshll.u32 s1, $0xD;
	s1 =	sshrl.u32 s1, $0x2  }
0xb9: {  	s3 =	sand.u32 $0x4000, s31;
	s1 =	sadd.s32 s1, s30  }
0xba: {  	s0 =	sor.u32 s3, s0;
	s1 =	sshll.u32 s1, $0x11  }
0xbb: {  	s0 =	sor.u32 s1, s0  }
0xbc: {  	s0 =	sadd.s32 $0x8F2B, s0  }
0xbd: {  	[sflag:s0] =	ssyncadd.remote.s32 $0x1  }
0xbe: {  	_ =	sfence.sel $0xFFFF  }
0xbf: {  	[dreg:$0x0] =	wrdreg $0xFFFFFFFF;
	(pc) =	sbr.abs _section_cstart, $3  }
0xc0: {  	[dreg:$0x1] =	wrdreg $0xFFFFFFFF  }
0xc1: {  	_ =	task.clear_ibuf [dreg:s7], $0x2FFFF;
	_ =	strace $0x9FFFFFFF  }
0xc2: {  	(tm) =	ssettm $0x7FFFFFFF  }
0xc3: {  	_ =	shalt  }
tec
execute0_lowered:
.L_overlay_start_1:
0x0: {  	(tag) =	ssettag $0x1  }
0x1: {  	s3 =	rddreg [dreg:$0x0]  }
0x2: {  	s1 =	srdreg.scid;
	s0 =	stileid.u32  }
0x3: {  	s6 =	rddreg [dreg:$0x1];
	s2 =	simm.s32 $0x0;
	s10 =	simm.s32 $0x2800  }
0x4: {  	s11 =	simm.s32 $0x80;
	s12 =	simm.s32 $0x400;
	s13 =	simm.s32 $0x0  }
0x5: {  	s4 =	sand.u32 $0x1, s1;
	s5 =	sshll.u32 s0, $0x1;
	s8 =	sshrl.u32 s0, $0x2  }
0x6: {  	s1 =	rddreg [dreg:$0x2];
	s5 =	sor.u32 s4, s5;
	s8 =	smul.u32 $0x14000, s8  }
0x7: {  	[smem:$0x7FF] =	sst s2;
	s4 =	ssub.s32 $0x2, s4;
	s7 =	smul.u32 $0x280, s5  }
0x8: {  	_ =	strace $0x80000047;
	s5 =	sshll.u32 s5, $0x7;
	s9 =	sshrl.u32 s4, $0x1  }
0x9: {  	s5 =	sand.u32 $0x380, s5;
	s9 =	ssub.s32 s4, s9;
	s7 =	sadd.s32 s7, s3  }
0xa: {  	s5 =	sor.u32 s8, s5;
	s3 =	sadd.s32 $0x7800, s7;
	s4 =	sadd.s32 $0x2800, s7  }
0xb: {  	s8 =	sshrl.u32 s5, $0x3;
	s5 =	sadd.s32 $0xC800, s7;
	s7 =	smax.u32 s9, $0x1  }
0xc: {  	v0 =	vimm.f32 $0.0e+00;
	v1 =	vimm.f32 $1.000000000e+00;
	s9 =	simm.s32 $0x1400;
	s6 =	sadd.s32 s6, s8;
	s8 =	simm.s32 $0x1  }
.LBB2_1:
0xd: {  	[tilespmem:s2], [sflag:$0x1] =	stream.linear.gather [hbm4b:s3+s2], $0x1400, $0x38;
	[tilespmem:$0x5000] =	vst v63  }
0xe: {  	_ =	swait.ge [sflag:s8], $0x1400  }
0xf: {  	[sflag:s8] =	ssyncset.done $0x0  }
0x10: {  	[sflag:s8] =	ssyncadd.s32 $0xFFFFEC00  }
0x11: {  	[tilespmem:s9], [sflag:$0x1] =	stream.linear.gather [hbm4b:s4+s2], $0x1400, $0x38;
	[tilespmem:$0x5000] =	vst v63  }
0x12: {  	_ =	swait.ge [sflag:s8], $0x1400  }
0x13: {  	[sflag:s8] =	ssyncset.done $0x0  }
0x14: {  	s14 =	simm.s32 $0x0;
	[sflag:s8] =	ssyncadd.s32 $0xFFFFEC00  }
.LBB2_2:
0x15: {  	p0 =	sne.s32 s14, $0x9FC0  }
.Ltmp0:
0x16: {  	_ = 	snop;
	(pc) =	sbr.rel @p0 .LBB2_2-.Ltmp0, $3  }
0x17: {  	_ =	sdelay $0x1  }
0x18: {  	s15 =	sshra.s32 s14, $0x2  }
0x19: {  	s14 =	sadd.s32 $0x40, s14;
	[tilespmem:s15+$0x2800] =	vst v0  }
0x1a: {  	s14 =	simm.s32 $0x0  }
0x1b: {  	v2 =	vld [tilespmem:s14+$0x1400]  }
0x1c: {  	s15 =	simm.s32 $0x40;
	v3 =	vld [tilespmem:s14+$0x0]  }
.LBB2_4:
0x1d: {  	p0 =	sne.s32 s15, $0x4FC0;
	_ =	sdelay $0x3  }
0x1e: {  	vm0 =	veq.s32 v3, v2  }
0x1f: {  	v3 =	vsel vm0, $0x2710, v3;
	_ =	sdelay $0x2  }
.Ltmp1:
0x20: {  	(pc) =	sbr.rel @p0 .LBB2_4-.Ltmp1, $4  }
0x21: {  	_ = 	snop  }
0x22: {  	s16 =	sshra.s32 s15, $0x2;
	[tilespmem:v3+s10+$0x0] =	vst.idx.add.f32.msk $0xffff, v1  }
0x23: {  	v2 =	vld [tilespmem:s16+$0x1400];
	[tilespmem:s14+$0x0] =	vst v3;
	s14 =	smov.u32 s16  }
0x24: {  	s15 =	sadd.s32 $0x40, s15;
	v3 =	vld [tilespmem:s14+$0x0]  }
0x25: {  	_ =	sdelay $0x3  }
0x26: {  	vm0 =	veq.s32 v3, v2  }
0x27: {  	v2 =	vsel vm0, $0x2710, v3;
	_ =	sdelay $0x4  }
0x28: {  	[tilespmem:v2+s10+$0x0] =	vst.idx.add.f32.msk $0xffff, v1  }
0x29: {  	[tilespmem:s14+$0x0] =	vst v2  }
0x2a: {  	[hbm4b:s5+s2] =	stream.linear.scatter [tilespmem:s2], [sflag:$0x1], $0x1400, $0x38;
	[tilespmem:$0x5000] =	vst v63  }
0x2b: {  	s13 =	sadd.s32 $0x1, s13;
	_ =	swait.ge [sflag:s8], $0x1400  }
0x2c: {  	p0 =	sne.s32 s13, s7;
	[sflag:s8] =	ssyncset.done $0x0  }
.Ltmp2:
0x2d: {  	[sflag:s8] =	ssyncadd.s32 $0xFFFFEC00;
	(pc) =	sbr.rel @p0 .LBB2_1-.Ltmp2, $4  }
0x2e: {  	[hbm4b:s6+s11] =	stream.strided.scatter [tilespmem:s10], [sflag:$0x1], $0x2800, s12, s11, $0x38;
	[tilespmem:$0x5000] =	vst v63  }
0x2f: {  	_ =	swait.ge [sflag:s8], $0x2800  }
0x30: {  	[sflag:s8] =	ssyncset.done $0x0  }
0x31: {  	[sflag:s8] =	ssyncadd.s32 $0xFFFFD800  }
0x32: {  	_ =	sfence.sel $0x180000  }
0x33: {  	[bflag:$0x0] =	sbarrier.arrive $0xFFFF  }
0x34: {  	p0 =	sne.s32 s0, $0x0;
	_ =	strace $0x90000047  }
0x35: {  	s0 =	sadd.s32 @!p0 $0x100000, s1;
	[bflag:$0x2] =	sbarrier.arrive $0xFFFF  }
0x36: {  	[sflag:s0] =	ssyncadd.tile.s32 @!p0 $0x1;
	_ =	shalt  }
.Lfunc_end2:
_tile_overlayer_lowered:
.L_overlay_start_2:
0x37: {  	(tag) =	ssettag $0x2  }
0x38: {  	s0 =	rddreg [dreg:$0x0];
	s2 =	stileid.u32  }
0x39: {  	s1 =	rddreg [dreg:$0x1];
	p0 =	sne.s32 s2, $0x0  }
0x3a: {  	s3 =	rddreg [dreg:$0x2];
	[bflag:$0x3] =	sbarrier.arrive $0xFFFF;
	s2 =	simm.s32 @!p0 $0x1C01  }
0x3b: {  	[timem:s3], [sflag:s2] =	dma.local @!p0 [hbm:s0], s1  }
0x3c: {  	s0 =	simm.s32 @!p0 $0x1  }
0x3d: {  	_ =	swait.ge @!p0 [sflag:s0], s1  }
0x3e: {  	s1 =	ssub.s32 @!p0 $0x0, s1;
	[sflag:s0] =	ssyncset.done @!p0 $0x0  }
0x3f: {  	[sflag:s0] =	ssyncadd.s32 @!p0 s1  }
0x40: {  	[bflag:$0x3] =	sbarrier.arrive $0xFFFF  }
0x41: {  	_ =	shalt  }

</sc_bundles>
